<compile_context>
chip_gen: v7x
topology: tpu7x:2x2x1
jax: 0.10.2.dev20260603
libtpu: 0.0.44.dev20260713+nightly
codegen_flags: <defaults>
</compile_context>

<pallas_src>
import functools

import jax
import jax.numpy as jnp
from jax import lax
from jax.experimental import pallas as pl
from jax.experimental.pallas import tpu as pltpu
from jax.experimental.pallas import tpu_sc as plsc

N = 10000
D = 128
E = 320000
K = 128

NC = 2
NS = 16
NW = NC * NS
EPW = E // NW
CH = 48
NCHUNK = 210
EPWP = NCHUNK * CH
NPAD = N + 8
RB = 624
ZCH = 48

_SC_PARAMS = pltpu.CompilerParams(needs_layout_passes=False)


@functools.lru_cache(maxsize=None)
def _mesh():
    return plsc.VectorSubcoreMesh(core_axis_name="c", subcore_axis_name="s")


def _p1_body(dst_hbm, w_hbm, deg_hbm, deg_v, dst_v, w_v):
    c = lax.axis_index("c")
    s = lax.axis_index("s")
    wid = s * NC + c

    ebase = wid * EPW
    pltpu.sync_copy(dst_hbm.at[pl.ds(ebase, EPW)], dst_v)
    pltpu.sync_copy(w_hbm.at[pl.ds(ebase, EPW)], w_v)

    @plsc.parallel_loop(0, N // 16, unroll=8)
    def _(i):
        deg_v[i, pl.ds(0, 16)] = jnp.zeros((16,), jnp.float32)

    @plsc.parallel_loop(0, EPW, step=16, unroll=4)
    def _(j):
        d16 = dst_v[pl.ds(j, 16)]
        w16 = w_v[pl.ds(j, 16)]
        row = lax.shift_right_logical(d16, 4)
        col = lax.bitwise_and(d16, 15)
        plsc.addupdate_scatter(deg_v, [row, col], w16)

    pltpu.sync_copy(deg_v, deg_hbm.at[wid])


@functools.lru_cache(maxsize=None)
def _p1():
    return pl.kernel(
        _p1_body,
        out_type=jax.ShapeDtypeStruct((NW, N // 16, 16), jnp.float32),
        mesh=_mesh(),
        scratch_types=[
            pltpu.VMEM((N // 16, 16), jnp.float32),
            pltpu.VMEM((EPW,), jnp.int32),
            pltpu.VMEM((EPW,), jnp.float32),
        ],
        compiler_params=_SC_PARAMS,
    )


def _dinv_body(parts_ref, dinv_ref):
    dinv_ref[...] = lax.rsqrt(jnp.sum(parts_ref[...], axis=0) + 1.0)


_dinv = pl.pallas_call(
    _dinv_body,
    out_shape=jax.ShapeDtypeStruct((N,), jnp.float32),
)


def _p2_body(x_hbm, pk_hbm, w_hbm, dinv_hbm, agg_hbm,
             pk_v, w_v, s_v, src0, src1, src2, dst0, dst1, dst2,
             rows0, rows1, rows2, dinv_v, acc_sh, gsems, ssems):
    c = lax.axis_index("c")
    s = lax.axis_index("s")
    wid = s * NC + c
    rows = [rows0, rows1, rows2]
    srcb = [src0, src1, src2]
    dstb = [dst0, dst1, dst2]

    pltpu.sync_copy(pk_hbm.at[wid], pk_v)
    pltpu.sync_copy(w_hbm.at[wid], w_v)
    pltpu.sync_copy(dinv_hbm, dinv_v)

    def unpack_idx(ci, b):
        for j in range(0, CH, 16):
            pk16 = pk_v[pl.ds(ci * CH + j, 16)]
            srcb[b][pl.ds(j, 16)] = lax.bitwise_and(pk16, 0xFFFF)
            dstb[b][pl.ds(j, 16)] = lax.shift_right_logical(pk16, 16)

    def issue_gather(ci, b):
        unpack_idx(ci, b)
        pltpu.async_copy(x_hbm.at[srcb[b]], rows[b], gsems.at[b])

    def wait_gather(b):
        pltpu.make_async_copy(x_hbm.at[srcb[b]], rows[b], gsems.at[b]).wait()

    def issue_scatter(b):
        pltpu.async_copy(rows[b], acc_sh.at[dstb[b]], ssems.at[b], add=True)

    def wait_scatter(b):
        pltpu.make_async_copy(rows[b], acc_sh.at[dstb[b]],
                              ssems.at[b]).wait()

    issue_gather(0, 0)
    issue_gather(1, 1)

    @pl.loop(0, ZCH)
    def _(r):
        for cc in range(0, D, 16):
            rows2[r, pl.ds(cc, 16)] = jnp.zeros((16,), jnp.float32)

    rbase = pl.multiple_of(s * RB, 8)

    @pl.loop(0, RB, step=ZCH)
    def _(r0):
        pltpu.sync_copy(rows2, acc_sh.at[pl.ds(rbase + r0, ZCH)])

    @pl.when(s == NS - 1)
    def _():
        pltpu.sync_copy(rows2.at[pl.ds(0, NPAD - NS * RB)],
                        acc_sh.at[pl.ds(NS * RB, NPAD - NS * RB)])

    plsc.subcore_barrier()

    def process(ci, b):
        wait_gather(b)

        for j in range(0, CH, 16):
            idx16 = srcb[b][pl.ds(j, 16)]
            dg = plsc.load_gather(dinv_v, [idx16])
            s_v[pl.ds(j, 16)] = w_v[pl.ds(ci * CH + j, 16)] * dg

        rv = rows[b]

        @plsc.parallel_loop(0, CH, unroll=8)
        def _(j):
            jvec = jnp.full((16,), 0, jnp.int32) + j
            sj = plsc.load_gather(s_v, [jvec])
            for cc in range(0, D, 16):
                rv[j, pl.ds(cc, 16)] = rv[j, pl.ds(cc, 16)] * sj

        issue_scatter(b)

        nxt = ci + 2

        @pl.when(nxt < NCHUNK)
        def _():
            nb = (b + 2) % 3

            @pl.when(nxt >= 3)
            def _():
                wait_scatter(nb)

            issue_gather(nxt, nb)

    @pl.loop(0, NCHUNK // 3)
    def _(ii):
        for u in range(3):
            process(ii * 3 + u, u)

    for b in (0, 1, 2):
        wait_scatter(b)

    plsc.subcore_barrier()

    @pl.loop(0, RB, step=ZCH)
    def _(r0):
        pltpu.sync_copy(acc_sh.at[pl.ds(rbase + r0, ZCH)],
                        agg_hbm.at[c, pl.ds(rbase + r0, ZCH)])

    @pl.when(s == NS - 1)
    def _():
        pltpu.sync_copy(acc_sh.at[pl.ds(NS * RB, 16)],
                        agg_hbm.at[c, pl.ds(NS * RB, 16)])


@functools.lru_cache(maxsize=None)
def _p2():
    return pl.kernel(
        _p2_body,
        out_type=jax.ShapeDtypeStruct((NC, N, D), jnp.float32),
        mesh=_mesh(),
        scratch_types=[
            pltpu.VMEM((EPWP,), jnp.int32),
            pltpu.VMEM((EPWP,), jnp.float32),
            pltpu.VMEM((CH,), jnp.float32),
            pltpu.VMEM((CH,), jnp.int32),
            pltpu.VMEM((CH,), jnp.int32),
            pltpu.VMEM((CH,), jnp.int32),
            pltpu.VMEM((CH,), jnp.int32),
            pltpu.VMEM((CH,), jnp.int32),
            pltpu.VMEM((CH,), jnp.int32),
            pltpu.VMEM((CH, D), jnp.float32),
            pltpu.VMEM((CH, D), jnp.float32),
            pltpu.VMEM((CH, D), jnp.float32),
            pltpu.VMEM((N,), jnp.float32),
            pltpu.VMEM_SHARED((NPAD, D), jnp.float32),
            pltpu.SemaphoreType.DMA((3,)),
            pltpu.SemaphoreType.DMA((3,)),
        ],
        compiler_params=_SC_PARAMS,
    )


def _wnew_body(x_ref, p_ref, wc_ref, wih_ref, whh_ref, bih_ref, bhh_ref,
               wnew_ref, s_scr, xt_scr, idx_s, topv_s):
    p = p_ref[...]
    pn = jnp.sqrt(jnp.sum(p * p))
    s_scr[...] = lax.dot_general(
        x_ref[...].astype(jnp.bfloat16), p.astype(jnp.bfloat16),
        (((1,), (0,)), ((), ())),
        preferred_element_type=jnp.float32) / pn

    lin = lax.broadcasted_iota(jnp.int32, (N,), 0)

    def sel_body(k, carry):
        sv = s_scr[...]
        m = jnp.max(sv)
        idx = jnp.min(jnp.where(sv >= m, lin, jnp.int32(N)))
        idx_s[k] = idx
        topv_s[k] = m
        s_scr[...] = jnp.where(lin == idx, -jnp.inf, sv)
        return carry

    lax.fori_loop(0, K, sel_body, 0)

    def gat_body(k, carry):
        i = idx_s[k]
        g = jnp.tanh(topv_s[k])
        xt_scr[pl.ds(k, 1), :] = x_ref[pl.ds(i, 1), :] * g
        return carry

    lax.fori_loop(0, K, gat_body, 0)

    xt = xt_scr[...]
    h = wc_ref[...]
    dn = (((1,), (1,)), ((), ()))
    gi = lax.dot_general(xt, wih_ref[...], dn, precision=lax.Precision.HIGHEST,
                         preferred_element_type=jnp.float32) + bih_ref[...][None, :]
    gh = lax.dot_general(h, whh_ref[...], dn, precision=lax.Precision.HIGHEST,
                         preferred_element_type=jnp.float32) + bhh_ref[...][None, :]
    r = jax.nn.sigmoid(gi[:, 0:D] + gh[:, 0:D])
    z = jax.nn.sigmoid(gi[:, D:2 * D] + gh[:, D:2 * D])
    n = jnp.tanh(gi[:, 2 * D:3 * D] + r * gh[:, 2 * D:3 * D])
    wnew_ref[...] = (1.0 - z) * n + z * h


_wnew = pl.pallas_call(
    _wnew_body,
    out_shape=jax.ShapeDtypeStruct((D, D), jnp.float32),
    scratch_shapes=[
        pltpu.VMEM((N,), jnp.float32),
        pltpu.VMEM((K, D), jnp.float32),
        pltpu.SMEM((K,), jnp.int32),
        pltpu.SMEM((K,), jnp.float32),
    ],
)


BR = 2000


def _out_body(x_ref, a0_ref, a1_ref, dinv_ref, wn_ref, o_ref):
    dcol = dinv_ref[...]
    t = a0_ref[...] + a1_ref[...] + dcol * x_ref[...]
    t = dcol * t
    o_ref[...] = lax.dot_general(t, wn_ref[...], (((1,), (1,)), ((), ())),
                                 precision=lax.Precision.HIGHEST,
                                 preferred_element_type=jnp.float32)


_outk = pl.pallas_call(
    _out_body,
    grid=(N // BR,),
    in_specs=[
        pl.BlockSpec((BR, D), lambda i: (i, 0)),
        pl.BlockSpec((BR, D), lambda i: (i, 0)),
        pl.BlockSpec((BR, D), lambda i: (i, 0)),
        pl.BlockSpec((BR, 1), lambda i: (i, 0)),
        pl.BlockSpec((D, D), lambda i: (0, 0)),
    ],
    out_specs=pl.BlockSpec((BR, D), lambda i: (i, 0)),
    out_shape=jax.ShapeDtypeStruct((N, D), jnp.float32),
)


def kernel(X, edge_index, edge_weight, p, W_conv, W_ih, W_hh, b_ih, b_hh):
    src = edge_index[0]
    dst = edge_index[1]
    deg_parts = _p1()(dst, edge_weight).reshape(NW, N)
    dinv = _dinv(deg_parts)
    pad = EPWP - EPW
    srcw = jnp.pad(src.reshape(NW, EPW), ((0, 0), (0, pad)))
    dstw = jnp.pad(dst.reshape(NW, EPW), ((0, 0), (0, pad)),
                   constant_values=N)
    ww = jnp.pad(edge_weight.reshape(NW, EPW), ((0, 0), (0, pad)))
    packed = srcw | (dstw << 16)
    agg = _p2()(X, packed, ww, dinv)
    w_new = _wnew(X, p, W_conv, W_ih, W_hh, b_ih, b_hh)
    out = _outk(X, agg[0], agg[1], dinv.reshape(N, 1), w_new)
    return out

# --- scband reference (transcript-rebuilt; emitter-appended) ---
"""Pipeline reference for scband-evolve-gcn-15135464751705 (READ-ONLY COPY).

The authoritative reference and input builder live on the scoring server;
editing this copy changes nothing except your own understanding.
"""

import jax, jax.numpy as jnp
import numpy as np

N = 10000
D = 128
E = 320000
K = 128  # ceil(ratio * N) with ratio = in_channels / num_of_nodes = 128/10000 -> k = 128


def setup_inputs(seed: int = 0) -> dict:
    key = jax.random.key(seed)
    ks = jax.random.split(key, 10)
    X = jax.random.normal(ks[0], (N, D), dtype=jnp.float32)
    edge_index = jax.random.randint(ks[1], (2, E), 0, N, dtype=jnp.int32)
    edge_weight = jax.random.uniform(ks[2], (E,), dtype=jnp.float32)
    # TopKPooling attention vector
    p = jax.random.normal(ks[3], (D,), dtype=jnp.float32) * 0.1
    # GCNConv weight (lin.weight, [out, in]), evolved by the GRU as its hidden state
    W_conv = jax.random.normal(ks[4], (D, D), dtype=jnp.float32) * (1.0 / np.sqrt(D))
    # GRU params (input_size=D, hidden_size=D, 1 layer)
    W_ih = jax.random.normal(ks[5], (3 * D, D), dtype=jnp.float32) * (1.0 / np.sqrt(D))
    W_hh = jax.random.normal(ks[6], (3 * D, D), dtype=jnp.float32) * (1.0 / np.sqrt(D))
    b_ih = jax.random.normal(ks[7], (3 * D,), dtype=jnp.float32) * 0.01
    b_hh = jax.random.normal(ks[8], (3 * D,), dtype=jnp.float32) * 0.01
    return {"X": X, "edge_index": edge_index, "edge_weight": edge_weight,
            "p": p, "W_conv": W_conv, "W_ih": W_ih, "W_hh": W_hh,
            "b_ih": b_ih, "b_hh": b_hh}


def _gru_cell(x, h, W_ih, W_hh, b_ih, b_hh):
    # PyTorch GRU cell semantics, single time step
    gi = x @ W_ih.T + b_ih
    gh = h @ W_hh.T + b_hh
    i_r, i_z, i_n = jnp.split(gi, 3, axis=-1)
    h_r, h_z, h_n = jnp.split(gh, 3, axis=-1)
    r = jax.nn.sigmoid(i_r + h_r)
    z = jax.nn.sigmoid(i_z + h_z)
    n = jnp.tanh(i_n + r * h_n)
    return (1.0 - z) * n + z * h


def _gcn_conv(X, edge_index, edge_weight, W):
    # GCNConv with symmetric normalization and added self-loops, bias=False
    n = X.shape[0]
    src = edge_index[0]
    dst = edge_index[1]
    loop = jnp.arange(n, dtype=src.dtype)
    src2 = jnp.concatenate([src, loop])
    dst2 = jnp.concatenate([dst, loop])
    w2 = jnp.concatenate([edge_weight, jnp.ones((n,), dtype=edge_weight.dtype)])
    deg = jax.ops.segment_sum(w2, dst2, num_segments=n)
    dinv = jnp.where(deg > 0, jax.lax.rsqrt(jnp.maximum(deg, 1e-12)), 0.0)
    norm = dinv[src2] * w2 * dinv[dst2]
    Xw = X @ W.T
    msg = Xw[src2] * norm[:, None]
    return jax.ops.segment_sum(msg, dst2, num_segments=n)


def reference(X, edge_index, edge_weight, p, W_conv, W_ih, W_hh, b_ih, b_hh):
    # TopKPooling: score = (X @ p)/||p||, select top-K nodes, gate by tanh(score)
    score = (X @ p) / jnp.linalg.norm(p)
    topv, perm = jax.lax.top_k(score, K)
    X_tilde = X[perm] * jnp.tanh(topv)[:, None]  # [K, D]
    # GRU over seq_len=1: input X_tilde (batch=K=D_out rows), hidden = conv weight rows
    W_new = _gru_cell(X_tilde, W_conv, W_ih, W_hh, b_ih, b_hh)  # [D, D], new GCN weight
    # GCNConv with evolved weight
    out = _gcn_conv(X, edge_index, edge_weight, W_new)
    return out

if __name__ == "__main__":
    import jax
    _d = setup_inputs()
    print(jax.jit(kernel)(*tuple(_d.values())))

</pallas_src>

<mosaic_0001>
#map = affine_map<(d0, d1) -> (0, 0)>
#map1 = affine_map<(d0, d1) -> (0)>
#map2 = affine_map<(d0, d1) -> (0, 0, 0)>
module attributes {stable_mosaic.version = 14 : i64} {
  func.func @_p2_body(%arg0: i32, %arg1: i32, %arg2: memref<10000x128xf32, #tpu.memory_space<hbm>>, %arg3: memref<32x10080xi32, #tpu.memory_space<hbm>>, %arg4: memref<32x10080xf32, #tpu.memory_space<hbm>>, %arg5: memref<10000xf32, #tpu.memory_space<hbm>>, %arg6: memref<2x10000x128xf32, #tpu.memory_space<hbm>>, %arg7: memref<10080xi32, #tpu.memory_space<vmem>>, %arg8: memref<10080xf32, #tpu.memory_space<vmem>>, %arg9: memref<48xf32, #tpu.memory_space<vmem>>, %arg10: memref<48xi32, #tpu.memory_space<vmem>>, %arg11: memref<48xi32, #tpu.memory_space<vmem>>, %arg12: memref<48xi32, #tpu.memory_space<vmem>>, %arg13: memref<48xi32, #tpu.memory_space<vmem>>, %arg14: memref<48xi32, #tpu.memory_space<vmem>>, %arg15: memref<48xi32, #tpu.memory_space<vmem>>, %arg16: memref<48x128xf32, #tpu.memory_space<vmem>>, %arg17: memref<48x128xf32, #tpu.memory_space<vmem>>, %arg18: memref<48x128xf32, #tpu.memory_space<vmem>>, %arg19: memref<10000xf32, #tpu.memory_space<vmem>>, %arg20: memref<10008x128xf32, #tpu.memory_space<vmem_shared>>, %arg21: memref<3x!tpu.dma_semaphore, #tpu.memory_space<semaphore_mem>>, %arg22: memref<3x!tpu.dma_semaphore, #tpu.memory_space<semaphore_mem>>) attributes {dimension_semantics = [#tpu.dimension_semantics<core_parallel>, #tpu.dimension_semantics<subcore_parallel>], iteration_bounds = array<i64: 2, 16>, scalar_prefetch = 0 : i64, scratch_operands = 16 : i64, tpu.core_type = #tpu.core_type<sc_vector_subcore>, window_params = [{transform_indices = #map}, {transform_indices = #map}, {transform_indices = #map}, {transform_indices = #map1}, {transform_indices = #map2}]} {
    %mul3A = arith.constant 2 : i32
    %mul3A_0 = arith.muli %arg1, %mul3A : i32
    %add3A = arith.addi %mul3A_0, %arg0 : i32
    "tpu.region"() ({
      %run_scoped3A = tpu.sem_alloc : memref<!tpu.dma_semaphore, #tpu.memory_space<semaphore_mem>>
      %dma_start3A_126 = arith.constant 0 : i32
      %dma_start3A_127 = tpu.memref_slice %arg3[%add3A, %dma_start3A_126] : memref<32x10080xi32, #tpu.memory_space<hbm>> -> memref<1x10080xi32, #tpu.memory_space<hbm>>
      %dma_start3A_128 = tpu.memref_squeeze %dma_start3A_127 : memref<1x10080xi32, #tpu.memory_space<hbm>> -> memref<10080xi32, #tpu.memory_space<hbm>>
      %dma_start3A_129 = arith.constant 0 : i32
      %dma_start3A_130 = tpu.memref_slice %arg3[%add3A, %dma_start3A_129] : memref<32x10080xi32, #tpu.memory_space<hbm>> -> memref<1x10080xi32, #tpu.memory_space<hbm>>
      %dma_start3A_131 = tpu.memref_squeeze %dma_start3A_130 : memref<1x10080xi32, #tpu.memory_space<hbm>> -> memref<10080xi32, #tpu.memory_space<hbm>>
      tpu.enqueue_dma source(%dma_start3A_131 : memref<10080xi32, #tpu.memory_space<hbm>>) target(%arg7 : memref<10080xi32, #tpu.memory_space<vmem>>) target_semaphore(%run_scoped3A : memref<!tpu.dma_semaphore, #tpu.memory_space<semaphore_mem>>)
      %dma_wait3A_132 = arith.constant 0 : i32
      %dma_wait3A_133 = tpu.memref_slice %arg3[%add3A, %dma_wait3A_132] : memref<32x10080xi32, #tpu.memory_space<hbm>> -> memref<1x10080xi32, #tpu.memory_space<hbm>>
      %dma_wait3A_134 = tpu.memref_squeeze %dma_wait3A_133 : memref<1x10080xi32, #tpu.memory_space<hbm>> -> memref<10080xi32, #tpu.memory_space<hbm>>
      %dma_wait3A_135 = arith.constant 0 : i32
      %dma_wait3A_136 = tpu.memref_slice %arg3[%add3A, %dma_wait3A_135] : memref<32x10080xi32, #tpu.memory_space<hbm>> -> memref<1x10080xi32, #tpu.memory_space<hbm>>
      %dma_wait3A_137 = tpu.memref_squeeze %dma_wait3A_136 : memref<1x10080xi32, #tpu.memory_space<hbm>> -> memref<10080xi32, #tpu.memory_space<hbm>>
      tpu.wait_dma2 semaphore(%run_scoped3A : memref<!tpu.dma_semaphore, #tpu.memory_space<semaphore_mem>>) src(%dma_wait3A_137 : memref<10080xi32, #tpu.memory_space<hbm>>) dst(%arg7 : memref<10080xi32, #tpu.memory_space<vmem>>)
      tpu.yield
    }) : () -> ()
    "tpu.region"() ({
      %run_scoped3A = tpu.sem_alloc : memref<!tpu.dma_semaphore, #tpu.memory_space<semaphore_mem>>
      %dma_start3A_126 = arith.constant 0 : i32
      %dma_start3A_127 = tpu.memref_slice %arg4[%add3A, %dma_start3A_126] : memref<32x10080xf32, #tpu.memory_space<hbm>> -> memref<1x10080xf32, #tpu.memory_space<hbm>>
      %dma_start3A_128 = tpu.memref_squeeze %dma_start3A_127 : memref<1x10080xf32, #tpu.memory_space<hbm>> -> memref<10080xf32, #tpu.memory_space<hbm>>
      %dma_start3A_129 = arith.constant 0 : i32
      %dma_start3A_130 = tpu.memref_slice %arg4[%add3A, %dma_start3A_129] : memref<32x10080xf32, #tpu.memory_space<hbm>> -> memref<1x10080xf32, #tpu.memory_space<hbm>>
      %dma_start3A_131 = tpu.memref_squeeze %dma_start3A_130 : memref<1x10080xf32, #tpu.memory_space<hbm>> -> memref<10080xf32, #tpu.memory_space<hbm>>
      tpu.enqueue_dma source(%dma_start3A_131 : memref<10080xf32, #tpu.memory_space<hbm>>) target(%arg8 : memref<10080xf32, #tpu.memory_space<vmem>>) target_semaphore(%run_scoped3A : memref<!tpu.dma_semaphore, #tpu.memory_space<semaphore_mem>>)
      %dma_wait3A_132 = arith.constant 0 : i32
      %dma_wait3A_133 = tpu.memref_slice %arg4[%add3A, %dma_wait3A_132] : memref<32x10080xf32, #tpu.memory_space<hbm>> -> memref<1x10080xf32, #tpu.memory_space<hbm>>
      %dma_wait3A_134 = tpu.memref_squeeze %dma_wait3A_133 : memref<1x10080xf32, #tpu.memory_space<hbm>> -> memref<10080xf32, #tpu.memory_space<hbm>>
      %dma_wait3A_135 = arith.constant 0 : i32
      %dma_wait3A_136 = tpu.memref_slice %arg4[%add3A, %dma_wait3A_135] : memref<32x10080xf32, #tpu.memory_space<hbm>> -> memref<1x10080xf32, #tpu.memory_space<hbm>>
      %dma_wait3A_137 = tpu.memref_squeeze %dma_wait3A_136 : memref<1x10080xf32, #tpu.memory_space<hbm>> -> memref<10080xf32, #tpu.memory_space<hbm>>
      tpu.wait_dma2 semaphore(%run_scoped3A : memref<!tpu.dma_semaphore, #tpu.memory_space<semaphore_mem>>) src(%dma_wait3A_137 : memref<10080xf32, #tpu.memory_space<hbm>>) dst(%arg8 : memref<10080xf32, #tpu.memory_space<vmem>>)
      tpu.yield
    }) : () -> ()
    "tpu.region"() ({
      %run_scoped3A = tpu.sem_alloc : memref<!tpu.dma_semaphore, #tpu.memory_space<semaphore_mem>>
      tpu.enqueue_dma source(%arg5 : memref<10000xf32, #tpu.memory_space<hbm>>) target(%arg19 : memref<10000xf32, #tpu.memory_space<vmem>>) target_semaphore(%run_scoped3A : memref<!tpu.dma_semaphore, #tpu.memory_space<semaphore_mem>>)
      tpu.wait_dma2 semaphore(%run_scoped3A : memref<!tpu.dma_semaphore, #tpu.memory_space<semaphore_mem>>) src(%arg5 : memref<10000xf32, #tpu.memory_space<hbm>>) dst(%arg19 : memref<10000xf32, #tpu.memory_space<vmem>>)
      tpu.yield
    }) : () -> ()
    %get3A = arith.constant 0 : index
    %get3A_1 = tpu.vector_load %arg7[%get3A] {strides = array<i32>} : memref<10080xi32, #tpu.memory_space<vmem>>, vector<16xi32>,
    %and3A = arith.constant 65535 : i32
    %and3A_2 = vector.broadcast %and3A : i32 to vector<16xi32>
    %and3A_3 = arith.andi %get3A_1, %and3A_2 : vector<16xi32>
    %swap3A = arith.constant 0 : index
    %swap3A_4 = tpu.vector_load %arg10[%swap3A] {strides = array<i32>} : memref<48xi32, #tpu.memory_space<vmem>>, vector<16xi32>,
    tpu.vector_store %arg10[%swap3A], %and3A_3 {strides = array<i32>} : memref<48xi32, #tpu.memory_space<vmem>>, vector<16xi32>,
    %shift_right_logical3A = arith.constant 16 : i32
    %shift_right_logical3A_5 = vector.broadcast %shift_right_logical3A : i32 to vector<16xi32>
    %shift_right_logical3A_6 = arith.shrui %get3A_1, %shift_right_logical3A_5 : vector<16xi32>
    %swap3A_7 = arith.constant 0 : index
    %swap3A_8 = tpu.vector_load %arg13[%swap3A_7] {strides = array<i32>} : memref<48xi32, #tpu.memory_space<vmem>>, vector<16xi32>,
    tpu.vector_store %arg13[%swap3A_7], %shift_right_logical3A_6 {strides = array<i32>} : memref<48xi32, #tpu.memory_space<vmem>>, vector<16xi32>,
    %get3A_9 = arith.constant 16 : index
    %get3A_10 = tpu.vector_load %arg7[%get3A_9] {strides = array<i32>} : memref<10080xi32, #tpu.memory_space<vmem>>, vector<16xi32>,
    %and3A_11 = arith.constant 65535 : i32
    %and3A_12 = vector.broadcast %and3A_11 : i32 to vector<16xi32>
    %and3A_13 = arith.andi %get3A_10, %and3A_12 : vector<16xi32>
    %swap3A_14 = arith.constant 16 : index
    %swap3A_15 = tpu.vector_load %arg10[%swap3A_14] {strides = array<i32>} : memref<48xi32, #tpu.memory_space<vmem>>, vector<16xi32>,
    tpu.vector_store %arg10[%swap3A_14], %and3A_13 {strides = array<i32>} : memref<48xi32, #tpu.memory_space<vmem>>, vector<16xi32>,
    %shift_right_logical3A_16 = arith.constant 16 : i32
    %shift_right_logical3A_17 = vector.broadcast %shift_right_logical3A_16 : i32 to vector<16xi32>
    %shift_right_logical3A_18 = arith.shrui %get3A_10, %shift_right_logical3A_17 : vector<16xi32>
    %swap3A_19 = arith.constant 16 : index
    %swap3A_20 = tpu.vector_load %arg13[%swap3A_19] {strides = array<i32>} : memref<48xi32, #tpu.memory_space<vmem>>, vector<16xi32>,
    tpu.vector_store %arg13[%swap3A_19], %shift_right_logical3A_18 {strides = array<i32>} : memref<48xi32, #tpu.memory_space<vmem>>, vector<16xi32>,
    %get3A_21 = arith.constant 32 : index
    %get3A_22 = tpu.vector_load %arg7[%get3A_21] {strides = array<i32>} : memref<10080xi32, #tpu.memory_space<vmem>>, vector<16xi32>,
    %and3A_23 = arith.constant 65535 : i32
    %and3A_24 = vector.broadcast %and3A_23 : i32 to vector<16xi32>
    %and3A_25 = arith.andi %get3A_22, %and3A_24 : vector<16xi32>
    %swap3A_26 = arith.constant 32 : index
    %swap3A_27 = tpu.vector_load %arg10[%swap3A_26] {strides = array<i32>} : memref<48xi32, #tpu.memory_space<vmem>>, vector<16xi32>,
    tpu.vector_store %arg10[%swap3A_26], %and3A_25 {strides = array<i32>} : memref<48xi32, #tpu.memory_space<vmem>>, vector<16xi32>,
    %shift_right_logical3A_28 = arith.constant 16 : i32
    %shift_right_logical3A_29 = vector.broadcast %shift_right_logical3A_28 : i32 to vector<16xi32>
    %shift_right_logical3A_30 = arith.shrui %get3A_22, %shift_right_logical3A_29 : vector<16xi32>
    %swap3A_31 = arith.constant 32 : index
    %swap3A_32 = tpu.vector_load %arg13[%swap3A_31] {strides = array<i32>} : memref<48xi32, #tpu.memory_space<vmem>>, vector<16xi32>,
    tpu.vector_store %arg13[%swap3A_31], %shift_right_logical3A_30 {strides = array<i32>} : memref<48xi32, #tpu.memory_space<vmem>>, vector<16xi32>,
    %dma_start3A = arith.constant 0 : i32
    %dma_start3A_33 = arith.constant 0 : i32
    %dma_start3A_34 = arith.constant 0 : i32
    %dma_start3A_35 = tpu.memref_slice %arg2[%dma_start3A_33, %dma_start3A_34] : memref<10000x128xf32, #tpu.memory_space<hbm>> -> memref<10000x128xf32, #tpu.memory_space<hbm>>
    %dma_start3A_36 = tpu.memref_slice %arg21[%dma_start3A] : memref<3x!tpu.dma_semaphore, #tpu.memory_space<semaphore_mem>> -> memref<1x!tpu.dma_semaphore, #tpu.memory_space<semaphore_mem>>
    %dma_start3A_37 = tpu.memref_squeeze %dma_start3A_36 : memref<1x!tpu.dma_semaphore, #tpu.memory_space<semaphore_mem>> -> memref<!tpu.dma_semaphore, #tpu.memory_space<semaphore_mem>>
    tpu.enqueue_indirect_dma source(%dma_start3A_35 : memref<10000x128xf32, #tpu.memory_space<hbm>>) target(%arg16 : memref<48x128xf32, #tpu.memory_space<vmem>>) offsets(%arg10 : memref<48xi32, #tpu.memory_space<vmem>>) semaphore(%dma_start3A_37 : memref<!tpu.dma_semaphore, #tpu.memory_space<semaphore_mem>>)
    %get3A_38 = arith.constant 48 : index
    %get3A_39 = tpu.vector_load %arg7[%get3A_38] {strides = array<i32>} : memref<10080xi32, #tpu.memory_space<vmem>>, vector<16xi32>,
    %and3A_40 = arith.constant 65535 : i32
    %and3A_41 = vector.broadcast %and3A_40 : i32 to vector<16xi32>
    %and3A_42 = arith.andi %get3A_39, %and3A_41 : vector<16xi32>
    %swap3A_43 = arith.constant 0 : index
    %swap3A_44 = tpu.vector_load %arg11[%swap3A_43] {strides = array<i32>} : memref<48xi32, #tpu.memory_space<vmem>>, vector<16xi32>,
    tpu.vector_store %arg11[%swap3A_43], %and3A_42 {strides = array<i32>} : memref<48xi32, #tpu.memory_space<vmem>>, vector<16xi32>,
    %shift_right_logical3A_45 = arith.constant 16 : i32
    %shift_right_logical3A_46 = vector.broadcast %shift_right_logical3A_45 : i32 to vector<16xi32>
    %shift_right_logical3A_47 = arith.shrui %get3A_39, %shift_right_logical3A_46 : vector<16xi32>
    %swap3A_48 = arith.constant 0 : index
    %swap3A_49 = tpu.vector_load %arg14[%swap3A_48] {strides = array<i32>} : memref<48xi32, #tpu.memory_space<vmem>>, vector<16xi32>,
    tpu.vector_store %arg14[%swap3A_48], %shift_right_logical3A_47 {strides = array<i32>} : memref<48xi32, #tpu.memory_space<vmem>>, vector<16xi32>,
    %get3A_50 = arith.constant 64 : index
    %get3A_51 = tpu.vector_load %arg7[%get3A_50] {strides = array<i32>} : memref<10080xi32, #tpu.memory_space<vmem>>, vector<16xi32>,
    %and3A_52 = arith.constant 65535 : i32
    %and3A_53 = vector.broadcast %and3A_52 : i32 to vector<16xi32>
    %and3A_54 = arith.andi %get3A_51, %and3A_53 : vector<16xi32>
    %swap3A_55 = arith.constant 16 : index
    %swap3A_56 = tpu.vector_load %arg11[%swap3A_55] {strides = array<i32>} : memref<48xi32, #tpu.memory_space<vmem>>, vector<16xi32>,
    tpu.vector_store %arg11[%swap3A_55], %and3A_54 {strides = array<i32>} : memref<48xi32, #tpu.memory_space<vmem>>, vector<16xi32>,
    %shift_right_logical3A_57 = arith.constant 16 : i32
    %shift_right_logical3A_58 = vector.broadcast %shift_right_logical3A_57 : i32 to vector<16xi32>
    %shift_right_logical3A_59 = arith.shrui %get3A_51, %shift_right_logical3A_58 : vector<16xi32>
    %swap3A_60 = arith.constant 16 : index
    %swap3A_61 = tpu.vector_load %arg14[%swap3A_60] {strides = array<i32>} : memref<48xi32, #tpu.memory_space<vmem>>, vector<16xi32>,
    tpu.vector_store %arg14[%swap3A_60], %shift_right_logical3A_59 {strides = array<i32>} : memref<48xi32, #tpu.memory_space<vmem>>, vector<16xi32>,
    %get3A_62 = arith.constant 80 : index
    %get3A_63 = tpu.vector_load %arg7[%get3A_62] {strides = array<i32>} : memref<10080xi32, #tpu.memory_space<vmem>>, vector<16xi32>,
    %and3A_64 = arith.constant 65535 : i32
    %and3A_65 = vector.broadcast %and3A_64 : i32 to vector<16xi32>
    %and3A_66 = arith.andi %get3A_63, %and3A_65 : vector<16xi32>
    %swap3A_67 = arith.constant 32 : index
    %swap3A_68 = tpu.vector_load %arg11[%swap3A_67] {strides = array<i32>} : memref<48xi32, #tpu.memory_space<vmem>>, vector<16xi32>,
    tpu.vector_store %arg11[%swap3A_67], %and3A_66 {strides = array<i32>} : memref<48xi32, #tpu.memory_space<vmem>>, vector<16xi32>,
    %shift_right_logical3A_69 = arith.constant 16 : i32
    %shift_right_logical3A_70 = vector.broadcast %shift_right_logical3A_69 : i32 to vector<16xi32>
    %shift_right_logical3A_71 = arith.shrui %get3A_63, %shift_right_logical3A_70 : vector<16xi32>
    %swap3A_72 = arith.constant 32 : index
    %swap3A_73 = tpu.vector_load %arg14[%swap3A_72] {strides = array<i32>} : memref<48xi32, #tpu.memory_space<vmem>>, vector<16xi32>,
    tpu.vector_store %arg14[%swap3A_72], %shift_right_logical3A_71 {strides = array<i32>} : memref<48xi32, #tpu.memory_space<vmem>>, vector<16xi32>,
    %dma_start3A_74 = arith.constant 1 : i32
    %dma_start3A_75 = arith.constant 0 : i32
    %dma_start3A_76 = arith.constant 0 : i32
    %dma_start3A_77 = tpu.memref_slice %arg2[%dma_start3A_75, %dma_start3A_76] : memref<10000x128xf32, #tpu.memory_space<hbm>> -> memref<10000x128xf32, #tpu.memory_space<hbm>>
    %dma_start3A_78 = tpu.memref_slice %arg21[%dma_start3A_74] : memref<3x!tpu.dma_semaphore, #tpu.memory_space<semaphore_mem>> -> memref<1x!tpu.dma_semaphore, #tpu.memory_space<semaphore_mem>>
    %dma_start3A_79 = tpu.memref_squeeze %dma_start3A_78 : memref<1x!tpu.dma_semaphore, #tpu.memory_space<semaphore_mem>> -> memref<!tpu.dma_semaphore, #tpu.memory_space<semaphore_mem>>
    tpu.enqueue_indirect_dma source(%dma_start3A_77 : memref<10000x128xf32, #tpu.memory_space<hbm>>) target(%arg17 : memref<48x128xf32, #tpu.memory_space<vmem>>) offsets(%arg11 : memref<48xi32, #tpu.memory_space<vmem>>) semaphore(%dma_start3A_79 : memref<!tpu.dma_semaphore, #tpu.memory_space<semaphore_mem>>)
    %scan3A = arith.constant 0 : i32
    %scan3A_80 = arith.constant 48 : i32
    %scan3A_81 = arith.addi %scan3A, %scan3A_80 : i32
    %scan3A_82 = arith.constant 1 : i32
    scf.for %scan3A_126 = %scan3A to %scan3A_81 step %scan3A_82  : i32 {
      %mul3A_127 = arith.constant 1 : i32
      %mul3A_128 = arith.muli %scan3A_126, %mul3A_127 : i32
      %add3A_129 = arith.constant 0 : i32
      %add3A_130 = arith.addi %add3A_129, %mul3A_128 : i32
      %broadcast_in_dim3A = arith.constant 0.000000e+00 : f32
      %broadcast_in_dim3A_131 = vector.broadcast %broadcast_in_dim3A : f32 to vector<16xf32>
      %swap3A_132 = arith.index_cast %add3A_130 : i32 to index
      %swap3A_133 = arith.constant 0 : index
      %swap3A_134 = tpu.vector_load %arg18[%swap3A_132, %swap3A_133] {strides = array<i32>} : memref<48x128xf32, #tpu.memory_space<vmem>>, vector<16xf32>,
      tpu.vector_store %arg18[%swap3A_132, %swap3A_133], %broadcast_in_dim3A_131 {strides = array<i32>} : memref<48x128xf32, #tpu.memory_space<vmem>>, vector<16xf32>,
      %broadcast_in_dim3A_135 = arith.constant 0.000000e+00 : f32
      %broadcast_in_dim3A_136 = vector.broadcast %broadcast_in_dim3A_135 : f32 to vector<16xf32>
      %swap3A_137 = arith.index_cast %add3A_130 : i32 to index
      %swap3A_138 = arith.constant 16 : index
      %swap3A_139 = tpu.vector_load %arg18[%swap3A_137, %swap3A_138] {strides = array<i32>} : memref<48x128xf32, #tpu.memory_space<vmem>>, vector<16xf32>,
      tpu.vector_store %arg18[%swap3A_137, %swap3A_138], %broadcast_in_dim3A_136 {strides = array<i32>} : memref<48x128xf32, #tpu.memory_space<vmem>>, vector<16xf32>,
      %broadcast_in_dim3A_140 = arith.constant 0.000000e+00 : f32
      %broadcast_in_dim3A_141 = vector.broadcast %broadcast_in_dim3A_140 : f32 to vector<16xf32>
      %swap3A_142 = arith.index_cast %add3A_130 : i32 to index
      %swap3A_143 = arith.constant 32 : index
      %swap3A_144 = tpu.vector_load %arg18[%swap3A_142, %swap3A_143] {strides = array<i32>} : memref<48x128xf32, #tpu.memory_space<vmem>>, vector<16xf32>,
      tpu.vector_store %arg18[%swap3A_142, %swap3A_143], %broadcast_in_dim3A_141 {strides = array<i32>} : memref<48x128xf32, #tpu.memory_space<vmem>>, vector<16xf32>,
      %broadcast_in_dim3A_145 = arith.constant 0.000000e+00 : f32
      %broadcast_in_dim3A_146 = vector.broadcast %broadcast_in_dim3A_145 : f32 to vector<16xf32>
      %swap3A_147 = arith.index_cast %add3A_130 : i32 to index
      %swap3A_148 = arith.constant 48 : index
      %swap3A_149 = tpu.vector_load %arg18[%swap3A_147, %swap3A_148] {strides = array<i32>} : memref<48x128xf32, #tpu.memory_space<vmem>>, vector<16xf32>,
      tpu.vector_store %arg18[%swap3A_147, %swap3A_148], %broadcast_in_dim3A_146 {strides = array<i32>} : memref<48x128xf32, #tpu.memory_space<vmem>>, vector<16xf32>,
      %broadcast_in_dim3A_150 = arith.constant 0.000000e+00 : f32
      %broadcast_in_dim3A_151 = vector.broadcast %broadcast_in_dim3A_150 : f32 to vector<16xf32>
      %swap3A_152 = arith.index_cast %add3A_130 : i32 to index
      %swap3A_153 = arith.constant 64 : index
      %swap3A_154 = tpu.vector_load %arg18[%swap3A_152, %swap3A_153] {strides = array<i32>} : memref<48x128xf32, #tpu.memory_space<vmem>>, vector<16xf32>,
      tpu.vector_store %arg18[%swap3A_152, %swap3A_153], %broadcast_in_dim3A_151 {strides = array<i32>} : memref<48x128xf32, #tpu.memory_space<vmem>>, vector<16xf32>,
      %broadcast_in_dim3A_155 = arith.constant 0.000000e+00 : f32
      %broadcast_in_dim3A_156 = vector.broadcast %broadcast_in_dim3A_155 : f32 to vector<16xf32>
      %swap3A_157 = arith.index_cast %add3A_130 : i32 to index
      %swap3A_158 = arith.constant 80 : index
      %swap3A_159 = tpu.vector_load %arg18[%swap3A_157, %swap3A_158] {strides = array<i32>} : memref<48x128xf32, #tpu.memory_space<vmem>>, vector<16xf32>,
      tpu.vector_store %arg18[%swap3A_157, %swap3A_158], %broadcast_in_dim3A_156 {strides = array<i32>} : memref<48x128xf32, #tpu.memory_space<vmem>>, vector<16xf32>,
      %broadcast_in_dim3A_160 = arith.constant 0.000000e+00 : f32
      %broadcast_in_dim3A_161 = vector.broadcast %broadcast_in_dim3A_160 : f32 to vector<16xf32>
      %swap3A_162 = arith.index_cast %add3A_130 : i32 to index
      %swap3A_163 = arith.constant 96 : index
      %swap3A_164 = tpu.vector_load %arg18[%swap3A_162, %swap3A_163] {strides = array<i32>} : memref<48x128xf32, #tpu.memory_space<vmem>>, vector<16xf32>,
      tpu.vector_store %arg18[%swap3A_162, %swap3A_163], %broadcast_in_dim3A_161 {strides = array<i32>} : memref<48x128xf32, #tpu.memory_space<vmem>>, vector<16xf32>,
      %broadcast_in_dim3A_165 = arith.constant 0.000000e+00 : f32
      %broadcast_in_dim3A_166 = vector.broadcast %broadcast_in_dim3A_165 : f32 to vector<16xf32>
      %swap3A_167 = arith.index_cast %add3A_130 : i32 to index
      %swap3A_168 = arith.constant 112 : index
      %swap3A_169 = tpu.vector_load %arg18[%swap3A_167, %swap3A_168] {strides = array<i32>} : memref<48x128xf32, #tpu.memory_space<vmem>>, vector<16xf32>,
      tpu.vector_store %arg18[%swap3A_167, %swap3A_168], %broadcast_in_dim3A_166 {strides = array<i32>} : memref<48x128xf32, #tpu.memory_space<vmem>>, vector<16xf32>,
    }
    %scan3A_83 = arith.constant 48 : i32
    %mul3A_84 = arith.constant 624 : i32
    %mul3A_85 = arith.muli %arg1, %mul3A_84 : i32
    %multiple_of3A = tpu.assume_multiple %mul3A_85, 8 : i32
    %scan3A_86 = arith.constant 0 : i32
    %scan3A_87 = arith.constant 13 : i32
    %scan3A_88 = arith.addi %scan3A_86, %scan3A_87 : i32
    %scan3A_89 = arith.constant 1 : i32
    scf.for %scan3A_126 = %scan3A_86 to %scan3A_88 step %scan3A_89  : i32 {
      %mul3A_127 = arith.constant 48 : i32
      %mul3A_128 = arith.muli %scan3A_126, %mul3A_127 : i32
      %add3A_129 = arith.constant 0 : i32
      %add3A_130 = arith.addi %add3A_129, %mul3A_128 : i32
      %add3A_131 = arith.addi %multiple_of3A, %add3A_130 : i32
      "tpu.region"() ({
        %run_scoped3A = tpu.sem_alloc : memref<!tpu.dma_semaphore, #tpu.memory_space<semaphore_mem>>
        %dma_start3A_132 = arith.constant 0 : i32
        %dma_start3A_133 = tpu.memref_slice %arg20[%add3A_131, %dma_start3A_132] : memref<10008x128xf32, #tpu.memory_space<vmem_shared>> -> memref<48x128xf32, #tpu.memory_space<vmem_shared>>
        %dma_start3A_134 = arith.constant 0 : i32
        %dma_start3A_135 = tpu.memref_slice %arg20[%add3A_131, %dma_start3A_134] : memref<10008x128xf32, #tpu.memory_space<vmem_shared>> -> memref<48x128xf32, #tpu.memory_space<vmem_shared>>
        tpu.enqueue_dma source(%arg18 : memref<48x128xf32, #tpu.memory_space<vmem>>) target(%dma_start3A_135 : memref<48x128xf32, #tpu.memory_space<vmem_shared>>) target_semaphore(%run_scoped3A : memref<!tpu.dma_semaphore, #tpu.memory_space<semaphore_mem>>)
        %dma_wait3A_136 = arith.constant 0 : i32
        %dma_wait3A_137 = tpu.memref_slice %arg20[%add3A_131, %dma_wait3A_136] : memref<10008x128xf32, #tpu.memory_space<vmem_shared>> -> memref<48x128xf32, #tpu.memory_space<vmem_shared>>
        %dma_wait3A_138 = arith.constant 0 : i32
        %dma_wait3A_139 = tpu.memref_slice %arg20[%add3A_131, %dma_wait3A_138] : memref<10008x128xf32, #tpu.memory_space<vmem_shared>> -> memref<48x128xf32, #tpu.memory_space<vmem_shared>>
        tpu.wait_dma2 semaphore(%run_scoped3A : memref<!tpu.dma_semaphore, #tpu.memory_space<semaphore_mem>>) src(%arg18 : memref<48x128xf32, #tpu.memory_space<vmem>>) dst(%dma_wait3A_139 : memref<48x128xf32, #tpu.memory_space<vmem_shared>>)
        tpu.yield
      }) : () -> ()
    }
    %scan3A_90 = arith.constant 13 : i32
    %eq3A = arith.constant 15 : i32
    %eq3A_91 = arith.cmpi eq, %arg1, %eq3A : i32
    %convert_element_type3A = arith.extui %eq3A_91 : i1 to i32
    %cond3A = arith.constant 0 : i32
    %cond3A_92 = arith.cmpi ne, %convert_element_type3A, %cond3A : i32
    scf.if %cond3A_92 {
      "tpu.region"() ({
        %run_scoped3A = tpu.sem_alloc : memref<!tpu.dma_semaphore, #tpu.memory_space<semaphore_mem>>
        %dma_start3A_126 = arith.constant 0 : i32
        %dma_start3A_127 = arith.constant 0 : i32
        %dma_start3A_128 = tpu.memref_slice %arg18[%dma_start3A_126, %dma_start3A_127] : memref<48x128xf32, #tpu.memory_space<vmem>> -> memref<24x128xf32, #tpu.memory_space<vmem>>
        %dma_start3A_129 = arith.constant 9984 : i32
        %dma_start3A_130 = arith.constant 0 : i32
        %dma_start3A_131 = tpu.memref_slice %arg20[%dma_start3A_129, %dma_start3A_130] : memref<10008x128xf32, #tpu.memory_space<vmem_shared>> -> memref<24x128xf32, #tpu.memory_space<vmem_shared>>
        %dma_start3A_132 = arith.constant 9984 : i32
        %dma_start3A_133 = arith.constant 0 : i32
        %dma_start3A_134 = tpu.memref_slice %arg20[%dma_start3A_132, %dma_start3A_133] : memref<10008x128xf32, #tpu.memory_space<vmem_shared>> -> memref<24x128xf32, #tpu.memory_space<vmem_shared>>
        %dma_start3A_135 = arith.constant 0 : i32
        %dma_start3A_136 = arith.constant 0 : i32
        %dma_start3A_137 = tpu.memref_slice %arg18[%dma_start3A_135, %dma_start3A_136] : memref<48x128xf32, #tpu.memory_space<vmem>> -> memref<24x128xf32, #tpu.memory_space<vmem>>
        tpu.enqueue_dma source(%dma_start3A_137 : memref<24x128xf32, #tpu.memory_space<vmem>>) target(%dma_start3A_134 : memref<24x128xf32, #tpu.memory_space<vmem_shared>>) target_semaphore(%run_scoped3A : memref<!tpu.dma_semaphore, #tpu.memory_space<semaphore_mem>>)
        %dma_wait3A_138 = arith.constant 0 : i32
        %dma_wait3A_139 = arith.constant 0 : i32
        %dma_wait3A_140 = tpu.memref_slice %arg18[%dma_wait3A_138, %dma_wait3A_139] : memref<48x128xf32, #tpu.memory_space<vmem>> -> memref<24x128xf32, #tpu.memory_space<vmem>>
        %dma_wait3A_141 = arith.constant 9984 : i32
        %dma_wait3A_142 = arith.constant 0 : i32
        %dma_wait3A_143 = tpu.memref_slice %arg20[%dma_wait3A_141, %dma_wait3A_142] : memref<10008x128xf32, #tpu.memory_space<vmem_shared>> -> memref<24x128xf32, #tpu.memory_space<vmem_shared>>
        %dma_wait3A_144 = arith.constant 9984 : i32
        %dma_wait3A_145 = arith.constant 0 : i32
        %dma_wait3A_146 = tpu.memref_slice %arg20[%dma_wait3A_144, %dma_wait3A_145] : memref<10008x128xf32, #tpu.memory_space<vmem_shared>> -> memref<24x128xf32, #tpu.memory_space<vmem_shared>>
        %dma_wait3A_147 = arith.constant 0 : i32
        %dma_wait3A_148 = arith.constant 0 : i32
        %dma_wait3A_149 = tpu.memref_slice %arg18[%dma_wait3A_147, %dma_wait3A_148] : memref<48x128xf32, #tpu.memory_space<vmem>> -> memref<24x128xf32, #tpu.memory_space<vmem>>
        tpu.wait_dma2 semaphore(%run_scoped3A : memref<!tpu.dma_semaphore, #tpu.memory_space<semaphore_mem>>) src(%dma_wait3A_149 : memref<24x128xf32, #tpu.memory_space<vmem>>) dst(%dma_wait3A_146 : memref<24x128xf32, #tpu.memory_space<vmem_shared>>)
        tpu.yield
      }) : () -> ()
    } else {
    }
    %barrier3A = arith.constant 0 : index
    tpu.barrier barrier_id(%barrier3A)
    %scan3A_93 = arith.constant 0 : i32
    %scan3A_94 = arith.constant 70 : i32
    %scan3A_95 = arith.addi %scan3A_93, %scan3A_94 : i32
    %scan3A_96 = arith.constant 1 : i32
    scf.for %scan3A_126 = %scan3A_93 to %scan3A_95 step %scan3A_96  : i32 {
      %mul3A_127 = arith.constant 1 : i32
      %mul3A_128 = arith.muli %scan3A_126, %mul3A_127 : i32
      %add3A_129 = arith.constant 0 : i32
      %add3A_130 = arith.addi %add3A_129, %mul3A_128 : i32
      %mul3A_131 = arith.constant 3 : i32
      %mul3A_132 = arith.muli %add3A_130, %mul3A_131 : i32
      %add3A_133 = arith.constant 0 : i32
      %add3A_134 = arith.addi %mul3A_132, %add3A_133 : i32
      %dma_wait3A_135 = arith.constant 0 : i32
      %dma_wait3A_136 = arith.constant 0 : i32
      %dma_wait3A_137 = arith.constant 0 : i32
      %dma_wait3A_138 = tpu.memref_slice %arg2[%dma_wait3A_136, %dma_wait3A_137] : memref<10000x128xf32, #tpu.memory_space<hbm>> -> memref<10000x128xf32, #tpu.memory_space<hbm>>
      %dma_wait3A_139 = tpu.memref_slice %arg21[%dma_wait3A_135] : memref<3x!tpu.dma_semaphore, #tpu.memory_space<semaphore_mem>> -> memref<1x!tpu.dma_semaphore, #tpu.memory_space<semaphore_mem>>
      %dma_wait3A_140 = tpu.memref_squeeze %dma_wait3A_139 : memref<1x!tpu.dma_semaphore, #tpu.memory_space<semaphore_mem>> -> memref<!tpu.dma_semaphore, #tpu.memory_space<semaphore_mem>>
      tpu.wait_indirect_dma semaphore(%dma_wait3A_140 : memref<!tpu.dma_semaphore, #tpu.memory_space<semaphore_mem>>) src(%dma_wait3A_138 : memref<10000x128xf32, #tpu.memory_space<hbm>>) dst(%arg16 : memref<48x128xf32, #tpu.memory_space<vmem>>)
      %get3A_141 = arith.constant 0 : index
      %get3A_142 = tpu.vector_load %arg10[%get3A_141] {strides = array<i32>} : memref<48xi32, #tpu.memory_space<vmem>>, vector<16xi32>,
      %gather3A = tpu.vector_load_idx %arg19[%get3A_142] : memref<10000xf32, #tpu.memory_space<vmem>>[vector<16xi32>], vector<16xf32>,
      %mul3A_143 = arith.constant 48 : i32
      %mul3A_144 = arith.muli %add3A_134, %mul3A_143 : i32
      %add3A_145 = arith.constant 0 : i32
      %add3A_146 = arith.addi %mul3A_144, %add3A_145 : i32
      %get3A_147 = arith.index_cast %add3A_146 : i32 to index
      %get3A_148 = tpu.vector_load %arg8[%get3A_147] {strides = array<i32>} : memref<10080xf32, #tpu.memory_space<vmem>>, vector<16xf32>,
      %mul3A_149 = arith.mulf %get3A_148, %gather3A : vector<16xf32>
      %swap3A_150 = arith.constant 0 : index
      %swap3A_151 = tpu.vector_load %arg9[%swap3A_150] {strides = array<i32>} : memref<48xf32, #tpu.memory_space<vmem>>, vector<16xf32>,
      tpu.vector_store %arg9[%swap3A_150], %mul3A_149 {strides = array<i32>} : memref<48xf32, #tpu.memory_space<vmem>>, vector<16xf32>,
      %get3A_152 = arith.constant 16 : index
      %get3A_153 = tpu.vector_load %arg10[%get3A_152] {strides = array<i32>} : memref<48xi32, #tpu.memory_space<vmem>>, vector<16xi32>,
      %gather3A_154 = tpu.vector_load_idx %arg19[%get3A_153] : memref<10000xf32, #tpu.memory_space<vmem>>[vector<16xi32>], vector<16xf32>,
      %mul3A_155 = arith.constant 48 : i32
      %mul3A_156 = arith.muli %add3A_134, %mul3A_155 : i32
      %add3A_157 = arith.constant 16 : i32
      %add3A_158 = arith.addi %mul3A_156, %add3A_157 : i32
      %get3A_159 = arith.index_cast %add3A_158 : i32 to index
      %get3A_160 = tpu.vector_load %arg8[%get3A_159] {strides = array<i32>} : memref<10080xf32, #tpu.memory_space<vmem>>, vector<16xf32>,
      %mul3A_161 = arith.mulf %get3A_160, %gather3A_154 : vector<16xf32>
      %swap3A_162 = arith.constant 16 : index
      %swap3A_163 = tpu.vector_load %arg9[%swap3A_162] {strides = array<i32>} : memref<48xf32, #tpu.memory_space<vmem>>, vector<16xf32>,
      tpu.vector_store %arg9[%swap3A_162], %mul3A_161 {strides = array<i32>} : memref<48xf32, #tpu.memory_space<vmem>>, vector<16xf32>,
      %get3A_164 = arith.constant 32 : index
      %get3A_165 = tpu.vector_load %arg10[%get3A_164] {strides = array<i32>} : memref<48xi32, #tpu.memory_space<vmem>>, vector<16xi32>,
      %gather3A_166 = tpu.vector_load_idx %arg19[%get3A_165] : memref<10000xf32, #tpu.memory_space<vmem>>[vector<16xi32>], vector<16xf32>,
      %mul3A_167 = arith.constant 48 : i32
      %mul3A_168 = arith.muli %add3A_134, %mul3A_167 : i32
      %add3A_169 = arith.constant 32 : i32
      %add3A_170 = arith.addi %mul3A_168, %add3A_169 : i32
      %get3A_171 = arith.index_cast %add3A_170 : i32 to index
      %get3A_172 = tpu.vector_load %arg8[%get3A_171] {strides = array<i32>} : memref<10080xf32, #tpu.memory_space<vmem>>, vector<16xf32>,
      %mul3A_173 = arith.mulf %get3A_172, %gather3A_166 : vector<16xf32>
      %swap3A_174 = arith.constant 32 : index
      %swap3A_175 = tpu.vector_load %arg9[%swap3A_174] {strides = array<i32>} : memref<48xf32, #tpu.memory_space<vmem>>, vector<16xf32>,
      tpu.vector_store %arg9[%swap3A_174], %mul3A_173 {strides = array<i32>} : memref<48xf32, #tpu.memory_space<vmem>>, vector<16xf32>,
      %parallel_loop3A = arith.constant 0 : i32
      %parallel_loop3A_176 = arith.constant 48 : i32
      %parallel_loop3A_177 = arith.constant 1 : i32
      scf.for %parallel_loop3A_314 = %parallel_loop3A to %parallel_loop3A_176 step %parallel_loop3A_177  : i32 {
        %parallel_loop3A_315 = arith.constant 0 : i32
        %parallel_loop3A_316 = vector.broadcast %parallel_loop3A_315 : i32 to vector<16xi32>
        %parallel_loop3A_317 = vector.broadcast %parallel_loop3A_314 : i32 to vector<16xi32>
        %parallel_loop3A_318 = arith.addi %parallel_loop3A_316, %parallel_loop3A_317 : vector<16xi32>
        %parallel_loop3A_319 = tpu.vector_load_idx %arg9[%parallel_loop3A_318] : memref<48xf32, #tpu.memory_space<vmem>>[vector<16xi32>], vector<16xf32>,
        %parallel_loop3A_320 = arith.index_cast %parallel_loop3A_314 : i32 to index
        %parallel_loop3A_321 = arith.constant 0 : index
        %parallel_loop3A_322 = tpu.vector_load %arg16[%parallel_loop3A_320, %parallel_loop3A_321] {strides = array<i32>} : memref<48x128xf32, #tpu.memory_space<vmem>>, vector<16xf32>,
        %parallel_loop3A_323 = arith.mulf %parallel_loop3A_322, %parallel_loop3A_319 : vector<16xf32>
        %parallel_loop3A_324 = arith.index_cast %parallel_loop3A_314 : i32 to index
        %parallel_loop3A_325 = arith.constant 0 : index
        %parallel_loop3A_326 = tpu.vector_load %arg16[%parallel_loop3A_324, %parallel_loop3A_325] {strides = array<i32>} : memref<48x128xf32, #tpu.memory_space<vmem>>, vector<16xf32>,
        tpu.vector_store %arg16[%parallel_loop3A_324, %parallel_loop3A_325], %parallel_loop3A_323 {strides = array<i32>} : memref<48x128xf32, #tpu.memory_space<vmem>>, vector<16xf32>,
        %parallel_loop3A_327 = arith.index_cast %parallel_loop3A_314 : i32 to index
        %parallel_loop3A_328 = arith.constant 16 : index
        %parallel_loop3A_329 = tpu.vector_load %arg16[%parallel_loop3A_327, %parallel_loop3A_328] {strides = array<i32>} : memref<48x128xf32, #tpu.memory_space<vmem>>, vector<16xf32>,
        %parallel_loop3A_330 = arith.mulf %parallel_loop3A_329, %parallel_loop3A_319 : vector<16xf32>
        %parallel_loop3A_331 = arith.index_cast %parallel_loop3A_314 : i32 to index
        %parallel_loop3A_332 = arith.constant 16 : index
        %parallel_loop3A_333 = tpu.vector_load %arg16[%parallel_loop3A_331, %parallel_loop3A_332] {strides = array<i32>} : memref<48x128xf32, #tpu.memory_space<vmem>>, vector<16xf32>,
        tpu.vector_store %arg16[%parallel_loop3A_331, %parallel_loop3A_332], %parallel_loop3A_330 {strides = array<i32>} : memref<48x128xf32, #tpu.memory_space<vmem>>, vector<16xf32>,
        %parallel_loop3A_334 = arith.index_cast %parallel_loop3A_314 : i32 to index
        %parallel_loop3A_335 = arith.constant 32 : index
        %parallel_loop3A_336 = tpu.vector_load %arg16[%parallel_loop3A_334, %parallel_loop3A_335] {strides = array<i32>} : memref<48x128xf32, #tpu.memory_space<vmem>>, vector<16xf32>,
        %parallel_loop3A_337 = arith.mulf %parallel_loop3A_336, %parallel_loop3A_319 : vector<16xf32>
        %parallel_loop3A_338 = arith.index_cast %parallel_loop3A_314 : i32 to index
        %parallel_loop3A_339 = arith.constant 32 : index
        %parallel_loop3A_340 = tpu.vector_load %arg16[%parallel_loop3A_338, %parallel_loop3A_339] {strides = array<i32>} : memref<48x128xf32, #tpu.memory_space<vmem>>, vector<16xf32>,
        tpu.vector_store %arg16[%parallel_loop3A_338, %parallel_loop3A_339], %parallel_loop3A_337 {strides = array<i32>} : memref<48x128xf32, #tpu.memory_space<vmem>>, vector<16xf32>,
        %parallel_loop3A_341 = arith.index_cast %parallel_loop3A_314 : i32 to index
        %parallel_loop3A_342 = arith.constant 48 : index
        %parallel_loop3A_343 = tpu.vector_load %arg16[%parallel_loop3A_341, %parallel_loop3A_342] {strides = array<i32>} : memref<48x128xf32, #tpu.memory_space<vmem>>, vector<16xf32>,
        %parallel_loop3A_344 = arith.mulf %parallel_loop3A_343, %parallel_loop3A_319 : vector<16xf32>
        %parallel_loop3A_345 = arith.index_cast %parallel_loop3A_314 : i32 to index
        %parallel_loop3A_346 = arith.constant 48 : index
        %parallel_loop3A_347 = tpu.vector_load %arg16[%parallel_loop3A_345, %parallel_loop3A_346] {strides = array<i32>} : memref<48x128xf32, #tpu.memory_space<vmem>>, vector<16xf32>,
        tpu.vector_store %arg16[%parallel_loop3A_345, %parallel_loop3A_346], %parallel_loop3A_344 {strides = array<i32>} : memref<48x128xf32, #tpu.memory_space<vmem>>, vector<16xf32>,
        %parallel_loop3A_348 = arith.index_cast %parallel_loop3A_314 : i32 to index
        %parallel_loop3A_349 = arith.constant 64 : index
        %parallel_loop3A_350 = tpu.vector_load %arg16[%parallel_loop3A_348, %parallel_loop3A_349] {strides = array<i32>} : memref<48x128xf32, #tpu.memory_space<vmem>>, vector<16xf32>,
        %parallel_loop3A_351 = arith.mulf %parallel_loop3A_350, %parallel_loop3A_319 : vector<16xf32>
        %parallel_loop3A_352 = arith.index_cast %parallel_loop3A_314 : i32 to index
        %parallel_loop3A_353 = arith.constant 64 : index
        %parallel_loop3A_354 = tpu.vector_load %arg16[%parallel_loop3A_352, %parallel_loop3A_353] {strides = array<i32>} : memref<48x128xf32, #tpu.memory_space<vmem>>, vector<16xf32>,
        tpu.vector_store %arg16[%parallel_loop3A_352, %parallel_loop3A_353], %parallel_loop3A_351 {strides = array<i32>} : memref<48x128xf32, #tpu.memory_space<vmem>>, vector<16xf32>,
        %parallel_loop3A_355 = arith.index_cast %parallel_loop3A_314 : i32 to index
        %parallel_loop3A_356 = arith.constant 80 : index
        %parallel_loop3A_357 = tpu.vector_load %arg16[%parallel_loop3A_355, %parallel_loop3A_356] {strides = array<i32>} : memref<48x128xf32, #tpu.memory_space<vmem>>, vector<16xf32>,
        %parallel_loop3A_358 = arith.mulf %parallel_loop3A_357, %parallel_loop3A_319 : vector<16xf32>
        %parallel_loop3A_359 = arith.index_cast %parallel_loop3A_314 : i32 to index
        %parallel_loop3A_360 = arith.constant 80 : index
        %parallel_loop3A_361 = tpu.vector_load %arg16[%parallel_loop3A_359, %parallel_loop3A_360] {strides = array<i32>} : memref<48x128xf32, #tpu.memory_space<vmem>>, vector<16xf32>,
        tpu.vector_store %arg16[%parallel_loop3A_359, %parallel_loop3A_360], %parallel_loop3A_358 {strides = array<i32>} : memref<48x128xf32, #tpu.memory_space<vmem>>, vector<16xf32>,
        %parallel_loop3A_362 = arith.index_cast %parallel_loop3A_314 : i32 to index
        %parallel_loop3A_363 = arith.constant 96 : index
        %parallel_loop3A_364 = tpu.vector_load %arg16[%parallel_loop3A_362, %parallel_loop3A_363] {strides = array<i32>} : memref<48x128xf32, #tpu.memory_space<vmem>>, vector<16xf32>,
        %parallel_loop3A_365 = arith.mulf %parallel_loop3A_364, %parallel_loop3A_319 : vector<16xf32>
        %parallel_loop3A_366 = arith.index_cast %parallel_loop3A_314 : i32 to index
        %parallel_loop3A_367 = arith.constant 96 : index
        %parallel_loop3A_368 = tpu.vector_load %arg16[%parallel_loop3A_366, %parallel_loop3A_367] {strides = array<i32>} : memref<48x128xf32, #tpu.memory_space<vmem>>, vector<16xf32>,
        tpu.vector_store %arg16[%parallel_loop3A_366, %parallel_loop3A_367], %parallel_loop3A_365 {strides = array<i32>} : memref<48x128xf32, #tpu.memory_space<vmem>>, vector<16xf32>,
        %parallel_loop3A_369 = arith.index_cast %parallel_loop3A_314 : i32 to index
        %parallel_loop3A_370 = arith.constant 112 : index
        %parallel_loop3A_371 = tpu.vector_load %arg16[%parallel_loop3A_369, %parallel_loop3A_370] {strides = array<i32>} : memref<48x128xf32, #tpu.memory_space<vmem>>, vector<16xf32>,
        %parallel_loop3A_372 = arith.mulf %parallel_loop3A_371, %parallel_loop3A_319 : vector<16xf32>
        %parallel_loop3A_373 = arith.index_cast %parallel_loop3A_314 : i32 to index
        %parallel_loop3A_374 = arith.constant 112 : index
        %parallel_loop3A_375 = tpu.vector_load %arg16[%parallel_loop3A_373, %parallel_loop3A_374] {strides = array<i32>} : memref<48x128xf32, #tpu.memory_space<vmem>>, vector<16xf32>,
        tpu.vector_store %arg16[%parallel_loop3A_373, %parallel_loop3A_374], %parallel_loop3A_372 {strides = array<i32>} : memref<48x128xf32, #tpu.memory_space<vmem>>, vector<16xf32>,
      } {sc.loop_unroll_factor = 8 : i64, sc.parallel_access}
      %dma_start3A_178 = arith.constant 0 : i32
      %dma_start3A_179 = arith.constant 0 : i32
      %dma_start3A_180 = arith.constant 0 : i32
      %dma_start3A_181 = tpu.memref_slice %arg20[%dma_start3A_179, %dma_start3A_180] : memref<10008x128xf32, #tpu.memory_space<vmem_shared>> -> memref<10008x128xf32, #tpu.memory_space<vmem_shared>>
      %dma_start3A_182 = tpu.memref_slice %arg22[%dma_start3A_178] : memref<3x!tpu.dma_semaphore, #tpu.memory_space<semaphore_mem>> -> memref<1x!tpu.dma_semaphore, #tpu.memory_space<semaphore_mem>>
      %dma_start3A_183 = tpu.memref_squeeze %dma_start3A_182 : memref<1x!tpu.dma_semaphore, #tpu.memory_space<semaphore_mem>> -> memref<!tpu.dma_semaphore, #tpu.memory_space<semaphore_mem>>
      tpu.enqueue_indirect_dma source(%arg16 : memref<48x128xf32, #tpu.memory_space<vmem>>) target(%dma_start3A_181 : memref<10008x128xf32, #tpu.memory_space<vmem_shared>>) offsets(%arg13 : memref<48xi32, #tpu.memory_space<vmem>>) semaphore(%dma_start3A_183 : memref<!tpu.dma_semaphore, #tpu.memory_space<semaphore_mem>>) {add = true}
      %add3A_184 = arith.constant 2 : i32
      %add3A_185 = arith.addi %add3A_134, %add3A_184 : i32
      %lt3A = arith.constant 210 : i32
      %lt3A_186 = arith.cmpi slt, %add3A_185, %lt3A : i32
      %convert_element_type3A_187 = arith.extui %lt3A_186 : i1 to i32
      %cond3A_188 = arith.constant 0 : i32
      %cond3A_189 = arith.cmpi ne, %convert_element_type3A_187, %cond3A_188 : i32
      scf.if %cond3A_189 {
        %ge3A = arith.constant 3 : i32
        %ge3A_314 = arith.cmpi sge, %add3A_185, %ge3A : i32
        %convert_element_type3A_315 = arith.extui %ge3A_314 : i1 to i32
        %cond3A_316 = arith.constant 0 : i32
        %cond3A_317 = arith.cmpi ne, %convert_element_type3A_315, %cond3A_316 : i32
        scf.if %cond3A_317 {
          %dma_wait3A_372 = arith.constant 2 : i32
          %dma_wait3A_373 = arith.constant 0 : i32
          %dma_wait3A_374 = arith.constant 0 : i32
          %dma_wait3A_375 = tpu.memref_slice %arg20[%dma_wait3A_373, %dma_wait3A_374] : memref<10008x128xf32, #tpu.memory_space<vmem_shared>> -> memref<10008x128xf32, #tpu.memory_space<vmem_shared>>
          %dma_wait3A_376 = tpu.memref_slice %arg22[%dma_wait3A_372] : memref<3x!tpu.dma_semaphore, #tpu.memory_space<semaphore_mem>> -> memref<1x!tpu.dma_semaphore, #tpu.memory_space<semaphore_mem>>
          %dma_wait3A_377 = tpu.memref_squeeze %dma_wait3A_376 : memref<1x!tpu.dma_semaphore, #tpu.memory_space<semaphore_mem>> -> memref<!tpu.dma_semaphore, #tpu.memory_space<semaphore_mem>>
          tpu.wait_indirect_dma semaphore(%dma_wait3A_377 : memref<!tpu.dma_semaphore, #tpu.memory_space<semaphore_mem>>) src(%arg18 : memref<48x128xf32, #tpu.memory_space<vmem>>) dst(%dma_wait3A_375 : memref<10008x128xf32, #tpu.memory_space<vmem_shared>>)
        } else {
        }
        %mul3A_318 = arith.constant 48 : i32
        %mul3A_319 = arith.muli %add3A_185, %mul3A_318 : i32
        %add3A_320 = arith.constant 0 : i32
        %add3A_321 = arith.addi %mul3A_319, %add3A_320 : i32
        %get3A_322 = arith.index_cast %add3A_321 : i32 to index
        %get3A_323 = tpu.vector_load %arg7[%get3A_322] {strides = array<i32>} : memref<10080xi32, #tpu.memory_space<vmem>>, vector<16xi32>,
        %and3A_324 = arith.constant 65535 : i32
        %and3A_325 = vector.broadcast %and3A_324 : i32 to vector<16xi32>
        %and3A_326 = arith.andi %get3A_323, %and3A_325 : vector<16xi32>
        %swap3A_327 = arith.constant 0 : index
        %swap3A_328 = tpu.vector_load %arg12[%swap3A_327] {strides = array<i32>} : memref<48xi32, #tpu.memory_space<vmem>>, vector<16xi32>,
        tpu.vector_store %arg12[%swap3A_327], %and3A_326 {strides = array<i32>} : memref<48xi32, #tpu.memory_space<vmem>>, vector<16xi32>,
        %shift_right_logical3A_329 = arith.constant 16 : i32
        %shift_right_logical3A_330 = vector.broadcast %shift_right_logical3A_329 : i32 to vector<16xi32>
        %shift_right_logical3A_331 = arith.shrui %get3A_323, %shift_right_logical3A_330 : vector<16xi32>
        %swap3A_332 = arith.constant 0 : index
        %swap3A_333 = tpu.vector_load %arg15[%swap3A_332] {strides = array<i32>} : memref<48xi32, #tpu.memory_space<vmem>>, vector<16xi32>,
        tpu.vector_store %arg15[%swap3A_332], %shift_right_logical3A_331 {strides = array<i32>} : memref<48xi32, #tpu.memory_space<vmem>>, vector<16xi32>,
        %mul3A_334 = arith.constant 48 : i32
        %mul3A_335 = arith.muli %add3A_185, %mul3A_334 : i32
        %add3A_336 = arith.constant 16 : i32
        %add3A_337 = arith.addi %mul3A_335, %add3A_336 : i32
        %get3A_338 = arith.index_cast %add3A_337 : i32 to index
        %get3A_339 = tpu.vector_load %arg7[%get3A_338] {strides = array<i32>} : memref<10080xi32, #tpu.memory_space<vmem>>, vector<16xi32>,
        %and3A_340 = arith.constant 65535 : i32
        %and3A_341 = vector.broadcast %and3A_340 : i32 to vector<16xi32>
        %and3A_342 = arith.andi %get3A_339, %and3A_341 : vector<16xi32>
        %swap3A_343 = arith.constant 16 : index
        %swap3A_344 = tpu.vector_load %arg12[%swap3A_343] {strides = array<i32>} : memref<48xi32, #tpu.memory_space<vmem>>, vector<16xi32>,
        tpu.vector_store %arg12[%swap3A_343], %and3A_342 {strides = array<i32>} : memref<48xi32, #tpu.memory_space<vmem>>, vector<16xi32>,
        %shift_right_logical3A_345 = arith.constant 16 : i32
        %shift_right_logical3A_346 = vector.broadcast %shift_right_logical3A_345 : i32 to vector<16xi32>
        %shift_right_logical3A_347 = arith.shrui %get3A_339, %shift_right_logical3A_346 : vector<16xi32>
        %swap3A_348 = arith.constant 16 : index
        %swap3A_349 = tpu.vector_load %arg15[%swap3A_348] {strides = array<i32>} : memref<48xi32, #tpu.memory_space<vmem>>, vector<16xi32>,
        tpu.vector_store %arg15[%swap3A_348], %shift_right_logical3A_347 {strides = array<i32>} : memref<48xi32, #tpu.memory_space<vmem>>, vector<16xi32>,
        %mul3A_350 = arith.constant 48 : i32
        %mul3A_351 = arith.muli %add3A_185, %mul3A_350 : i32
        %add3A_352 = arith.constant 32 : i32
        %add3A_353 = arith.addi %mul3A_351, %add3A_352 : i32
        %get3A_354 = arith.index_cast %add3A_353 : i32 to index
        %get3A_355 = tpu.vector_load %arg7[%get3A_354] {strides = array<i32>} : memref<10080xi32, #tpu.memory_space<vmem>>, vector<16xi32>,
        %and3A_356 = arith.constant 65535 : i32
        %and3A_357 = vector.broadcast %and3A_356 : i32 to vector<16xi32>
        %and3A_358 = arith.andi %get3A_355, %and3A_357 : vector<16xi32>
        %swap3A_359 = arith.constant 32 : index
        %swap3A_360 = tpu.vector_load %arg12[%swap3A_359] {strides = array<i32>} : memref<48xi32, #tpu.memory_space<vmem>>, vector<16xi32>,
        tpu.vector_store %arg12[%swap3A_359], %and3A_358 {strides = array<i32>} : memref<48xi32, #tpu.memory_space<vmem>>, vector<16xi32>,
        %shift_right_logical3A_361 = arith.constant 16 : i32
        %shift_right_logical3A_362 = vector.broadcast %shift_right_logical3A_361 : i32 to vector<16xi32>
        %shift_right_logical3A_363 = arith.shrui %get3A_355, %shift_right_logical3A_362 : vector<16xi32>
        %swap3A_364 = arith.constant 32 : index
        %swap3A_365 = tpu.vector_load %arg15[%swap3A_364] {strides = array<i32>} : memref<48xi32, #tpu.memory_space<vmem>>, vector<16xi32>,
        tpu.vector_store %arg15[%swap3A_364], %shift_right_logical3A_363 {strides = array<i32>} : memref<48xi32, #tpu.memory_space<vmem>>, vector<16xi32>,
        %dma_start3A_366 = arith.constant 2 : i32
        %dma_start3A_367 = arith.constant 0 : i32
        %dma_start3A_368 = arith.constant 0 : i32
        %dma_start3A_369 = tpu.memref_slice %arg2[%dma_start3A_367, %dma_start3A_368] : memref<10000x128xf32, #tpu.memory_space<hbm>> -> memref<10000x128xf32, #tpu.memory_space<hbm>>
        %dma_start3A_370 = tpu.memref_slice %arg21[%dma_start3A_366] : memref<3x!tpu.dma_semaphore, #tpu.memory_space<semaphore_mem>> -> memref<1x!tpu.dma_semaphore, #tpu.memory_space<semaphore_mem>>
        %dma_start3A_371 = tpu.memref_squeeze %dma_start3A_370 : memref<1x!tpu.dma_semaphore, #tpu.memory_space<semaphore_mem>> -> memref<!tpu.dma_semaphore, #tpu.memory_space<semaphore_mem>>
        tpu.enqueue_indirect_dma source(%dma_start3A_369 : memref<10000x128xf32, #tpu.memory_space<hbm>>) target(%arg18 : memref<48x128xf32, #tpu.memory_space<vmem>>) offsets(%arg12 : memref<48xi32, #tpu.memory_space<vmem>>) semaphore(%dma_start3A_371 : memref<!tpu.dma_semaphore, #tpu.memory_space<semaphore_mem>>)
      } else {
      }
      %mul3A_190 = arith.constant 3 : i32
      %mul3A_191 = arith.muli %add3A_130, %mul3A_190 : i32
      %add3A_192 = arith.constant 1 : i32
      %add3A_193 = arith.addi %mul3A_191, %add3A_192 : i32
      %dma_wait3A_194 = arith.constant 1 : i32
      %dma_wait3A_195 = arith.constant 0 : i32
      %dma_wait3A_196 = arith.constant 0 : i32
      %dma_wait3A_197 = tpu.memref_slice %arg2[%dma_wait3A_195, %dma_wait3A_196] : memref<10000x128xf32, #tpu.memory_space<hbm>> -> memref<10000x128xf32, #tpu.memory_space<hbm>>
      %dma_wait3A_198 = tpu.memref_slice %arg21[%dma_wait3A_194] : memref<3x!tpu.dma_semaphore, #tpu.memory_space<semaphore_mem>> -> memref<1x!tpu.dma_semaphore, #tpu.memory_space<semaphore_mem>>
      %dma_wait3A_199 = tpu.memref_squeeze %dma_wait3A_198 : memref<1x!tpu.dma_semaphore, #tpu.memory_space<semaphore_mem>> -> memref<!tpu.dma_semaphore, #tpu.memory_space<semaphore_mem>>
      tpu.wait_indirect_dma semaphore(%dma_wait3A_199 : memref<!tpu.dma_semaphore, #tpu.memory_space<semaphore_mem>>) src(%dma_wait3A_197 : memref<10000x128xf32, #tpu.memory_space<hbm>>) dst(%arg17 : memref<48x128xf32, #tpu.memory_space<vmem>>)
      %get3A_200 = arith.constant 0 : index
      %get3A_201 = tpu.vector_load %arg11[%get3A_200] {strides = array<i32>} : memref<48xi32, #tpu.memory_space<vmem>>, vector<16xi32>,
      %gather3A_202 = tpu.vector_load_idx %arg19[%get3A_201] : memref<10000xf32, #tpu.memory_space<vmem>>[vector<16xi32>], vector<16xf32>,
      %mul3A_203 = arith.constant 48 : i32
      %mul3A_204 = arith.muli %add3A_193, %mul3A_203 : i32
      %add3A_205 = arith.constant 0 : i32
      %add3A_206 = arith.addi %mul3A_204, %add3A_205 : i32
      %get3A_207 = arith.index_cast %add3A_206 : i32 to index
      %get3A_208 = tpu.vector_load %arg8[%get3A_207] {strides = array<i32>} : memref<10080xf32, #tpu.memory_space<vmem>>, vector<16xf32>,
      %mul3A_209 = arith.mulf %get3A_208, %gather3A_202 : vector<16xf32>
      %swap3A_210 = arith.constant 0 : index
      %swap3A_211 = tpu.vector_load %arg9[%swap3A_210] {strides = array<i32>} : memref<48xf32, #tpu.memory_space<vmem>>, vector<16xf32>,
      tpu.vector_store %arg9[%swap3A_210], %mul3A_209 {strides = array<i32>} : memref<48xf32, #tpu.memory_space<vmem>>, vector<16xf32>,
      %get3A_212 = arith.constant 16 : index
      %get3A_213 = tpu.vector_load %arg11[%get3A_212] {strides = array<i32>} : memref<48xi32, #tpu.memory_space<vmem>>, vector<16xi32>,
      %gather3A_214 = tpu.vector_load_idx %arg19[%get3A_213] : memref<10000xf32, #tpu.memory_space<vmem>>[vector<16xi32>], vector<16xf32>,
      %mul3A_215 = arith.constant 48 : i32
      %mul3A_216 = arith.muli %add3A_193, %mul3A_215 : i32
      %add3A_217 = arith.constant 16 : i32
      %add3A_218 = arith.addi %mul3A_216, %add3A_217 : i32
      %get3A_219 = arith.index_cast %add3A_218 : i32 to index
      %get3A_220 = tpu.vector_load %arg8[%get3A_219] {strides = array<i32>} : memref<10080xf32, #tpu.memory_space<vmem>>, vector<16xf32>,
      %mul3A_221 = arith.mulf %get3A_220, %gather3A_214 : vector<16xf32>
      %swap3A_222 = arith.constant 16 : index
      %swap3A_223 = tpu.vector_load %arg9[%swap3A_222] {strides = array<i32>} : memref<48xf32, #tpu.memory_space<vmem>>, vector<16xf32>,
      tpu.vector_store %arg9[%swap3A_222], %mul3A_221 {strides = array<i32>} : memref<48xf32, #tpu.memory_space<vmem>>, vector<16xf32>,
      %get3A_224 = arith.constant 32 : index
      %get3A_225 = tpu.vector_load %arg11[%get3A_224] {strides = array<i32>} : memref<48xi32, #tpu.memory_space<vmem>>, vector<16xi32>,
      %gather3A_226 = tpu.vector_load_idx %arg19[%get3A_225] : memref<10000xf32, #tpu.memory_space<vmem>>[vector<16xi32>], vector<16xf32>,
      %mul3A_227 = arith.constant 48 : i32
      %mul3A_228 = arith.muli %add3A_193, %mul3A_227 : i32
      %add3A_229 = arith.constant 32 : i32
      %add3A_230 = arith.addi %mul3A_228, %add3A_229 : i32
      %get3A_231 = arith.index_cast %add3A_230 : i32 to index
      %get3A_232 = tpu.vector_load %arg8[%get3A_231] {strides = array<i32>} : memref<10080xf32, #tpu.memory_space<vmem>>, vector<16xf32>,
      %mul3A_233 = arith.mulf %get3A_232, %gather3A_226 : vector<16xf32>
      %swap3A_234 = arith.constant 32 : index
      %swap3A_235 = tpu.vector_load %arg9[%swap3A_234] {strides = array<i32>} : memref<48xf32, #tpu.memory_space<vmem>>, vector<16xf32>,
      tpu.vector_store %arg9[%swap3A_234], %mul3A_233 {strides = array<i32>} : memref<48xf32, #tpu.memory_space<vmem>>, vector<16xf32>,
      %parallel_loop3A_236 = arith.constant 0 : i32
      %parallel_loop3A_237 = arith.constant 48 : i32
      %parallel_loop3A_238 = arith.constant 1 : i32
      scf.for %parallel_loop3A_314 = %parallel_loop3A_236 to %parallel_loop3A_237 step %parallel_loop3A_238  : i32 {
        %parallel_loop3A_315 = arith.constant 0 : i32
        %parallel_loop3A_316 = vector.broadcast %parallel_loop3A_315 : i32 to vector<16xi32>
        %parallel_loop3A_317 = vector.broadcast %parallel_loop3A_314 : i32 to vector<16xi32>
        %parallel_loop3A_318 = arith.addi %parallel_loop3A_316, %parallel_loop3A_317 : vector<16xi32>
        %parallel_loop3A_319 = tpu.vector_load_idx %arg9[%parallel_loop3A_318] : memref<48xf32, #tpu.memory_space<vmem>>[vector<16xi32>], vector<16xf32>,
        %parallel_loop3A_320 = arith.index_cast %parallel_loop3A_314 : i32 to index
        %parallel_loop3A_321 = arith.constant 0 : index
        %parallel_loop3A_322 = tpu.vector_load %arg17[%parallel_loop3A_320, %parallel_loop3A_321] {strides = array<i32>} : memref<48x128xf32, #tpu.memory_space<vmem>>, vector<16xf32>,
        %parallel_loop3A_323 = arith.mulf %parallel_loop3A_322, %parallel_loop3A_319 : vector<16xf32>
        %parallel_loop3A_324 = arith.index_cast %parallel_loop3A_314 : i32 to index
        %parallel_loop3A_325 = arith.constant 0 : index
        %parallel_loop3A_326 = tpu.vector_load %arg17[%parallel_loop3A_324, %parallel_loop3A_325] {strides = array<i32>} : memref<48x128xf32, #tpu.memory_space<vmem>>, vector<16xf32>,
        tpu.vector_store %arg17[%parallel_loop3A_324, %parallel_loop3A_325], %parallel_loop3A_323 {strides = array<i32>} : memref<48x128xf32, #tpu.memory_space<vmem>>, vector<16xf32>,
        %parallel_loop3A_327 = arith.index_cast %parallel_loop3A_314 : i32 to index
        %parallel_loop3A_328 = arith.constant 16 : index
        %parallel_loop3A_329 = tpu.vector_load %arg17[%parallel_loop3A_327, %parallel_loop3A_328] {strides = array<i32>} : memref<48x128xf32, #tpu.memory_space<vmem>>, vector<16xf32>,
        %parallel_loop3A_330 = arith.mulf %parallel_loop3A_329, %parallel_loop3A_319 : vector<16xf32>
        %parallel_loop3A_331 = arith.index_cast %parallel_loop3A_314 : i32 to index
        %parallel_loop3A_332 = arith.constant 16 : index
        %parallel_loop3A_333 = tpu.vector_load %arg17[%parallel_loop3A_331, %parallel_loop3A_332] {strides = array<i32>} : memref<48x128xf32, #tpu.memory_space<vmem>>, vector<16xf32>,
        tpu.vector_store %arg17[%parallel_loop3A_331, %parallel_loop3A_332], %parallel_loop3A_330 {strides = array<i32>} : memref<48x128xf32, #tpu.memory_space<vmem>>, vector<16xf32>,
        %parallel_loop3A_334 = arith.index_cast %parallel_loop3A_314 : i32 to index
        %parallel_loop3A_335 = arith.constant 32 : index
        %parallel_loop3A_336 = tpu.vector_load %arg17[%parallel_loop3A_334, %parallel_loop3A_335] {strides = array<i32>} : memref<48x128xf32, #tpu.memory_space<vmem>>, vector<16xf32>,
        %parallel_loop3A_337 = arith.mulf %parallel_loop3A_336, %parallel_loop3A_319 : vector<16xf32>
        %parallel_loop3A_338 = arith.index_cast %parallel_loop3A_314 : i32 to index
        %parallel_loop3A_339 = arith.constant 32 : index
        %parallel_loop3A_340 = tpu.vector_load %arg17[%parallel_loop3A_338, %parallel_loop3A_339] {strides = array<i32>} : memref<48x128xf32, #tpu.memory_space<vmem>>, vector<16xf32>,
        tpu.vector_store %arg17[%parallel_loop3A_338, %parallel_loop3A_339], %parallel_loop3A_337 {strides = array<i32>} : memref<48x128xf32, #tpu.memory_space<vmem>>, vector<16xf32>,
        %parallel_loop3A_341 = arith.index_cast %parallel_loop3A_314 : i32 to index
        %parallel_loop3A_342 = arith.constant 48 : index
        %parallel_loop3A_343 = tpu.vector_load %arg17[%parallel_loop3A_341, %parallel_loop3A_342] {strides = array<i32>} : memref<48x128xf32, #tpu.memory_space<vmem>>, vector<16xf32>,
        %parallel_loop3A_344 = arith.mulf %parallel_loop3A_343, %parallel_loop3A_319 : vector<16xf32>
        %parallel_loop3A_345 = arith.index_cast %parallel_loop3A_314 : i32 to index
        %parallel_loop3A_346 = arith.constant 48 : index
        %parallel_loop3A_347 = tpu.vector_load %arg17[%parallel_loop3A_345, %parallel_loop3A_346] {strides = array<i32>} : memref<48x128xf32, #tpu.memory_space<vmem>>, vector<16xf32>,
        tpu.vector_store %arg17[%parallel_loop3A_345, %parallel_loop3A_346], %parallel_loop3A_344 {strides = array<i32>} : memref<48x128xf32, #tpu.memory_space<vmem>>, vector<16xf32>,
        %parallel_loop3A_348 = arith.index_cast %parallel_loop3A_314 : i32 to index
        %parallel_loop3A_349 = arith.constant 64 : index
        %parallel_loop3A_350 = tpu.vector_load %arg17[%parallel_loop3A_348, %parallel_loop3A_349] {strides = array<i32>} : memref<48x128xf32, #tpu.memory_space<vmem>>, vector<16xf32>,
        %parallel_loop3A_351 = arith.mulf %parallel_loop3A_350, %parallel_loop3A_319 : vector<16xf32>
        %parallel_loop3A_352 = arith.index_cast %parallel_loop3A_314 : i32 to index
        %parallel_loop3A_353 = arith.constant 64 : index
        %parallel_loop3A_354 = tpu.vector_load %arg17[%parallel_loop3A_352, %parallel_loop3A_353] {strides = array<i32>} : memref<48x128xf32, #tpu.memory_space<vmem>>, vector<16xf32>,
        tpu.vector_store %arg17[%parallel_loop3A_352, %parallel_loop3A_353], %parallel_loop3A_351 {strides = array<i32>} : memref<48x128xf32, #tpu.memory_space<vmem>>, vector<16xf32>,
        %parallel_loop3A_355 = arith.index_cast %parallel_loop3A_314 : i32 to index
        %parallel_loop3A_356 = arith.constant 80 : index
        %parallel_loop3A_357 = tpu.vector_load %arg17[%parallel_loop3A_355, %parallel_loop3A_356] {strides = array<i32>} : memref<48x128xf32, #tpu.memory_space<vmem>>, vector<16xf32>,
        %parallel_loop3A_358 = arith.mulf %parallel_loop3A_357, %parallel_loop3A_319 : vector<16xf32>
        %parallel_loop3A_359 = arith.index_cast %parallel_loop3A_314 : i32 to index
        %parallel_loop3A_360 = arith.constant 80 : index
        %parallel_loop3A_361 = tpu.vector_load %arg17[%parallel_loop3A_359, %parallel_loop3A_360] {strides = array<i32>} : memref<48x128xf32, #tpu.memory_space<vmem>>, vector<16xf32>,
        tpu.vector_store %arg17[%parallel_loop3A_359, %parallel_loop3A_360], %parallel_loop3A_358 {strides = array<i32>} : memref<48x128xf32, #tpu.memory_space<vmem>>, vector<16xf32>,
        %parallel_loop3A_362 = arith.index_cast %parallel_loop3A_314 : i32 to index
        %parallel_loop3A_363 = arith.constant 96 : index
        %parallel_loop3A_364 = tpu.vector_load %arg17[%parallel_loop3A_362, %parallel_loop3A_363] {strides = array<i32>} : memref<48x128xf32, #tpu.memory_space<vmem>>, vector<16xf32>,
        %parallel_loop3A_365 = arith.mulf %parallel_loop3A_364, %parallel_loop3A_319 : vector<16xf32>
        %parallel_loop3A_366 = arith.index_cast %parallel_loop3A_314 : i32 to index
        %parallel_loop3A_367 = arith.constant 96 : index
        %parallel_loop3A_368 = tpu.vector_load %arg17[%parallel_loop3A_366, %parallel_loop3A_367] {strides = array<i32>} : memref<48x128xf32, #tpu.memory_space<vmem>>, vector<16xf32>,
        tpu.vector_store %arg17[%parallel_loop3A_366, %parallel_loop3A_367], %parallel_loop3A_365 {strides = array<i32>} : memref<48x128xf32, #tpu.memory_space<vmem>>, vector<16xf32>,
        %parallel_loop3A_369 = arith.index_cast %parallel_loop3A_314 : i32 to index
        %parallel_loop3A_370 = arith.constant 112 : index
        %parallel_loop3A_371 = tpu.vector_load %arg17[%parallel_loop3A_369, %parallel_loop3A_370] {strides = array<i32>} : memref<48x128xf32, #tpu.memory_space<vmem>>, vector<16xf32>,
        %parallel_loop3A_372 = arith.mulf %parallel_loop3A_371, %parallel_loop3A_319 : vector<16xf32>
        %parallel_loop3A_373 = arith.index_cast %parallel_loop3A_314 : i32 to index
        %parallel_loop3A_374 = arith.constant 112 : index
        %parallel_loop3A_375 = tpu.vector_load %arg17[%parallel_loop3A_373, %parallel_loop3A_374] {strides = array<i32>} : memref<48x128xf32, #tpu.memory_space<vmem>>, vector<16xf32>,
        tpu.vector_store %arg17[%parallel_loop3A_373, %parallel_loop3A_374], %parallel_loop3A_372 {strides = array<i32>} : memref<48x128xf32, #tpu.memory_space<vmem>>, vector<16xf32>,
      } {sc.loop_unroll_factor = 8 : i64, sc.parallel_access}
      %dma_start3A_239 = arith.constant 1 : i32
      %dma_start3A_240 = arith.constant 0 : i32
      %dma_start3A_241 = arith.constant 0 : i32
      %dma_start3A_242 = tpu.memref_slice %arg20[%dma_start3A_240, %dma_start3A_241] : memref<10008x128xf32, #tpu.memory_space<vmem_shared>> -> memref<10008x128xf32, #tpu.memory_space<vmem_shared>>
      %dma_start3A_243 = tpu.memref_slice %arg22[%dma_start3A_239] : memref<3x!tpu.dma_semaphore, #tpu.memory_space<semaphore_mem>> -> memref<1x!tpu.dma_semaphore, #tpu.memory_space<semaphore_mem>>
      %dma_start3A_244 = tpu.memref_squeeze %dma_start3A_243 : memref<1x!tpu.dma_semaphore, #tpu.memory_space<semaphore_mem>> -> memref<!tpu.dma_semaphore, #tpu.memory_space<semaphore_mem>>
      tpu.enqueue_indirect_dma source(%arg17 : memref<48x128xf32, #tpu.memory_space<vmem>>) target(%dma_start3A_242 : memref<10008x128xf32, #tpu.memory_space<vmem_shared>>) offsets(%arg14 : memref<48xi32, #tpu.memory_space<vmem>>) semaphore(%dma_start3A_244 : memref<!tpu.dma_semaphore, #tpu.memory_space<semaphore_mem>>) {add = true}
      %add3A_245 = arith.constant 2 : i32
      %add3A_246 = arith.addi %add3A_193, %add3A_245 : i32
      %lt3A_247 = arith.constant 210 : i32
      %lt3A_248 = arith.cmpi slt, %add3A_246, %lt3A_247 : i32
      %convert_element_type3A_249 = arith.extui %lt3A_248 : i1 to i32
      %cond3A_250 = arith.constant 0 : i32
      %cond3A_251 = arith.cmpi ne, %convert_element_type3A_249, %cond3A_250 : i32
      scf.if %cond3A_251 {
        %ge3A = arith.constant 3 : i32
        %ge3A_314 = arith.cmpi sge, %add3A_246, %ge3A : i32
        %convert_element_type3A_315 = arith.extui %ge3A_314 : i1 to i32
        %cond3A_316 = arith.constant 0 : i32
        %cond3A_317 = arith.cmpi ne, %convert_element_type3A_315, %cond3A_316 : i32
        scf.if %cond3A_317 {
          %dma_wait3A_372 = arith.constant 0 : i32
          %dma_wait3A_373 = arith.constant 0 : i32
          %dma_wait3A_374 = arith.constant 0 : i32
          %dma_wait3A_375 = tpu.memref_slice %arg20[%dma_wait3A_373, %dma_wait3A_374] : memref<10008x128xf32, #tpu.memory_space<vmem_shared>> -> memref<10008x128xf32, #tpu.memory_space<vmem_shared>>
          %dma_wait3A_376 = tpu.memref_slice %arg22[%dma_wait3A_372] : memref<3x!tpu.dma_semaphore, #tpu.memory_space<semaphore_mem>> -> memref<1x!tpu.dma_semaphore, #tpu.memory_space<semaphore_mem>>
          %dma_wait3A_377 = tpu.memref_squeeze %dma_wait3A_376 : memref<1x!tpu.dma_semaphore, #tpu.memory_space<semaphore_mem>> -> memref<!tpu.dma_semaphore, #tpu.memory_space<semaphore_mem>>
          tpu.wait_indirect_dma semaphore(%dma_wait3A_377 : memref<!tpu.dma_semaphore, #tpu.memory_space<semaphore_mem>>) src(%arg16 : memref<48x128xf32, #tpu.memory_space<vmem>>) dst(%dma_wait3A_375 : memref<10008x128xf32, #tpu.memory_space<vmem_shared>>)
        } else {
        }
        %mul3A_318 = arith.constant 48 : i32
        %mul3A_319 = arith.muli %add3A_246, %mul3A_318 : i32
        %add3A_320 = arith.constant 0 : i32
        %add3A_321 = arith.addi %mul3A_319, %add3A_320 : i32
        %get3A_322 = arith.index_cast %add3A_321 : i32 to index
        %get3A_323 = tpu.vector_load %arg7[%get3A_322] {strides = array<i32>} : memref<10080xi32, #tpu.memory_space<vmem>>, vector<16xi32>,
        %and3A_324 = arith.constant 65535 : i32
        %and3A_325 = vector.broadcast %and3A_324 : i32 to vector<16xi32>
        %and3A_326 = arith.andi %get3A_323, %and3A_325 : vector<16xi32>
        %swap3A_327 = arith.constant 0 : index
        %swap3A_328 = tpu.vector_load %arg10[%swap3A_327] {strides = array<i32>} : memref<48xi32, #tpu.memory_space<vmem>>, vector<16xi32>,
        tpu.vector_store %arg10[%swap3A_327], %and3A_326 {strides = array<i32>} : memref<48xi32, #tpu.memory_space<vmem>>, vector<16xi32>,
        %shift_right_logical3A_329 = arith.constant 16 : i32
        %shift_right_logical3A_330 = vector.broadcast %shift_right_logical3A_329 : i32 to vector<16xi32>
        %shift_right_logical3A_331 = arith.shrui %get3A_323, %shift_right_logical3A_330 : vector<16xi32>
        %swap3A_332 = arith.constant 0 : index
        %swap3A_333 = tpu.vector_load %arg13[%swap3A_332] {strides = array<i32>} : memref<48xi32, #tpu.memory_space<vmem>>, vector<16xi32>,
        tpu.vector_store %arg13[%swap3A_332], %shift_right_logical3A_331 {strides = array<i32>} : memref<48xi32, #tpu.memory_space<vmem>>, vector<16xi32>,
        %mul3A_334 = arith.constant 48 : i32
        %mul3A_335 = arith.muli %add3A_246, %mul3A_334 : i32
        %add3A_336 = arith.constant 16 : i32
        %add3A_337 = arith.addi %mul3A_335, %add3A_336 : i32
        %get3A_338 = arith.index_cast %add3A_337 : i32 to index
        %get3A_339 = tpu.vector_load %arg7[%get3A_338] {strides = array<i32>} : memref<10080xi32, #tpu.memory_space<vmem>>, vector<16xi32>,
        %and3A_340 = arith.constant 65535 : i32
        %and3A_341 = vector.broadcast %and3A_340 : i32 to vector<16xi32>
        %and3A_342 = arith.andi %get3A_339, %and3A_341 : vector<16xi32>
        %swap3A_343 = arith.constant 16 : index
        %swap3A_344 = tpu.vector_load %arg10[%swap3A_343] {strides = array<i32>} : memref<48xi32, #tpu.memory_space<vmem>>, vector<16xi32>,
        tpu.vector_store %arg10[%swap3A_343], %and3A_342 {strides = array<i32>} : memref<48xi32, #tpu.memory_space<vmem>>, vector<16xi32>,
        %shift_right_logical3A_345 = arith.constant 16 : i32
        %shift_right_logical3A_346 = vector.broadcast %shift_right_logical3A_345 : i32 to vector<16xi32>
        %shift_right_logical3A_347 = arith.shrui %get3A_339, %shift_right_logical3A_346 : vector<16xi32>
        %swap3A_348 = arith.constant 16 : index
        %swap3A_349 = tpu.vector_load %arg13[%swap3A_348] {strides = array<i32>} : memref<48xi32, #tpu.memory_space<vmem>>, vector<16xi32>,
        tpu.vector_store %arg13[%swap3A_348], %shift_right_logical3A_347 {strides = array<i32>} : memref<48xi32, #tpu.memory_space<vmem>>, vector<16xi32>,
        %mul3A_350 = arith.constant 48 : i32
        %mul3A_351 = arith.muli %add3A_246, %mul3A_350 : i32
        %add3A_352 = arith.constant 32 : i32
        %add3A_353 = arith.addi %mul3A_351, %add3A_352 : i32
        %get3A_354 = arith.index_cast %add3A_353 : i32 to index
        %get3A_355 = tpu.vector_load %arg7[%get3A_354] {strides = array<i32>} : memref<10080xi32, #tpu.memory_space<vmem>>, vector<16xi32>,
        %and3A_356 = arith.constant 65535 : i32
        %and3A_357 = vector.broadcast %and3A_356 : i32 to vector<16xi32>
        %and3A_358 = arith.andi %get3A_355, %and3A_357 : vector<16xi32>
        %swap3A_359 = arith.constant 32 : index
        %swap3A_360 = tpu.vector_load %arg10[%swap3A_359] {strides = array<i32>} : memref<48xi32, #tpu.memory_space<vmem>>, vector<16xi32>,
        tpu.vector_store %arg10[%swap3A_359], %and3A_358 {strides = array<i32>} : memref<48xi32, #tpu.memory_space<vmem>>, vector<16xi32>,
        %shift_right_logical3A_361 = arith.constant 16 : i32
        %shift_right_logical3A_362 = vector.broadcast %shift_right_logical3A_361 : i32 to vector<16xi32>
        %shift_right_logical3A_363 = arith.shrui %get3A_355, %shift_right_logical3A_362 : vector<16xi32>
        %swap3A_364 = arith.constant 32 : index
        %swap3A_365 = tpu.vector_load %arg13[%swap3A_364] {strides = array<i32>} : memref<48xi32, #tpu.memory_space<vmem>>, vector<16xi32>,
        tpu.vector_store %arg13[%swap3A_364], %shift_right_logical3A_363 {strides = array<i32>} : memref<48xi32, #tpu.memory_space<vmem>>, vector<16xi32>,
        %dma_start3A_366 = arith.constant 0 : i32
        %dma_start3A_367 = arith.constant 0 : i32
        %dma_start3A_368 = arith.constant 0 : i32
        %dma_start3A_369 = tpu.memref_slice %arg2[%dma_start3A_367, %dma_start3A_368] : memref<10000x128xf32, #tpu.memory_space<hbm>> -> memref<10000x128xf32, #tpu.memory_space<hbm>>
        %dma_start3A_370 = tpu.memref_slice %arg21[%dma_start3A_366] : memref<3x!tpu.dma_semaphore, #tpu.memory_space<semaphore_mem>> -> memref<1x!tpu.dma_semaphore, #tpu.memory_space<semaphore_mem>>
        %dma_start3A_371 = tpu.memref_squeeze %dma_start3A_370 : memref<1x!tpu.dma_semaphore, #tpu.memory_space<semaphore_mem>> -> memref<!tpu.dma_semaphore, #tpu.memory_space<semaphore_mem>>
        tpu.enqueue_indirect_dma source(%dma_start3A_369 : memref<10000x128xf32, #tpu.memory_space<hbm>>) target(%arg16 : memref<48x128xf32, #tpu.memory_space<vmem>>) offsets(%arg10 : memref<48xi32, #tpu.memory_space<vmem>>) semaphore(%dma_start3A_371 : memref<!tpu.dma_semaphore, #tpu.memory_space<semaphore_mem>>)
      } else {
      }
      %mul3A_252 = arith.constant 3 : i32
      %mul3A_253 = arith.muli %add3A_130, %mul3A_252 : i32
      %add3A_254 = arith.constant 2 : i32
      %add3A_255 = arith.addi %mul3A_253, %add3A_254 : i32
      %dma_wait3A_256 = arith.constant 2 : i32
      %dma_wait3A_257 = arith.constant 0 : i32
      %dma_wait3A_258 = arith.constant 0 : i32
      %dma_wait3A_259 = tpu.memref_slice %arg2[%dma_wait3A_257, %dma_wait3A_258] : memref<10000x128xf32, #tpu.memory_space<hbm>> -> memref<10000x128xf32, #tpu.memory_space<hbm>>
      %dma_wait3A_260 = tpu.memref_slice %arg21[%dma_wait3A_256] : memref<3x!tpu.dma_semaphore, #tpu.memory_space<semaphore_mem>> -> memref<1x!tpu.dma_semaphore, #tpu.memory_space<semaphore_mem>>
      %dma_wait3A_261 = tpu.memref_squeeze %dma_wait3A_260 : memref<1x!tpu.dma_semaphore, #tpu.memory_space<semaphore_mem>> -> memref<!tpu.dma_semaphore, #tpu.memory_space<semaphore_mem>>
      tpu.wait_indirect_dma semaphore(%dma_wait3A_261 : memref<!tpu.dma_semaphore, #tpu.memory_space<semaphore_mem>>) src(%dma_wait3A_259 : memref<10000x128xf32, #tpu.memory_space<hbm>>) dst(%arg18 : memref<48x128xf32, #tpu.memory_space<vmem>>)
      %get3A_262 = arith.constant 0 : index
      %get3A_263 = tpu.vector_load %arg12[%get3A_262] {strides = array<i32>} : memref<48xi32, #tpu.memory_space<vmem>>, vector<16xi32>,
      %gather3A_264 = tpu.vector_load_idx %arg19[%get3A_263] : memref<10000xf32, #tpu.memory_space<vmem>>[vector<16xi32>], vector<16xf32>,
      %mul3A_265 = arith.constant 48 : i32
      %mul3A_266 = arith.muli %add3A_255, %mul3A_265 : i32
      %add3A_267 = arith.constant 0 : i32
      %add3A_268 = arith.addi %mul3A_266, %add3A_267 : i32
      %get3A_269 = arith.index_cast %add3A_268 : i32 to index
      %get3A_270 = tpu.vector_load %arg8[%get3A_269] {strides = array<i32>} : memref<10080xf32, #tpu.memory_space<vmem>>, vector<16xf32>,
      %mul3A_271 = arith.mulf %get3A_270, %gather3A_264 : vector<16xf32>
      %swap3A_272 = arith.constant 0 : index
      %swap3A_273 = tpu.vector_load %arg9[%swap3A_272] {strides = array<i32>} : memref<48xf32, #tpu.memory_space<vmem>>, vector<16xf32>,
      tpu.vector_store %arg9[%swap3A_272], %mul3A_271 {strides = array<i32>} : memref<48xf32, #tpu.memory_space<vmem>>, vector<16xf32>,
      %get3A_274 = arith.constant 16 : index
      %get3A_275 = tpu.vector_load %arg12[%get3A_274] {strides = array<i32>} : memref<48xi32, #tpu.memory_space<vmem>>, vector<16xi32>,
      %gather3A_276 = tpu.vector_load_idx %arg19[%get3A_275] : memref<10000xf32, #tpu.memory_space<vmem>>[vector<16xi32>], vector<16xf32>,
      %mul3A_277 = arith.constant 48 : i32
      %mul3A_278 = arith.muli %add3A_255, %mul3A_277 : i32
      %add3A_279 = arith.constant 16 : i32
      %add3A_280 = arith.addi %mul3A_278, %add3A_279 : i32
      %get3A_281 = arith.index_cast %add3A_280 : i32 to index
      %get3A_282 = tpu.vector_load %arg8[%get3A_281] {strides = array<i32>} : memref<10080xf32, #tpu.memory_space<vmem>>, vector<16xf32>,
      %mul3A_283 = arith.mulf %get3A_282, %gather3A_276 : vector<16xf32>
      %swap3A_284 = arith.constant 16 : index
      %swap3A_285 = tpu.vector_load %arg9[%swap3A_284] {strides = array<i32>} : memref<48xf32, #tpu.memory_space<vmem>>, vector<16xf32>,
      tpu.vector_store %arg9[%swap3A_284], %mul3A_283 {strides = array<i32>} : memref<48xf32, #tpu.memory_space<vmem>>, vector<16xf32>,
      %get3A_286 = arith.constant 32 : index
      %get3A_287 = tpu.vector_load %arg12[%get3A_286] {strides = array<i32>} : memref<48xi32, #tpu.memory_space<vmem>>, vector<16xi32>,
      %gather3A_288 = tpu.vector_load_idx %arg19[%get3A_287] : memref<10000xf32, #tpu.memory_space<vmem>>[vector<16xi32>], vector<16xf32>,
      %mul3A_289 = arith.constant 48 : i32
      %mul3A_290 = arith.muli %add3A_255, %mul3A_289 : i32
      %add3A_291 = arith.constant 32 : i32
      %add3A_292 = arith.addi %mul3A_290, %add3A_291 : i32
      %get3A_293 = arith.index_cast %add3A_292 : i32 to index
      %get3A_294 = tpu.vector_load %arg8[%get3A_293] {strides = array<i32>} : memref<10080xf32, #tpu.memory_space<vmem>>, vector<16xf32>,
      %mul3A_295 = arith.mulf %get3A_294, %gather3A_288 : vector<16xf32>
      %swap3A_296 = arith.constant 32 : index
      %swap3A_297 = tpu.vector_load %arg9[%swap3A_296] {strides = array<i32>} : memref<48xf32, #tpu.memory_space<vmem>>, vector<16xf32>,
      tpu.vector_store %arg9[%swap3A_296], %mul3A_295 {strides = array<i32>} : memref<48xf32, #tpu.memory_space<vmem>>, vector<16xf32>,
      %parallel_loop3A_298 = arith.constant 0 : i32
      %parallel_loop3A_299 = arith.constant 48 : i32
      %parallel_loop3A_300 = arith.constant 1 : i32
      scf.for %parallel_loop3A_314 = %parallel_loop3A_298 to %parallel_loop3A_299 step %parallel_loop3A_300  : i32 {
        %parallel_loop3A_315 = arith.constant 0 : i32
        %parallel_loop3A_316 = vector.broadcast %parallel_loop3A_315 : i32 to vector<16xi32>
        %parallel_loop3A_317 = vector.broadcast %parallel_loop3A_314 : i32 to vector<16xi32>
        %parallel_loop3A_318 = arith.addi %parallel_loop3A_316, %parallel_loop3A_317 : vector<16xi32>
        %parallel_loop3A_319 = tpu.vector_load_idx %arg9[%parallel_loop3A_318] : memref<48xf32, #tpu.memory_space<vmem>>[vector<16xi32>], vector<16xf32>,
        %parallel_loop3A_320 = arith.index_cast %parallel_loop3A_314 : i32 to index
        %parallel_loop3A_321 = arith.constant 0 : index
        %parallel_loop3A_322 = tpu.vector_load %arg18[%parallel_loop3A_320, %parallel_loop3A_321] {strides = array<i32>} : memref<48x128xf32, #tpu.memory_space<vmem>>, vector<16xf32>,
        %parallel_loop3A_323 = arith.mulf %parallel_loop3A_322, %parallel_loop3A_319 : vector<16xf32>
        %parallel_loop3A_324 = arith.index_cast %parallel_loop3A_314 : i32 to index
        %parallel_loop3A_325 = arith.constant 0 : index
        %parallel_loop3A_326 = tpu.vector_load %arg18[%parallel_loop3A_324, %parallel_loop3A_325] {strides = array<i32>} : memref<48x128xf32, #tpu.memory_space<vmem>>, vector<16xf32>,
        tpu.vector_store %arg18[%parallel_loop3A_324, %parallel_loop3A_325], %parallel_loop3A_323 {strides = array<i32>} : memref<48x128xf32, #tpu.memory_space<vmem>>, vector<16xf32>,
        %parallel_loop3A_327 = arith.index_cast %parallel_loop3A_314 : i32 to index
        %parallel_loop3A_328 = arith.constant 16 : index
        %parallel_loop3A_329 = tpu.vector_load %arg18[%parallel_loop3A_327, %parallel_loop3A_328] {strides = array<i32>} : memref<48x128xf32, #tpu.memory_space<vmem>>, vector<16xf32>,
        %parallel_loop3A_330 = arith.mulf %parallel_loop3A_329, %parallel_loop3A_319 : vector<16xf32>
        %parallel_loop3A_331 = arith.index_cast %parallel_loop3A_314 : i32 to index
        %parallel_loop3A_332 = arith.constant 16 : index
        %parallel_loop3A_333 = tpu.vector_load %arg18[%parallel_loop3A_331, %parallel_loop3A_332] {strides = array<i32>} : memref<48x128xf32, #tpu.memory_space<vmem>>, vector<16xf32>,
        tpu.vector_store %arg18[%parallel_loop3A_331, %parallel_loop3A_332], %parallel_loop3A_330 {strides = array<i32>} : memref<48x128xf32, #tpu.memory_space<vmem>>, vector<16xf32>,
        %parallel_loop3A_334 = arith.index_cast %parallel_loop3A_314 : i32 to index
        %parallel_loop3A_335 = arith.constant 32 : index
        %parallel_loop3A_336 = tpu.vector_load %arg18[%parallel_loop3A_334, %parallel_loop3A_335] {strides = array<i32>} : memref<48x128xf32, #tpu.memory_space<vmem>>, vector<16xf32>,
        %parallel_loop3A_337 = arith.mulf %parallel_loop3A_336, %parallel_loop3A_319 : vector<16xf32>
        %parallel_loop3A_338 = arith.index_cast %parallel_loop3A_314 : i32 to index
        %parallel_loop3A_339 = arith.constant 32 : index
        %parallel_loop3A_340 = tpu.vector_load %arg18[%parallel_loop3A_338, %parallel_loop3A_339] {strides = array<i32>} : memref<48x128xf32, #tpu.memory_space<vmem>>, vector<16xf32>,
        tpu.vector_store %arg18[%parallel_loop3A_338, %parallel_loop3A_339], %parallel_loop3A_337 {strides = array<i32>} : memref<48x128xf32, #tpu.memory_space<vmem>>, vector<16xf32>,
        %parallel_loop3A_341 = arith.index_cast %parallel_loop3A_314 : i32 to index
        %parallel_loop3A_342 = arith.constant 48 : index
        %parallel_loop3A_343 = tpu.vector_load %arg18[%parallel_loop3A_341, %parallel_loop3A_342] {strides = array<i32>} : memref<48x128xf32, #tpu.memory_space<vmem>>, vector<16xf32>,
        %parallel_loop3A_344 = arith.mulf %parallel_loop3A_343, %parallel_loop3A_319 : vector<16xf32>
        %parallel_loop3A_345 = arith.index_cast %parallel_loop3A_314 : i32 to index
        %parallel_loop3A_346 = arith.constant 48 : index
        %parallel_loop3A_347 = tpu.vector_load %arg18[%parallel_loop3A_345, %parallel_loop3A_346] {strides = array<i32>} : memref<48x128xf32, #tpu.memory_space<vmem>>, vector<16xf32>,
        tpu.vector_store %arg18[%parallel_loop3A_345, %parallel_loop3A_346], %parallel_loop3A_344 {strides = array<i32>} : memref<48x128xf32, #tpu.memory_space<vmem>>, vector<16xf32>,
        %parallel_loop3A_348 = arith.index_cast %parallel_loop3A_314 : i32 to index
        %parallel_loop3A_349 = arith.constant 64 : index
        %parallel_loop3A_350 = tpu.vector_load %arg18[%parallel_loop3A_348, %parallel_loop3A_349] {strides = array<i32>} : memref<48x128xf32, #tpu.memory_space<vmem>>, vector<16xf32>,
        %parallel_loop3A_351 = arith.mulf %parallel_loop3A_350, %parallel_loop3A_319 : vector<16xf32>
        %parallel_loop3A_352 = arith.index_cast %parallel_loop3A_314 : i32 to index
        %parallel_loop3A_353 = arith.constant 64 : index
        %parallel_loop3A_354 = tpu.vector_load %arg18[%parallel_loop3A_352, %parallel_loop3A_353] {strides = array<i32>} : memref<48x128xf32, #tpu.memory_space<vmem>>, vector<16xf32>,
        tpu.vector_store %arg18[%parallel_loop3A_352, %parallel_loop3A_353], %parallel_loop3A_351 {strides = array<i32>} : memref<48x128xf32, #tpu.memory_space<vmem>>, vector<16xf32>,
        %parallel_loop3A_355 = arith.index_cast %parallel_loop3A_314 : i32 to index
        %parallel_loop3A_356 = arith.constant 80 : index
        %parallel_loop3A_357 = tpu.vector_load %arg18[%parallel_loop3A_355, %parallel_loop3A_356] {strides = array<i32>} : memref<48x128xf32, #tpu.memory_space<vmem>>, vector<16xf32>,
        %parallel_loop3A_358 = arith.mulf %parallel_loop3A_357, %parallel_loop3A_319 : vector<16xf32>
        %parallel_loop3A_359 = arith.index_cast %parallel_loop3A_314 : i32 to index
        %parallel_loop3A_360 = arith.constant 80 : index
        %parallel_loop3A_361 = tpu.vector_load %arg18[%parallel_loop3A_359, %parallel_loop3A_360] {strides = array<i32>} : memref<48x128xf32, #tpu.memory_space<vmem>>, vector<16xf32>,
        tpu.vector_store %arg18[%parallel_loop3A_359, %parallel_loop3A_360], %parallel_loop3A_358 {strides = array<i32>} : memref<48x128xf32, #tpu.memory_space<vmem>>, vector<16xf32>,
        %parallel_loop3A_362 = arith.index_cast %parallel_loop3A_314 : i32 to index
        %parallel_loop3A_363 = arith.constant 96 : index
        %parallel_loop3A_364 = tpu.vector_load %arg18[%parallel_loop3A_362, %parallel_loop3A_363] {strides = array<i32>} : memref<48x128xf32, #tpu.memory_space<vmem>>, vector<16xf32>,
        %parallel_loop3A_365 = arith.mulf %parallel_loop3A_364, %parallel_loop3A_319 : vector<16xf32>
        %parallel_loop3A_366 = arith.index_cast %parallel_loop3A_314 : i32 to index
        %parallel_loop3A_367 = arith.constant 96 : index
        %parallel_loop3A_368 = tpu.vector_load %arg18[%parallel_loop3A_366, %parallel_loop3A_367] {strides = array<i32>} : memref<48x128xf32, #tpu.memory_space<vmem>>, vector<16xf32>,
        tpu.vector_store %arg18[%parallel_loop3A_366, %parallel_loop3A_367], %parallel_loop3A_365 {strides = array<i32>} : memref<48x128xf32, #tpu.memory_space<vmem>>, vector<16xf32>,
        %parallel_loop3A_369 = arith.index_cast %parallel_loop3A_314 : i32 to index
        %parallel_loop3A_370 = arith.constant 112 : index
        %parallel_loop3A_371 = tpu.vector_load %arg18[%parallel_loop3A_369, %parallel_loop3A_370] {strides = array<i32>} : memref<48x128xf32, #tpu.memory_space<vmem>>, vector<16xf32>,
        %parallel_loop3A_372 = arith.mulf %parallel_loop3A_371, %parallel_loop3A_319 : vector<16xf32>
        %parallel_loop3A_373 = arith.index_cast %parallel_loop3A_314 : i32 to index
        %parallel_loop3A_374 = arith.constant 112 : index
        %parallel_loop3A_375 = tpu.vector_load %arg18[%parallel_loop3A_373, %parallel_loop3A_374] {strides = array<i32>} : memref<48x128xf32, #tpu.memory_space<vmem>>, vector<16xf32>,
        tpu.vector_store %arg18[%parallel_loop3A_373, %parallel_loop3A_374], %parallel_loop3A_372 {strides = array<i32>} : memref<48x128xf32, #tpu.memory_space<vmem>>, vector<16xf32>,
      } {sc.loop_unroll_factor = 8 : i64, sc.parallel_access}
      %dma_start3A_301 = arith.constant 2 : i32
      %dma_start3A_302 = arith.constant 0 : i32
      %dma_start3A_303 = arith.constant 0 : i32
      %dma_start3A_304 = tpu.memref_slice %arg20[%dma_start3A_302, %dma_start3A_303] : memref<10008x128xf32, #tpu.memory_space<vmem_shared>> -> memref<10008x128xf32, #tpu.memory_space<vmem_shared>>
      %dma_start3A_305 = tpu.memref_slice %arg22[%dma_start3A_301] : memref<3x!tpu.dma_semaphore, #tpu.memory_space<semaphore_mem>> -> memref<1x!tpu.dma_semaphore, #tpu.memory_space<semaphore_mem>>
      %dma_start3A_306 = tpu.memref_squeeze %dma_start3A_305 : memref<1x!tpu.dma_semaphore, #tpu.memory_space<semaphore_mem>> -> memref<!tpu.dma_semaphore, #tpu.memory_space<semaphore_mem>>
      tpu.enqueue_indirect_dma source(%arg18 : memref<48x128xf32, #tpu.memory_space<vmem>>) target(%dma_start3A_304 : memref<10008x128xf32, #tpu.memory_space<vmem_shared>>) offsets(%arg15 : memref<48xi32, #tpu.memory_space<vmem>>) semaphore(%dma_start3A_306 : memref<!tpu.dma_semaphore, #tpu.memory_space<semaphore_mem>>) {add = true}
      %add3A_307 = arith.constant 2 : i32
      %add3A_308 = arith.addi %add3A_255, %add3A_307 : i32
      %lt3A_309 = arith.constant 210 : i32
      %lt3A_310 = arith.cmpi slt, %add3A_308, %lt3A_309 : i32
      %convert_element_type3A_311 = arith.extui %lt3A_310 : i1 to i32
      %cond3A_312 = arith.constant 0 : i32
      %cond3A_313 = arith.cmpi ne, %convert_element_type3A_311, %cond3A_312 : i32
      scf.if %cond3A_313 {
        %ge3A = arith.constant 3 : i32
        %ge3A_314 = arith.cmpi sge, %add3A_308, %ge3A : i32
        %convert_element_type3A_315 = arith.extui %ge3A_314 : i1 to i32
        %cond3A_316 = arith.constant 0 : i32
        %cond3A_317 = arith.cmpi ne, %convert_element_type3A_315, %cond3A_316 : i32
        scf.if %cond3A_317 {
          %dma_wait3A_372 = arith.constant 1 : i32
          %dma_wait3A_373 = arith.constant 0 : i32
          %dma_wait3A_374 = arith.constant 0 : i32
          %dma_wait3A_375 = tpu.memref_slice %arg20[%dma_wait3A_373, %dma_wait3A_374] : memref<10008x128xf32, #tpu.memory_space<vmem_shared>> -> memref<10008x128xf32, #tpu.memory_space<vmem_shared>>
          %dma_wait3A_376 = tpu.memref_slice %arg22[%dma_wait3A_372] : memref<3x!tpu.dma_semaphore, #tpu.memory_space<semaphore_mem>> -> memref<1x!tpu.dma_semaphore, #tpu.memory_space<semaphore_mem>>
          %dma_wait3A_377 = tpu.memref_squeeze %dma_wait3A_376 : memref<1x!tpu.dma_semaphore, #tpu.memory_space<semaphore_mem>> -> memref<!tpu.dma_semaphore, #tpu.memory_space<semaphore_mem>>
          tpu.wait_indirect_dma semaphore(%dma_wait3A_377 : memref<!tpu.dma_semaphore, #tpu.memory_space<semaphore_mem>>) src(%arg17 : memref<48x128xf32, #tpu.memory_space<vmem>>) dst(%dma_wait3A_375 : memref<10008x128xf32, #tpu.memory_space<vmem_shared>>)
        } else {
        }
        %mul3A_318 = arith.constant 48 : i32
        %mul3A_319 = arith.muli %add3A_308, %mul3A_318 : i32
        %add3A_320 = arith.constant 0 : i32
        %add3A_321 = arith.addi %mul3A_319, %add3A_320 : i32
        %get3A_322 = arith.index_cast %add3A_321 : i32 to index
        %get3A_323 = tpu.vector_load %arg7[%get3A_322] {strides = array<i32>} : memref<10080xi32, #tpu.memory_space<vmem>>, vector<16xi32>,
        %and3A_324 = arith.constant 65535 : i32
        %and3A_325 = vector.broadcast %and3A_324 : i32 to vector<16xi32>
        %and3A_326 = arith.andi %get3A_323, %and3A_325 : vector<16xi32>
        %swap3A_327 = arith.constant 0 : index
        %swap3A_328 = tpu.vector_load %arg11[%swap3A_327] {strides = array<i32>} : memref<48xi32, #tpu.memory_space<vmem>>, vector<16xi32>,
        tpu.vector_store %arg11[%swap3A_327], %and3A_326 {strides = array<i32>} : memref<48xi32, #tpu.memory_space<vmem>>, vector<16xi32>,
        %shift_right_logical3A_329 = arith.constant 16 : i32
        %shift_right_logical3A_330 = vector.broadcast %shift_right_logical3A_329 : i32 to vector<16xi32>
        %shift_right_logical3A_331 = arith.shrui %get3A_323, %shift_right_logical3A_330 : vector<16xi32>
        %swap3A_332 = arith.constant 0 : index
        %swap3A_333 = tpu.vector_load %arg14[%swap3A_332] {strides = array<i32>} : memref<48xi32, #tpu.memory_space<vmem>>, vector<16xi32>,
        tpu.vector_store %arg14[%swap3A_332], %shift_right_logical3A_331 {strides = array<i32>} : memref<48xi32, #tpu.memory_space<vmem>>, vector<16xi32>,
        %mul3A_334 = arith.constant 48 : i32
        %mul3A_335 = arith.muli %add3A_308, %mul3A_334 : i32
        %add3A_336 = arith.constant 16 : i32
        %add3A_337 = arith.addi %mul3A_335, %add3A_336 : i32
        %get3A_338 = arith.index_cast %add3A_337 : i32 to index
        %get3A_339 = tpu.vector_load %arg7[%get3A_338] {strides = array<i32>} : memref<10080xi32, #tpu.memory_space<vmem>>, vector<16xi32>,
        %and3A_340 = arith.constant 65535 : i32
        %and3A_341 = vector.broadcast %and3A_340 : i32 to vector<16xi32>
        %and3A_342 = arith.andi %get3A_339, %and3A_341 : vector<16xi32>
        %swap3A_343 = arith.constant 16 : index
        %swap3A_344 = tpu.vector_load %arg11[%swap3A_343] {strides = array<i32>} : memref<48xi32, #tpu.memory_space<vmem>>, vector<16xi32>,
        tpu.vector_store %arg11[%swap3A_343], %and3A_342 {strides = array<i32>} : memref<48xi32, #tpu.memory_space<vmem>>, vector<16xi32>,
        %shift_right_logical3A_345 = arith.constant 16 : i32
        %shift_right_logical3A_346 = vector.broadcast %shift_right_logical3A_345 : i32 to vector<16xi32>
        %shift_right_logical3A_347 = arith.shrui %get3A_339, %shift_right_logical3A_346 : vector<16xi32>
        %swap3A_348 = arith.constant 16 : index
        %swap3A_349 = tpu.vector_load %arg14[%swap3A_348] {strides = array<i32>} : memref<48xi32, #tpu.memory_space<vmem>>, vector<16xi32>,
        tpu.vector_store %arg14[%swap3A_348], %shift_right_logical3A_347 {strides = array<i32>} : memref<48xi32, #tpu.memory_space<vmem>>, vector<16xi32>,
        %mul3A_350 = arith.constant 48 : i32
        %mul3A_351 = arith.muli %add3A_308, %mul3A_350 : i32
        %add3A_352 = arith.constant 32 : i32
        %add3A_353 = arith.addi %mul3A_351, %add3A_352 : i32
        %get3A_354 = arith.index_cast %add3A_353 : i32 to index
        %get3A_355 = tpu.vector_load %arg7[%get3A_354] {strides = array<i32>} : memref<10080xi32, #tpu.memory_space<vmem>>, vector<16xi32>,
        %and3A_356 = arith.constant 65535 : i32
        %and3A_357 = vector.broadcast %and3A_356 : i32 to vector<16xi32>
        %and3A_358 = arith.andi %get3A_355, %and3A_357 : vector<16xi32>
        %swap3A_359 = arith.constant 32 : index
        %swap3A_360 = tpu.vector_load %arg11[%swap3A_359] {strides = array<i32>} : memref<48xi32, #tpu.memory_space<vmem>>, vector<16xi32>,
        tpu.vector_store %arg11[%swap3A_359], %and3A_358 {strides = array<i32>} : memref<48xi32, #tpu.memory_space<vmem>>, vector<16xi32>,
        %shift_right_logical3A_361 = arith.constant 16 : i32
        %shift_right_logical3A_362 = vector.broadcast %shift_right_logical3A_361 : i32 to vector<16xi32>
        %shift_right_logical3A_363 = arith.shrui %get3A_355, %shift_right_logical3A_362 : vector<16xi32>
        %swap3A_364 = arith.constant 32 : index
        %swap3A_365 = tpu.vector_load %arg14[%swap3A_364] {strides = array<i32>} : memref<48xi32, #tpu.memory_space<vmem>>, vector<16xi32>,
        tpu.vector_store %arg14[%swap3A_364], %shift_right_logical3A_363 {strides = array<i32>} : memref<48xi32, #tpu.memory_space<vmem>>, vector<16xi32>,
        %dma_start3A_366 = arith.constant 1 : i32
        %dma_start3A_367 = arith.constant 0 : i32
        %dma_start3A_368 = arith.constant 0 : i32
        %dma_start3A_369 = tpu.memref_slice %arg2[%dma_start3A_367, %dma_start3A_368] : memref<10000x128xf32, #tpu.memory_space<hbm>> -> memref<10000x128xf32, #tpu.memory_space<hbm>>
        %dma_start3A_370 = tpu.memref_slice %arg21[%dma_start3A_366] : memref<3x!tpu.dma_semaphore, #tpu.memory_space<semaphore_mem>> -> memref<1x!tpu.dma_semaphore, #tpu.memory_space<semaphore_mem>>
        %dma_start3A_371 = tpu.memref_squeeze %dma_start3A_370 : memref<1x!tpu.dma_semaphore, #tpu.memory_space<semaphore_mem>> -> memref<!tpu.dma_semaphore, #tpu.memory_space<semaphore_mem>>
        tpu.enqueue_indirect_dma source(%dma_start3A_369 : memref<10000x128xf32, #tpu.memory_space<hbm>>) target(%arg17 : memref<48x128xf32, #tpu.memory_space<vmem>>) offsets(%arg11 : memref<48xi32, #tpu.memory_space<vmem>>) semaphore(%dma_start3A_371 : memref<!tpu.dma_semaphore, #tpu.memory_space<semaphore_mem>>)
      } else {
      }
    }
    %scan3A_97 = arith.constant 70 : i32
    %dma_wait3A = arith.constant 0 : i32
    %dma_wait3A_98 = arith.constant 0 : i32
    %dma_wait3A_99 = arith.constant 0 : i32
    %dma_wait3A_100 = tpu.memref_slice %arg20[%dma_wait3A_98, %dma_wait3A_99] : memref<10008x128xf32, #tpu.memory_space<vmem_shared>> -> memref<10008x128xf32, #tpu.memory_space<vmem_shared>>
    %dma_wait3A_101 = tpu.memref_slice %arg22[%dma_wait3A] : memref<3x!tpu.dma_semaphore, #tpu.memory_space<semaphore_mem>> -> memref<1x!tpu.dma_semaphore, #tpu.memory_space<semaphore_mem>>
    %dma_wait3A_102 = tpu.memref_squeeze %dma_wait3A_101 : memref<1x!tpu.dma_semaphore, #tpu.memory_space<semaphore_mem>> -> memref<!tpu.dma_semaphore, #tpu.memory_space<semaphore_mem>>
    tpu.wait_indirect_dma semaphore(%dma_wait3A_102 : memref<!tpu.dma_semaphore, #tpu.memory_space<semaphore_mem>>) src(%arg16 : memref<48x128xf32, #tpu.memory_space<vmem>>) dst(%dma_wait3A_100 : memref<10008x128xf32, #tpu.memory_space<vmem_shared>>)
    %dma_wait3A_103 = arith.constant 1 : i32
    %dma_wait3A_104 = arith.constant 0 : i32
    %dma_wait3A_105 = arith.constant 0 : i32
    %dma_wait3A_106 = tpu.memref_slice %arg20[%dma_wait3A_104, %dma_wait3A_105] : memref<10008x128xf32, #tpu.memory_space<vmem_shared>> -> memref<10008x128xf32, #tpu.memory_space<vmem_shared>>
    %dma_wait3A_107 = tpu.memref_slice %arg22[%dma_wait3A_103] : memref<3x!tpu.dma_semaphore, #tpu.memory_space<semaphore_mem>> -> memref<1x!tpu.dma_semaphore, #tpu.memory_space<semaphore_mem>>
    %dma_wait3A_108 = tpu.memref_squeeze %dma_wait3A_107 : memref<1x!tpu.dma_semaphore, #tpu.memory_space<semaphore_mem>> -> memref<!tpu.dma_semaphore, #tpu.memory_space<semaphore_mem>>
    tpu.wait_indirect_dma semaphore(%dma_wait3A_108 : memref<!tpu.dma_semaphore, #tpu.memory_space<semaphore_mem>>) src(%arg17 : memref<48x128xf32, #tpu.memory_space<vmem>>) dst(%dma_wait3A_106 : memref<10008x128xf32, #tpu.memory_space<vmem_shared>>)
    %dma_wait3A_109 = arith.constant 2 : i32
    %dma_wait3A_110 = arith.constant 0 : i32
    %dma_wait3A_111 = arith.constant 0 : i32
    %dma_wait3A_112 = tpu.memref_slice %arg20[%dma_wait3A_110, %dma_wait3A_111] : memref<10008x128xf32, #tpu.memory_space<vmem_shared>> -> memref<10008x128xf32, #tpu.memory_space<vmem_shared>>
    %dma_wait3A_113 = tpu.memref_slice %arg22[%dma_wait3A_109] : memref<3x!tpu.dma_semaphore, #tpu.memory_space<semaphore_mem>> -> memref<1x!tpu.dma_semaphore, #tpu.memory_space<semaphore_mem>>
    %dma_wait3A_114 = tpu.memref_squeeze %dma_wait3A_113 : memref<1x!tpu.dma_semaphore, #tpu.memory_space<semaphore_mem>> -> memref<!tpu.dma_semaphore, #tpu.memory_space<semaphore_mem>>
    tpu.wait_indirect_dma semaphore(%dma_wait3A_114 : memref<!tpu.dma_semaphore, #tpu.memory_space<semaphore_mem>>) src(%arg18 : memref<48x128xf32, #tpu.memory_space<vmem>>) dst(%dma_wait3A_112 : memref<10008x128xf32, #tpu.memory_space<vmem_shared>>)
    %barrier3A_115 = arith.constant 0 : index
    tpu.barrier barrier_id(%barrier3A_115)
    %scan3A_116 = arith.constant 0 : i32
    %scan3A_117 = arith.constant 13 : i32
    %scan3A_118 = arith.addi %scan3A_116, %scan3A_117 : i32
    %scan3A_119 = arith.constant 1 : i32
    scf.for %scan3A_126 = %scan3A_116 to %scan3A_118 step %scan3A_119  : i32 {
      %mul3A_127 = arith.constant 48 : i32
      %mul3A_128 = arith.muli %scan3A_126, %mul3A_127 : i32
      %add3A_129 = arith.constant 0 : i32
      %add3A_130 = arith.addi %add3A_129, %mul3A_128 : i32
      %add3A_131 = arith.addi %multiple_of3A, %add3A_130 : i32
      %add3A_132 = arith.addi %multiple_of3A, %add3A_130 : i32
      "tpu.region"() ({
        %run_scoped3A = tpu.sem_alloc : memref<!tpu.dma_semaphore, #tpu.memory_space<semaphore_mem>>
        %dma_start3A_133 = arith.constant 0 : i32
        %dma_start3A_134 = tpu.memref_slice %arg6[%arg0, %add3A_132, %dma_start3A_133] : memref<2x10000x128xf32, #tpu.memory_space<hbm>> -> memref<1x48x128xf32, #tpu.memory_space<hbm>>
        %dma_start3A_135 = tpu.memref_squeeze %dma_start3A_134 : memref<1x48x128xf32, #tpu.memory_space<hbm>> -> memref<48x128xf32, #tpu.memory_space<hbm>>
        %dma_start3A_136 = arith.constant 0 : i32
        %dma_start3A_137 = tpu.memref_slice %arg20[%add3A_131, %dma_start3A_136] : memref<10008x128xf32, #tpu.memory_space<vmem_shared>> -> memref<48x128xf32, #tpu.memory_space<vmem_shared>>
        tpu.enqueue_dma source(%dma_start3A_137 : memref<48x128xf32, #tpu.memory_space<vmem_shared>>) target(%dma_start3A_135 : memref<48x128xf32, #tpu.memory_space<hbm>>) target_semaphore(%run_scoped3A : memref<!tpu.dma_semaphore, #tpu.memory_space<semaphore_mem>>)
        %dma_wait3A_138 = arith.constant 0 : i32
        %dma_wait3A_139 = tpu.memref_slice %arg6[%arg0, %add3A_132, %dma_wait3A_138] : memref<2x10000x128xf32, #tpu.memory_space<hbm>> -> memref<1x48x128xf32, #tpu.memory_space<hbm>>
        %dma_wait3A_140 = tpu.memref_squeeze %dma_wait3A_139 : memref<1x48x128xf32, #tpu.memory_space<hbm>> -> memref<48x128xf32, #tpu.memory_space<hbm>>
        %dma_wait3A_141 = arith.constant 0 : i32
        %dma_wait3A_142 = tpu.memref_slice %arg20[%add3A_131, %dma_wait3A_141] : memref<10008x128xf32, #tpu.memory_space<vmem_shared>> -> memref<48x128xf32, #tpu.memory_space<vmem_shared>>
        tpu.wait_dma2 semaphore(%run_scoped3A : memref<!tpu.dma_semaphore, #tpu.memory_space<semaphore_mem>>) src(%dma_wait3A_142 : memref<48x128xf32, #tpu.memory_space<vmem_shared>>) dst(%dma_wait3A_140 : memref<48x128xf32, #tpu.memory_space<hbm>>)
        tpu.yield
      }) : () -> ()
    }
    %scan3A_120 = arith.constant 13 : i32
    %eq3A_121 = arith.constant 15 : i32
    %eq3A_122 = arith.cmpi eq, %arg1, %eq3A_121 : i32
    %convert_element_type3A_123 = arith.extui %eq3A_122 : i1 to i32
    %cond3A_124 = arith.constant 0 : i32
    %cond3A_125 = arith.cmpi ne, %convert_element_type3A_123, %cond3A_124 : i32
    scf.if %cond3A_125 {
      "tpu.region"() ({
        %run_scoped3A = tpu.sem_alloc : memref<!tpu.dma_semaphore, #tpu.memory_space<semaphore_mem>>
        %dma_start3A_126 = arith.constant 9984 : i32
        %dma_start3A_127 = arith.constant 0 : i32
        %dma_start3A_128 = tpu.memref_slice %arg6[%arg0, %dma_start3A_126, %dma_start3A_127] : memref<2x10000x128xf32, #tpu.memory_space<hbm>> -> memref<1x16x128xf32, #tpu.memory_space<hbm>>
        %dma_start3A_129 = tpu.memref_squeeze %dma_start3A_128 : memref<1x16x128xf32, #tpu.memory_space<hbm>> -> memref<16x128xf32, #tpu.memory_space<hbm>>
        %dma_start3A_130 = arith.constant 9984 : i32
        %dma_start3A_131 = arith.constant 0 : i32
        %dma_start3A_132 = tpu.memref_slice %arg20[%dma_start3A_130, %dma_start3A_131] : memref<10008x128xf32, #tpu.memory_space<vmem_shared>> -> memref<16x128xf32, #tpu.memory_space<vmem_shared>>
        tpu.enqueue_dma source(%dma_start3A_132 : memref<16x128xf32, #tpu.memory_space<vmem_shared>>) target(%dma_start3A_129 : memref<16x128xf32, #tpu.memory_space<hbm>>) target_semaphore(%run_scoped3A : memref<!tpu.dma_semaphore, #tpu.memory_space<semaphore_mem>>)
        %dma_wait3A_133 = arith.constant 9984 : i32
        %dma_wait3A_134 = arith.constant 0 : i32
        %dma_wait3A_135 = tpu.memref_slice %arg6[%arg0, %dma_wait3A_133, %dma_wait3A_134] : memref<2x10000x128xf32, #tpu.memory_space<hbm>> -> memref<1x16x128xf32, #tpu.memory_space<hbm>>
        %dma_wait3A_136 = tpu.memref_squeeze %dma_wait3A_135 : memref<1x16x128xf32, #tpu.memory_space<hbm>> -> memref<16x128xf32, #tpu.memory_space<hbm>>
        %dma_wait3A_137 = arith.constant 9984 : i32
        %dma_wait3A_138 = arith.constant 0 : i32
        %dma_wait3A_139 = tpu.memref_slice %arg20[%dma_wait3A_137, %dma_wait3A_138] : memref<10008x128xf32, #tpu.memory_space<vmem_shared>> -> memref<16x128xf32, #tpu.memory_space<vmem_shared>>
        tpu.wait_dma2 semaphore(%run_scoped3A : memref<!tpu.dma_semaphore, #tpu.memory_space<semaphore_mem>>) src(%dma_wait3A_139 : memref<16x128xf32, #tpu.memory_space<vmem_shared>>) dst(%dma_wait3A_136 : memref<16x128xf32, #tpu.memory_space<hbm>>)
        tpu.yield
      }) : () -> ()
    } else {
    }
    return
  }
}

#map = affine_map<(d0, d1) -> (0)>
#map1 = affine_map<(d0, d1) -> (0, 0, 0)>
module attributes {stable_mosaic.version = 14 : i64} {
  func.func @_p1_body(%arg0: i32, %arg1: i32, %arg2: memref<320000xi32, #tpu.memory_space<hbm>>, %arg3: memref<320000xf32, #tpu.memory_space<hbm>>, %arg4: memref<32x625x16xf32, #tpu.memory_space<hbm>>, %arg5: memref<625x16xf32, #tpu.memory_space<vmem>>, %arg6: memref<10000xi32, #tpu.memory_space<vmem>>, %arg7: memref<10000xf32, #tpu.memory_space<vmem>>) attributes {dimension_semantics = [#tpu.dimension_semantics<core_parallel>, #tpu.dimension_semantics<subcore_parallel>], iteration_bounds = array<i64: 2, 16>, scalar_prefetch = 0 : i64, scratch_operands = 3 : i64, tpu.core_type = #tpu.core_type<sc_vector_subcore>, window_params = [{transform_indices = #map}, {transform_indices = #map}, {transform_indices = #map1}]} {
    %mul3A = arith.constant 2 : i32
    %mul3A_0 = arith.muli %arg1, %mul3A : i32
    %add3A = arith.addi %mul3A_0, %arg0 : i32
    %mul3A_1 = arith.constant 10000 : i32
    %mul3A_2 = arith.muli %add3A, %mul3A_1 : i32
    "tpu.region"() ({
      %run_scoped3A = tpu.sem_alloc : memref<!tpu.dma_semaphore, #tpu.memory_space<semaphore_mem>>
      %dma_start3A = tpu.memref_slice %arg2[%mul3A_2] : memref<320000xi32, #tpu.memory_space<hbm>> -> memref<10000xi32, #tpu.memory_space<hbm>>
      %dma_start3A_8 = tpu.memref_slice %arg2[%mul3A_2] : memref<320000xi32, #tpu.memory_space<hbm>> -> memref<10000xi32, #tpu.memory_space<hbm>>
      tpu.enqueue_dma source(%dma_start3A_8 : memref<10000xi32, #tpu.memory_space<hbm>>) target(%arg6 : memref<10000xi32, #tpu.memory_space<vmem>>) target_semaphore(%run_scoped3A : memref<!tpu.dma_semaphore, #tpu.memory_space<semaphore_mem>>)
      %dma_wait3A = tpu.memref_slice %arg2[%mul3A_2] : memref<320000xi32, #tpu.memory_space<hbm>> -> memref<10000xi32, #tpu.memory_space<hbm>>
      %dma_wait3A_9 = tpu.memref_slice %arg2[%mul3A_2] : memref<320000xi32, #tpu.memory_space<hbm>> -> memref<10000xi32, #tpu.memory_space<hbm>>
      tpu.wait_dma2 semaphore(%run_scoped3A : memref<!tpu.dma_semaphore, #tpu.memory_space<semaphore_mem>>) src(%dma_wait3A_9 : memref<10000xi32, #tpu.memory_space<hbm>>) dst(%arg6 : memref<10000xi32, #tpu.memory_space<vmem>>)
      tpu.yield
    }) : () -> ()
    "tpu.region"() ({
      %run_scoped3A = tpu.sem_alloc : memref<!tpu.dma_semaphore, #tpu.memory_space<semaphore_mem>>
      %dma_start3A = tpu.memref_slice %arg3[%mul3A_2] : memref<320000xf32, #tpu.memory_space<hbm>> -> memref<10000xf32, #tpu.memory_space<hbm>>
      %dma_start3A_8 = tpu.memref_slice %arg3[%mul3A_2] : memref<320000xf32, #tpu.memory_space<hbm>> -> memref<10000xf32, #tpu.memory_space<hbm>>
      tpu.enqueue_dma source(%dma_start3A_8 : memref<10000xf32, #tpu.memory_space<hbm>>) target(%arg7 : memref<10000xf32, #tpu.memory_space<vmem>>) target_semaphore(%run_scoped3A : memref<!tpu.dma_semaphore, #tpu.memory_space<semaphore_mem>>)
      %dma_wait3A = tpu.memref_slice %arg3[%mul3A_2] : memref<320000xf32, #tpu.memory_space<hbm>> -> memref<10000xf32, #tpu.memory_space<hbm>>
      %dma_wait3A_9 = tpu.memref_slice %arg3[%mul3A_2] : memref<320000xf32, #tpu.memory_space<hbm>> -> memref<10000xf32, #tpu.memory_space<hbm>>
      tpu.wait_dma2 semaphore(%run_scoped3A : memref<!tpu.dma_semaphore, #tpu.memory_space<semaphore_mem>>) src(%dma_wait3A_9 : memref<10000xf32, #tpu.memory_space<hbm>>) dst(%arg7 : memref<10000xf32, #tpu.memory_space<vmem>>)
      tpu.yield
    }) : () -> ()
    %parallel_loop3A = arith.constant 0 : i32
    %parallel_loop3A_3 = arith.constant 625 : i32
    %parallel_loop3A_4 = arith.constant 1 : i32
    scf.for %parallel_loop3A_8 = %parallel_loop3A to %parallel_loop3A_3 step %parallel_loop3A_4  : i32 {
      %parallel_loop3A_9 = arith.constant 0.000000e+00 : f32
      %parallel_loop3A_10 = vector.broadcast %parallel_loop3A_9 : f32 to vector<16xf32>
      %parallel_loop3A_11 = arith.index_cast %parallel_loop3A_8 : i32 to index
      %parallel_loop3A_12 = arith.constant 0 : index
      %parallel_loop3A_13 = tpu.vector_load %arg5[%parallel_loop3A_11, %parallel_loop3A_12] {strides = array<i32>} : memref<625x16xf32, #tpu.memory_space<vmem>>, vector<16xf32>,
      tpu.vector_store %arg5[%parallel_loop3A_11, %parallel_loop3A_12], %parallel_loop3A_10 {strides = array<i32>} : memref<625x16xf32, #tpu.memory_space<vmem>>, vector<16xf32>,
    } {sc.loop_unroll_factor = 8 : i64, sc.parallel_access}
    %parallel_loop3A_5 = arith.constant 0 : i32
    %parallel_loop3A_6 = arith.constant 10000 : i32
    %parallel_loop3A_7 = arith.constant 16 : i32
    scf.for %parallel_loop3A_8 = %parallel_loop3A_5 to %parallel_loop3A_6 step %parallel_loop3A_7  : i32 {
      %parallel_loop3A_9 = arith.index_cast %parallel_loop3A_8 : i32 to index
      %parallel_loop3A_10 = tpu.vector_load %arg6[%parallel_loop3A_9] {strides = array<i32>} : memref<10000xi32, #tpu.memory_space<vmem>>, vector<16xi32>,
      %parallel_loop3A_11 = arith.index_cast %parallel_loop3A_8 : i32 to index
      %parallel_loop3A_12 = tpu.vector_load %arg7[%parallel_loop3A_11] {strides = array<i32>} : memref<10000xf32, #tpu.memory_space<vmem>>, vector<16xf32>,
      %parallel_loop3A_13 = arith.constant 4 : i32
      %parallel_loop3A_14 = vector.broadcast %parallel_loop3A_13 : i32 to vector<16xi32>
      %parallel_loop3A_15 = arith.shrui %parallel_loop3A_10, %parallel_loop3A_14 : vector<16xi32>
      %parallel_loop3A_16 = arith.constant 15 : i32
      %parallel_loop3A_17 = vector.broadcast %parallel_loop3A_16 : i32 to vector<16xi32>
      %parallel_loop3A_18 = arith.andi %parallel_loop3A_10, %parallel_loop3A_17 : vector<16xi32>
      tpu.vector_store_idx %arg5[%parallel_loop3A_15, %parallel_loop3A_18], %parallel_loop3A_12 {add = true} : memref<625x16xf32, #tpu.memory_space<vmem>>[vector<16xi32>, vector<16xi32>], vector<16xf32>,
    } {sc.loop_unroll_factor = 4 : i64, sc.parallel_access}
    "tpu.region"() ({
      %run_scoped3A = tpu.sem_alloc : memref<!tpu.dma_semaphore, #tpu.memory_space<semaphore_mem>>
      %dma_start3A = arith.constant 0 : i32
      %dma_start3A_8 = arith.constant 0 : i32
      %dma_start3A_9 = tpu.memref_slice %arg4[%add3A, %dma_start3A, %dma_start3A_8] : memref<32x625x16xf32, #tpu.memory_space<hbm>> -> memref<1x625x16xf32, #tpu.memory_space<hbm>>
      %dma_start3A_10 = tpu.memref_squeeze %dma_start3A_9 : memref<1x625x16xf32, #tpu.memory_space<hbm>> -> memref<625x16xf32, #tpu.memory_space<hbm>>
      %dma_start3A_11 = arith.constant 0 : i32
      %dma_start3A_12 = arith.constant 0 : i32
      %dma_start3A_13 = tpu.memref_slice %arg4[%add3A, %dma_start3A_11, %dma_start3A_12] : memref<32x625x16xf32, #tpu.memory_space<hbm>> -> memref<1x625x16xf32, #tpu.memory_space<hbm>>
      %dma_start3A_14 = tpu.memref_squeeze %dma_start3A_13 : memref<1x625x16xf32, #tpu.memory_space<hbm>> -> memref<625x16xf32, #tpu.memory_space<hbm>>
      tpu.enqueue_dma source(%arg5 : memref<625x16xf32, #tpu.memory_space<vmem>>) target(%dma_start3A_14 : memref<625x16xf32, #tpu.memory_space<hbm>>) target_semaphore(%run_scoped3A : memref<!tpu.dma_semaphore, #tpu.memory_space<semaphore_mem>>)
      %dma_wait3A = arith.constant 0 : i32
      %dma_wait3A_15 = arith.constant 0 : i32
      %dma_wait3A_16 = tpu.memref_slice %arg4[%add3A, %dma_wait3A, %dma_wait3A_15] : memref<32x625x16xf32, #tpu.memory_space<hbm>> -> memref<1x625x16xf32, #tpu.memory_space<hbm>>
      %dma_wait3A_17 = tpu.memref_squeeze %dma_wait3A_16 : memref<1x625x16xf32, #tpu.memory_space<hbm>> -> memref<625x16xf32, #tpu.memory_space<hbm>>
      %dma_wait3A_18 = arith.constant 0 : i32
      %dma_wait3A_19 = arith.constant 0 : i32
      %dma_wait3A_20 = tpu.memref_slice %arg4[%add3A, %dma_wait3A_18, %dma_wait3A_19] : memref<32x625x16xf32, #tpu.memory_space<hbm>> -> memref<1x625x16xf32, #tpu.memory_space<hbm>>
      %dma_wait3A_21 = tpu.memref_squeeze %dma_wait3A_20 : memref<1x625x16xf32, #tpu.memory_space<hbm>> -> memref<625x16xf32, #tpu.memory_space<hbm>>
      tpu.wait_dma2 semaphore(%run_scoped3A : memref<!tpu.dma_semaphore, #tpu.memory_space<semaphore_mem>>) src(%arg5 : memref<625x16xf32, #tpu.memory_space<vmem>>) dst(%dma_wait3A_21 : memref<625x16xf32, #tpu.memory_space<hbm>>)
      tpu.yield
    }) : () -> ()
    return
  }
}

module attributes {stable_mosaic.version = 14 : i64} {
  func.func @_dinv_body(%arg0: memref<32x10000xf32, #tpu.memory_space<vmem>>, %arg1: memref<10000xf32, #tpu.memory_space<vmem>>) attributes {dimension_semantics = [], scalar_prefetch = 0 : i64, scratch_operands = 0 : i64, tpu.core_type = #tpu.core_type<tc>} {
    %get3A = arith.constant 0 : index
    %get3A_0 = arith.constant 0 : index
    %get3A_1 = vector.load %arg0[%get3A, %get3A_0] : memref<32x10000xf32, #tpu.memory_space<vmem>>, vector<32x10000xf32>
    %reduce_sum3A = arith.constant dense<0.000000e+00> : vector<10000xf32>
    %reduce_sum3A_2 = vector.multi_reduction <add>, %get3A_1, %reduce_sum3A [0] : vector<32x10000xf32> to vector<10000xf32>
    %add3A = arith.constant 1.000000e+00 : f32
    %add3A_3 = vector.broadcast %add3A : f32 to vector<10000xf32>
    %add3A_4 = arith.addf %reduce_sum3A_2, %add3A_3 : vector<10000xf32>
    %rsqrt3A = math.rsqrt %add3A_4 : vector<10000xf32>
    %swap3A = arith.constant 0 : index
    %swap3A_5 = vector.load %arg1[%swap3A] : memref<10000xf32, #tpu.memory_space<vmem>>, vector<10000xf32>
    tpu.vector_store %arg1[%swap3A], %rsqrt3A {strides = array<i32>} : memref<10000xf32, #tpu.memory_space<vmem>>, vector<10000xf32>,
    return
  }
}

module attributes {stable_mosaic.version = 14 : i64} {
  func.func @_wnew_body(%arg0: memref<10000x128xf32, #tpu.memory_space<vmem>>, %arg1: memref<128xf32, #tpu.memory_space<vmem>>, %arg2: memref<128x128xf32, #tpu.memory_space<vmem>>, %arg3: memref<384x128xf32, #tpu.memory_space<vmem>>, %arg4: memref<384x128xf32, #tpu.memory_space<vmem>>, %arg5: memref<384xf32, #tpu.memory_space<vmem>>, %arg6: memref<384xf32, #tpu.memory_space<vmem>>, %arg7: memref<128x128xf32, #tpu.memory_space<vmem>>, %arg8: memref<10000xf32, #tpu.memory_space<vmem>>, %arg9: memref<128x128xf32, #tpu.memory_space<vmem>>, %arg10: memref<128xi32, #tpu.memory_space<smem>>, %arg11: memref<128xf32, #tpu.memory_space<smem>>) attributes {dimension_semantics = [], scalar_prefetch = 0 : i64, scratch_operands = 4 : i64, tpu.core_type = #tpu.core_type<tc>} {
    %get3A = arith.constant 0 : index
    %get3A_0 = vector.load %arg1[%get3A] : memref<128xf32, #tpu.memory_space<vmem>>, vector<128xf32>
    %mul3A = arith.mulf %get3A_0, %get3A_0 : vector<128xf32>
    %reduce_sum3A = vector.shape_cast %mul3A : vector<128xf32> to vector<1x128xf32>
    %reduce_sum3A_1 = arith.constant dense<0.000000e+00> : vector<1xf32>
    %reduce_sum3A_2 = vector.multi_reduction <add>, %reduce_sum3A, %reduce_sum3A_1 [1] : vector<1x128xf32> to vector<1xf32>
    %reduce_sum3A_3 = vector.shape_cast %reduce_sum3A_2 : vector<1xf32> to vector<1x1xf32>
    %reduce_sum3A_4 = vector.extract %reduce_sum3A_3[0, 0] : f32 from vector<1x1xf32>
    %sqrt3A = math.sqrt %reduce_sum3A_4 : f32
    %get3A_5 = arith.constant 0 : index
    %get3A_6 = arith.constant 0 : index
    %get3A_7 = vector.load %arg0[%get3A_5, %get3A_6] : memref<10000x128xf32, #tpu.memory_space<vmem>>, vector<10000x128xf32>
    %convert_element_type3A = arith.truncf %get3A_7 : vector<10000x128xf32> to vector<10000x128xbf16>
    %convert_element_type3A_8 = arith.truncf %get3A_0 : vector<128xf32> to vector<128xbf16>
    %dot_general3A = arith.constant dense<0.000000e+00> : vector<10000xf32>
    %dot_general3A_9 = tpu.matmul %convert_element_type3A, %convert_element_type3A_8, %dot_general3A {dimension_numbers = #tpu.dot_dimension_numbers<[1], [0], [0], [], [0, 0], [], []>, transpose_lhs_hint = false} : vector<10000x128xbf16>, vector<128xbf16>, vector<10000xf32> -> vector<10000xf32>
    %div3A = vector.broadcast %sqrt3A : f32 to vector<10000xf32>
    %div3A_10 = arith.divf %dot_general3A_9, %div3A : vector<10000xf32>
    %swap3A = arith.constant 0 : index
    %swap3A_11 = vector.load %arg8[%swap3A] : memref<10000xf32, #tpu.memory_space<vmem>>, vector<10000xf32>
    tpu.vector_store %arg8[%swap3A], %div3A_10 {strides = array<i32>} : memref<10000xf32, #tpu.memory_space<vmem>>, vector<10000xf32>,
    %iota3A = tpu.iota {dimensions = array<i32: 1>} : vector<1x10000xi32>
    %iota3A_12 = vector.shape_cast %iota3A : vector<1x10000xi32> to vector<10000xi32>
    %scan3A = arith.constant 0 : i32
    %scan3A_13 = arith.constant 128 : i32
    %scan3A_14 = arith.addi %scan3A, %scan3A_13 : i32
    %scan3A_15 = arith.constant 1 : i32
    scf.for %scan3A_74 = %scan3A to %scan3A_14 step %scan3A_15  : i32 {
      %get3A_75 = arith.constant 0 : index
      %get3A_76 = vector.load %arg8[%get3A_75] : memref<10000xf32, #tpu.memory_space<vmem>>, vector<10000xf32>
      %reduce_max3A = vector.shape_cast %get3A_76 : vector<10000xf32> to vector<1x10000xf32>
      %reduce_max3A_77 = arith.constant dense<0xFF800000> : vector<1xf32>
      %reduce_max3A_78 = vector.multi_reduction <maximumf>, %reduce_max3A, %reduce_max3A_77 [1] : vector<1x10000xf32> to vector<1xf32>
      %reduce_max3A_79 = vector.shape_cast %reduce_max3A_78 : vector<1xf32> to vector<1x1xf32>
      %reduce_max3A_80 = vector.extract %reduce_max3A_79[0, 0] : f32 from vector<1x1xf32>
      %ge3A = vector.broadcast %reduce_max3A_80 : f32 to vector<10000xf32>
      %ge3A_81 = arith.cmpf oge, %get3A_76, %ge3A : vector<10000xf32>
      %jit3A = arith.constant 10000 : i32
      %broadcast_in_dim3A_82 = vector.broadcast %jit3A : i32 to vector<10000xi32>
      %select_n3A = arith.select %ge3A_81, %iota3A_12, %broadcast_in_dim3A_82 : vector<10000xi1>, vector<10000xi32>
      %reduce_min3A = vector.shape_cast %select_n3A : vector<10000xi32> to vector<1x10000xi32>
      %reduce_min3A_83 = arith.constant dense<2147483647> : vector<1xi32>
      %reduce_min3A_84 = vector.multi_reduction <minsi>, %reduce_min3A, %reduce_min3A_83 [1] : vector<1x10000xi32> to vector<1xi32>
      %reduce_min3A_85 = vector.shape_cast %reduce_min3A_84 : vector<1xi32> to vector<1x1xi32>
      %reduce_min3A_86 = vector.extract %reduce_min3A_85[0, 0] : i32 from vector<1x1xi32>
      %swap3A_87 = arith.index_cast %scan3A_74 : i32 to index
      %swap3A_88 = memref.load %arg10[%swap3A_87] : memref<128xi32, #tpu.memory_space<smem>>
      memref.store %reduce_min3A_86, %arg10[%swap3A_87] : memref<128xi32, #tpu.memory_space<smem>>
      %swap3A_89 = arith.index_cast %scan3A_74 : i32 to index
      %swap3A_90 = memref.load %arg11[%swap3A_89] : memref<128xf32, #tpu.memory_space<smem>>
      memref.store %reduce_max3A_80, %arg11[%swap3A_89] : memref<128xf32, #tpu.memory_space<smem>>
      %eq3A = vector.broadcast %reduce_min3A_86 : i32 to vector<10000xi32>
      %eq3A_91 = arith.cmpi eq, %iota3A_12, %eq3A : vector<10000xi32>
      %jit3A_92 = arith.constant 0xFF800000 : f32
      %broadcast_in_dim3A_93 = vector.broadcast %jit3A_92 : f32 to vector<10000xf32>
      %select_n3A_94 = arith.select %eq3A_91, %broadcast_in_dim3A_93, %get3A_76 : vector<10000xi1>, vector<10000xf32>
      %swap3A_95 = arith.constant 0 : index
      %swap3A_96 = vector.load %arg8[%swap3A_95] : memref<10000xf32, #tpu.memory_space<vmem>>, vector<10000xf32>
      tpu.vector_store %arg8[%swap3A_95], %select_n3A_94 {strides = array<i32>} : memref<10000xf32, #tpu.memory_space<vmem>>, vector<10000xf32>,
    }
    %scan3A_16 = arith.constant 128 : i32
    %scan3A_17 = arith.constant 0 : i32
    %scan3A_18 = arith.constant 128 : i32
    %scan3A_19 = arith.addi %scan3A_17, %scan3A_18 : i32
    %scan3A_20 = arith.constant 1 : i32
    scf.for %scan3A_74 = %scan3A_17 to %scan3A_19 step %scan3A_20  : i32 {
      %get3A_75 = arith.index_cast %scan3A_74 : i32 to index
      %get3A_76 = memref.load %arg10[%get3A_75] : memref<128xi32, #tpu.memory_space<smem>>
      %get3A_77 = arith.index_cast %scan3A_74 : i32 to index
      %get3A_78 = memref.load %arg11[%get3A_77] : memref<128xf32, #tpu.memory_space<smem>>
      %tanh3A_79 = math.tanh %get3A_78 : f32
      %get3A_80 = arith.index_cast %get3A_76 : i32 to index
      %get3A_81 = arith.constant 0 : index
      %get3A_82 = vector.load %arg0[%get3A_80, %get3A_81] : memref<10000x128xf32, #tpu.memory_space<vmem>>, vector<1x128xf32>
      %mul3A_83 = vector.broadcast %tanh3A_79 : f32 to vector<1x128xf32>
      %mul3A_84 = arith.mulf %get3A_82, %mul3A_83 : vector<1x128xf32>
      %swap3A_85 = arith.index_cast %scan3A_74 : i32 to index
      %swap3A_86 = arith.constant 0 : index
      %swap3A_87 = vector.load %arg9[%swap3A_85, %swap3A_86] : memref<128x128xf32, #tpu.memory_space<vmem>>, vector<1x128xf32>
      tpu.vector_store %arg9[%swap3A_85, %swap3A_86], %mul3A_84 {strides = array<i32>} : memref<128x128xf32, #tpu.memory_space<vmem>>, vector<1x128xf32>,
    }
    %scan3A_21 = arith.constant 128 : i32
    %get3A_22 = arith.constant 0 : index
    %get3A_23 = arith.constant 0 : index
    %get3A_24 = vector.load %arg9[%get3A_22, %get3A_23] : memref<128x128xf32, #tpu.memory_space<vmem>>, vector<128x128xf32>
    %get3A_25 = arith.constant 0 : index
    %get3A_26 = arith.constant 0 : index
    %get3A_27 = vector.load %arg2[%get3A_25, %get3A_26] : memref<128x128xf32, #tpu.memory_space<vmem>>, vector<128x128xf32>
    %get3A_28 = arith.constant 0 : index
    %get3A_29 = arith.constant 0 : index
    %get3A_30 = vector.load %arg3[%get3A_28, %get3A_29] : memref<384x128xf32, #tpu.memory_space<vmem>>, vector<384x128xf32>
    %dot_general3A_31 = arith.constant dense<0.000000e+00> : vector<128x384xf32>
    %dot_general3A_32 = tpu.matmul %get3A_24, %get3A_30, %dot_general3A_31 {dimension_numbers = #tpu.dot_dimension_numbers<[1], [1], [0], [0], [0, 0, 1, 0], [], []>, precision = #tpu.contract_precision<fp32>, transpose_lhs_hint = false} : vector<128x128xf32>, vector<384x128xf32>, vector<128x384xf32> -> vector<128x384xf32>
    %get3A_33 = arith.constant 0 : index
    %get3A_34 = vector.load %arg5[%get3A_33] : memref<384xf32, #tpu.memory_space<vmem>>, vector<384xf32>
    %broadcast_in_dim3A = vector.shape_cast %get3A_34 : vector<384xf32> to vector<1x384xf32>
    %add3A = vector.broadcast %broadcast_in_dim3A : vector<1x384xf32> to vector<128x384xf32>
    %add3A_35 = arith.addf %dot_general3A_32, %add3A : vector<128x384xf32>
    %get3A_36 = arith.constant 0 : index
    %get3A_37 = arith.constant 0 : index
    %get3A_38 = vector.load %arg4[%get3A_36, %get3A_37] : memref<384x128xf32, #tpu.memory_space<vmem>>, vector<384x128xf32>
    %dot_general3A_39 = arith.constant dense<0.000000e+00> : vector<128x384xf32>
    %dot_general3A_40 = tpu.matmul %get3A_27, %get3A_38, %dot_general3A_39 {dimension_numbers = #tpu.dot_dimension_numbers<[1], [1], [0], [0], [0, 0, 1, 0], [], []>, precision = #tpu.contract_precision<fp32>, transpose_lhs_hint = false} : vector<128x128xf32>, vector<384x128xf32>, vector<128x384xf32> -> vector<128x384xf32>
    %get3A_41 = arith.constant 0 : index
    %get3A_42 = vector.load %arg6[%get3A_41] : memref<384xf32, #tpu.memory_space<vmem>>, vector<384xf32>
    %broadcast_in_dim3A_43 = vector.shape_cast %get3A_42 : vector<384xf32> to vector<1x384xf32>
    %add3A_44 = vector.broadcast %broadcast_in_dim3A_43 : vector<1x384xf32> to vector<128x384xf32>
    %add3A_45 = arith.addf %dot_general3A_40, %add3A_44 : vector<128x384xf32>
    %slice3A = vector.extract_strided_slice %add3A_35 {offsets = [0, 0], sizes = [128, 128], strides = [1, 1]} : vector<128x384xf32> to vector<128x128xf32>
    %slice3A_46 = vector.extract_strided_slice %add3A_45 {offsets = [0, 0], sizes = [128, 128], strides = [1, 1]} : vector<128x384xf32> to vector<128x128xf32>
    %add3A_47 = arith.addf %slice3A, %slice3A_46 : vector<128x128xf32>
    %logistic3A = arith.negf %add3A_47 : vector<128x128xf32>
    %logistic3A_48 = math.exp %logistic3A : vector<128x128xf32>
    %logistic3A_49 = arith.constant 1.000000e+00 : f32
    %logistic3A_50 = vector.broadcast %logistic3A_49 : f32 to vector<128x128xf32>
    %logistic3A_51 = arith.addf %logistic3A_50, %logistic3A_48 : vector<128x128xf32>
    %logistic3A_52 = arith.divf %logistic3A_50, %logistic3A_51 : vector<128x128xf32>
    %slice3A_53 = vector.extract_strided_slice %add3A_35 {offsets = [0, 128], sizes = [128, 128], strides = [1, 1]} : vector<128x384xf32> to vector<128x128xf32>
    %slice3A_54 = vector.extract_strided_slice %add3A_45 {offsets = [0, 128], sizes = [128, 128], strides = [1, 1]} : vector<128x384xf32> to vector<128x128xf32>
    %add3A_55 = arith.addf %slice3A_53, %slice3A_54 : vector<128x128xf32>
    %logistic3A_56 = arith.negf %add3A_55 : vector<128x128xf32>
    %logistic3A_57 = math.exp %logistic3A_56 : vector<128x128xf32>
    %logistic3A_58 = arith.constant 1.000000e+00 : f32
    %logistic3A_59 = vector.broadcast %logistic3A_58 : f32 to vector<128x128xf32>
    %logistic3A_60 = arith.addf %logistic3A_59, %logistic3A_57 : vector<128x128xf32>
    %logistic3A_61 = arith.divf %logistic3A_59, %logistic3A_60 : vector<128x128xf32>
    %slice3A_62 = vector.extract_strided_slice %add3A_35 {offsets = [0, 256], sizes = [128, 128], strides = [1, 1]} : vector<128x384xf32> to vector<128x128xf32>
    %slice3A_63 = vector.extract_strided_slice %add3A_45 {offsets = [0, 256], sizes = [128, 128], strides = [1, 1]} : vector<128x384xf32> to vector<128x128xf32>
    %mul3A_64 = arith.mulf %logistic3A_52, %slice3A_63 : vector<128x128xf32>
    %add3A_65 = arith.addf %slice3A_62, %mul3A_64 : vector<128x128xf32>
    %tanh3A = math.tanh %add3A_65 : vector<128x128xf32>
    %sub3A = arith.constant 1.000000e+00 : f32
    %sub3A_66 = vector.broadcast %sub3A : f32 to vector<128x128xf32>
    %sub3A_67 = arith.subf %sub3A_66, %logistic3A_61 : vector<128x128xf32>
    %mul3A_68 = arith.mulf %sub3A_67, %tanh3A : vector<128x128xf32>
    %mul3A_69 = arith.mulf %logistic3A_61, %get3A_27 : vector<128x128xf32>
    %add3A_70 = arith.addf %mul3A_68, %mul3A_69 : vector<128x128xf32>
    %swap3A_71 = arith.constant 0 : index
    %swap3A_72 = arith.constant 0 : index
    %swap3A_73 = vector.load %arg7[%swap3A_71, %swap3A_72] : memref<128x128xf32, #tpu.memory_space<vmem>>, vector<128x128xf32>
    tpu.vector_store %arg7[%swap3A_71, %swap3A_72], %add3A_70 {strides = array<i32>} : memref<128x128xf32, #tpu.memory_space<vmem>>, vector<128x128xf32>,
    return
  }
}

module attributes {stable_mosaic.version = 14 : i64} {
  func.func @_out_body(%arg0: i32, %arg1: memref<2000x128xf32, #tpu.memory_space<vmem>>, %arg2: memref<2000x128xf32, #tpu.memory_space<vmem>>, %arg3: memref<2000x128xf32, #tpu.memory_space<vmem>>, %arg4: memref<2000x1xf32, #tpu.memory_space<vmem>>, %arg5: memref<128x128xf32, #tpu.memory_space<vmem>>, %arg6: memref<2000x128xf32, #tpu.memory_space<vmem>>) attributes {dimension_semantics = [#tpu.dimension_semantics<arbitrary>], iteration_bounds = array<i64: 5>, scalar_prefetch = 0 : i64, scratch_operands = 0 : i64, tpu.core_type = #tpu.core_type<tc>, window_params = [{transform_indices = @transform_0, window_bounds = array<i64: 2000, 128>}, {transform_indices = @transform_1, window_bounds = array<i64: 2000, 128>}, {transform_indices = @transform_2, window_bounds = array<i64: 2000, 128>}, {transform_indices = @transform_3, window_bounds = array<i64: 2000, 1>}, {pipeline_mode = #tpu.pipeline_mode<synchronous>, transform_indices = @transform_4, window_bounds = array<i64: 128, 128>}, {transform_indices = @transform_5, window_bounds = array<i64: 2000, 128>}]} {
    %get3A = arith.constant 0 : index
    %get3A_0 = arith.constant 0 : index
    %get3A_1 = vector.load %arg4[%get3A, %get3A_0] : memref<2000x1xf32, #tpu.memory_space<vmem>>, vector<2000x1xf32>
    %get3A_2 = arith.constant 0 : index
    %get3A_3 = arith.constant 0 : index
    %get3A_4 = vector.load %arg2[%get3A_2, %get3A_3] : memref<2000x128xf32, #tpu.memory_space<vmem>>, vector<2000x128xf32>
    %get3A_5 = arith.constant 0 : index
    %get3A_6 = arith.constant 0 : index
    %get3A_7 = vector.load %arg3[%get3A_5, %get3A_6] : memref<2000x128xf32, #tpu.memory_space<vmem>>, vector<2000x128xf32>
    %add3A = arith.addf %get3A_4, %get3A_7 : vector<2000x128xf32>
    %get3A_8 = arith.constant 0 : index
    %get3A_9 = arith.constant 0 : index
    %get3A_10 = vector.load %arg1[%get3A_8, %get3A_9] : memref<2000x128xf32, #tpu.memory_space<vmem>>, vector<2000x128xf32>
    %mul3A = vector.broadcast %get3A_1 : vector<2000x1xf32> to vector<2000x128xf32>
    %mul3A_11 = arith.mulf %mul3A, %get3A_10 : vector<2000x128xf32>
    %add3A_12 = arith.addf %add3A, %mul3A_11 : vector<2000x128xf32>
    %mul3A_13 = vector.broadcast %get3A_1 : vector<2000x1xf32> to vector<2000x128xf32>
    %mul3A_14 = arith.mulf %mul3A_13, %add3A_12 : vector<2000x128xf32>
    %get3A_15 = arith.constant 0 : index
    %get3A_16 = arith.constant 0 : index
    %get3A_17 = vector.load %arg5[%get3A_15, %get3A_16] : memref<128x128xf32, #tpu.memory_space<vmem>>, vector<128x128xf32>
    %dot_general3A = arith.constant dense<0.000000e+00> : vector<2000x128xf32>
    %dot_general3A_18 = tpu.matmul %mul3A_14, %get3A_17, %dot_general3A {dimension_numbers = #tpu.dot_dimension_numbers<[1], [1], [0], [0], [0, 0, 1, 0], [], []>, precision = #tpu.contract_precision<fp32>, transpose_lhs_hint = false} : vector<2000x128xf32>, vector<128x128xf32>, vector<2000x128xf32> -> vector<2000x128xf32>
    %swap3A = arith.constant 0 : index
    %swap3A_19 = arith.constant 0 : index
    %swap3A_20 = vector.load %arg6[%swap3A, %swap3A_19] : memref<2000x128xf32, #tpu.memory_space<vmem>>, vector<2000x128xf32>
    tpu.vector_store %arg6[%swap3A, %swap3A_19], %dot_general3A_18 {strides = array<i32>} : memref<2000x128xf32, #tpu.memory_space<vmem>>, vector<2000x128xf32>,
    return
  }
  func.func @transform_0(%arg0: i32) -> (i32, i32) {
    %c0_i32 = arith.constant 0 : i32
    %c0_i32_0 = arith.constant 0 : i32
    return %arg0, %c0_i32 : i32, i32
  }
  func.func @transform_1(%arg0: i32) -> (i32, i32) {
    %c0_i32 = arith.constant 0 : i32
    %c0_i32_0 = arith.constant 0 : i32
    return %arg0, %c0_i32 : i32, i32
  }
  func.func @transform_2(%arg0: i32) -> (i32, i32) {
    %c0_i32 = arith.constant 0 : i32
    %c0_i32_0 = arith.constant 0 : i32
    return %arg0, %c0_i32 : i32, i32
  }
  func.func @transform_3(%arg0: i32) -> (i32, i32) {
    %c0_i32 = arith.constant 0 : i32
    %c0_i32_0 = arith.constant 0 : i32
    return %arg0, %c0_i32 : i32, i32
  }
  func.func @transform_4(%arg0: i32) -> (i32, i32) {
    %c0_i32 = arith.constant 0 : i32
    %c0_i32_0 = arith.constant 0 : i32
    %c0_i32_1 = arith.constant 0 : i32
    return %c0_i32, %c0_i32_0 : i32, i32
  }
  func.func @transform_5(%arg0: i32) -> (i32, i32) {
    %c0_i32 = arith.constant 0 : i32
    %c0_i32_0 = arith.constant 0 : i32
    return %arg0, %c0_i32 : i32, i32
  }
}

</mosaic_0001>

<sc_bundles>
// kernel: kernel.10.cloned.1.call-start
scs
__scs_entry_jumppad:
0x0: {  	(pc) =	sbr.rel $0x88, $3  }
0x1: {  	(tag) =	ssettag $0x0;
	lr =	simm.s32 $0x1  }
0x2: {  	[smem:$0x3F98] =	sst lr;
	_ =	strace $0xD0000000  }
0x3: {  	_ = 	snop  }
0x4: {  	_ = 	snop  }
0x5: {  	_ = 	snop  }
0x6: {  	_ = 	snop  }
0x7: {  	_ = 	snop  }
__scs_overlays_trampoline_lowered:
0x8: {  	[smem:$0x3FA7] =	sst s0  }
0x9: {  	[smem:$0x3FA8] =	sst s1  }
0xa: {  	[smem:$0x3FA9] =	sst s2  }
0xb: {  	[smem:$0x3FAA] =	sst s3  }
0xc: {  	[smem:$0x3FAB] =	sst s4  }
0xd: {  	[smem:$0x3FAC] =	sst s5  }
0xe: {  	[smem:$0x3FAD] =	sst s6  }
0xf: {  	[smem:$0x3FAE] =	sst s7  }
0x10: {  	[smem:$0x3FAF] =	sst s8  }
0x11: {  	[smem:$0x3FB0] =	sst s9;
	s0 =	simm.s32 @!p0 $0x0  }
0x12: {  	s1 =	sld [smem:$0x3F96];
	s0 =	simm.s32 @p0 $0x1  }
0x13: {  	[smem:$0x3FB1] =	sst s0;
	s0 =	simm.s32 @!p1 $0x0  }
0x14: {  	s2 =	sld [smem:$0x3F95];
	s0 =	simm.s32 @p1 $0x1  }
0x15: {  	[smem:$0x3FB2] =	sst s0;
	s0 =	simm.s32 @!p2 $0x0  }
0x16: {  	s3 =	sld [smem:$0x3FDB];
	s0 =	simm.s32 @p2 $0x1  }
0x17: {  	s4 =	simm.s32 $0x1BF5;
	[smem:$0x3FB4] =	sst s0  }
0x18: {  	s0 =	sld [smem:$0x3F97];
	_ =	swait.ge [sflag:s4], $0x0  }
0x19: {  	s7 =	sld [smem:$0x3F98]  }
0x1a: {  	s8 =	sadd.s32 $0xFFFFE003, lr  }
0x1b: {  	s9 =	sadd.s32 $0xFFFFFEF7, lr;
	s5 =	simm.s32 $0xFFFFFFFF;
	p2 =	slt.u32 s8, $0xFFFFF086  }
0x1c: {  	p1 =	slt.u32 s9, $0xF7A;
	s5 =	simm.s32 @!p2 $0x0  }
0x1d: {  	s5 =	simm.s32 @p1 $0x1;
	p0 =	seq.s32 s7, s2  }
0x1e: {  	s7 =	smul.u32 @!p0 $0xF7A, s2;
	p2 =	seq.s32 @!p0 s5, $0x0  }
0x1f: {  	s9 =	smul.u32 $0xF7A, s1;
	s8 =	simm.s32 @!p0 $0x1BF5;
	p2 =	por !p2, p0  }
0x20: {  	[sflag:s8] =	ssyncset.s32 @!p0 $0xFFFFF086;
	s6 =	sadd.s32 @!p0 s3, s7;
	s7 =	simm.s32 @!p0 $0x108  }
0x21: {  	s3 =	sadd.s32 s3, s9;
	s6 =	sadd.s32 @!p0 $0x88, s6;
	s7 =	simm.s32 @p2 $0x1082  }
0x22: {  	[simem:s7], [sflag:s8] =	dma.local @!p0 [hbm:s6], $0xF7A  }
0x23: {  	s9 =	sor.u32 $0xD0000000, s2;
	s6 =	simm.s32 $0x108;
	_ =	swait.ge @!p0 [sflag:s8], $0x0  }
0x24: {  	s3 =	sadd.s32 $0x88, s3;
	s6 =	simm.s32 @!p1 $0x1082;
	[sflag:s4] =	ssyncset.s32 $0xFFFFF086  }
0x25: {  	[simem:s6], [sflag:s4] =	dma.local [hbm:s3], $0xF7A  }
0x26: {  	[smem:$0x3F98] =	sst s1;
	(tag) =	ssettag s2;
	_ =	strace s9  }
0x27: {  	s1 =	sld [smem:$0x3FA8]  }
0x28: {  	s2 =	sld [smem:$0x3FA9]  }
0x29: {  	s4 =	sld [smem:$0x3FAB]  }
0x2a: {  	p0 =	seq.s32 s5, $0x0;
	s5 =	sld [smem:$0x3FAC]  }
0x2b: {  	s6 =	sld [smem:$0x3FAD]  }
0x2c: {  	s7 =	sld [smem:$0x3FAE]  }
0x2d: {  	s3 =	simm.s32 $0x108;
	s8 =	sld [smem:$0x3FAF]  }
0x2e: {  	s3 =	simm.s32 @!p0 $0x1082;
	s9 =	sld [smem:$0x3FB0]  }
0x2f: {  	lr =	sadd.s32 s0, s3;
	s0 =	sld [smem:$0x3FA7]  }
0x30: {  	s3 =	sld [smem:$0x3FAA]  }
0x31: {  	[smem:$0x3FB3] =	sst s10  }
0x32: {  	s10 =	sld [smem:$0x3FB1];
	_ =	sdelay $0x3  }
0x33: {  	p0 =	seq.s32 s10, $0x1;
	s10 =	sld [smem:$0x3FB3];
	_ =	sdelay $0x3  }
0x34: {  	[smem:$0x3FB3] =	sst s10  }
0x35: {  	s10 =	sld [smem:$0x3FB2];
	_ =	sdelay $0x3  }
0x36: {  	p1 =	seq.s32 s10, $0x1;
	s10 =	sld [smem:$0x3FB3];
	_ =	sdelay $0x3  }
0x37: {  	[smem:$0x3FB3] =	sst s10  }
0x38: {  	s10 =	sld [smem:$0x3FB4]  }
0x39: {  	_ = 	snop;
	(pc) =	sbr.ind lr, $3  }
0x3a: {  	_ = 	snop  }
0x3b: {  	_ = 	snop  }
0x3c: {  	p2 =	seq.s32 s10, $0x1;
	s10 =	sld [smem:$0x3FB3]  }
0x3d: {  	_ =	shalt  }
0x3e: {  	_ =	shalt  }
0x3f: {  	_ =	shalt  }
0x40: {  	_ =	shalt  }
0x41: {  	_ =	shalt  }
0x42: {  	_ =	shalt  }
0x43: {  	_ =	shalt  }
0x44: {  	_ =	shalt  }
0x45: {  	_ =	shalt  }
0x46: {  	_ =	shalt  }
0x47: {  	_ =	shalt  }
0x48: {  	_ =	shalt  }
0x49: {  	_ =	shalt  }
0x4a: {  	_ =	shalt  }
0x4b: {  	_ =	shalt  }
0x4c: {  	_ =	shalt  }
0x4d: {  	_ =	shalt  }
0x4e: {  	_ =	shalt  }
0x4f: {  	_ =	shalt  }
0x50: {  	_ =	shalt  }
0x51: {  	_ =	shalt  }
0x52: {  	_ =	shalt  }
0x53: {  	_ =	shalt  }
0x54: {  	_ =	shalt  }
0x55: {  	_ =	shalt  }
0x56: {  	_ =	shalt  }
0x57: {  	_ =	shalt  }
0x58: {  	_ =	shalt  }
0x59: {  	_ =	shalt  }
0x5a: {  	_ =	shalt  }
0x5b: {  	_ =	shalt  }
0x5c: {  	_ =	shalt  }
0x5d: {  	_ =	shalt  }
0x5e: {  	_ =	shalt  }
0x5f: {  	_ =	shalt  }
0x60: {  	_ =	shalt  }
0x61: {  	_ =	shalt  }
0x62: {  	_ =	shalt  }
0x63: {  	_ =	shalt  }
0x64: {  	_ =	shalt  }
0x65: {  	_ =	shalt  }
0x66: {  	_ =	shalt  }
0x67: {  	_ =	shalt  }
0x68: {  	_ =	shalt  }
0x69: {  	_ =	shalt  }
0x6a: {  	_ =	shalt  }
0x6b: {  	_ =	shalt  }
0x6c: {  	_ =	shalt  }
0x6d: {  	_ =	shalt  }
0x6e: {  	_ =	shalt  }
0x6f: {  	_ =	shalt  }
0x70: {  	_ =	shalt  }
0x71: {  	_ =	shalt  }
0x72: {  	_ =	shalt  }
0x73: {  	_ =	shalt  }
0x74: {  	_ =	shalt  }
0x75: {  	_ =	shalt  }
0x76: {  	_ =	shalt  }
0x77: {  	_ =	shalt  }
0x78: {  	_ =	shalt  }
0x79: {  	_ =	shalt  }
0x7a: {  	_ =	shalt  }
0x7b: {  	_ =	shalt  }
0x7c: {  	_ =	shalt  }
0x7d: {  	_ =	shalt  }
0x7e: {  	_ =	shalt  }
0x7f: {  	_ =	shalt  }
0x80: {  	_ =	shalt  }
0x81: {  	_ =	shalt  }
0x82: {  	_ =	shalt  }
0x83: {  	_ =	shalt  }
0x84: {  	_ =	shalt  }
0x85: {  	_ =	shalt  }
0x86: {  	_ =	shalt  }
0x87: {  	_ =	shalt  }
.Lfunc_end0:
.L_simem_size_0:
called_computation.1_lowered:
.L_overlay_start_0:
0x88: {  	s2 =	sld [smem:$0x3FD9]  }
0x89: {  	s3 =	sld [smem:$0x3FFE];
	_ =	sdelay $0x1  }
0x8a: {  	s1 =	srdreg.scid  }
0x8b: {  	s0 =	sand.u32 $0x1, s1  }
0x8c: {  	s17 =	sshll.u32 s0, $0xA;
	s2 =	sadd.s32 s3, s2  }
0x8d: {  	s2 =	sadd.s32 s2, s17  }
0x8e: {  	[smem:$0x3FBF] =	sst s2  }
0x8f: {  	_ = 	snop  }
0x90: {  	s2 =	sld [smem:$0x3FC9]  }
0x91: {  	s18 =	sld [smem:$0x3FD0];
	(tm) =	ssettm $0x1  }
0x92: {  	s4 =	sld [smem:$0x3FFB];
	_ =	sdelay $0x3  }
0x93: {  	_ =	strace s4  }
0x94: {  	s4 =	sld [smem:$0x3FFC];
	_ =	sdelay $0x3  }
0x95: {  	_ =	strace s4  }
0x96: {  	s4 =	sld [smem:$0x3FFD];
	_ =	sdelay $0x3  }
0x97: {  	_ =	strace s4  }
0x98: {  	_ =	strace $0x8FFFFFFF  }
0x99: {  	s19 =	sld [smem:$0x3FDB];
	_ =	sdelay $0x1  }
0x9a: {  	s5 =	simm.s32 $_scs_section_size  }
0x9b: {  	s6 =	simm.s32 $_size__tile_overlayer_lowered;
	s7 =	simm.s32 $_tile_overlayer_lowered  }
0x9c: {  	s22 =	simm.s32 $0x1BFF;
	s21 =	sshll.u32 s7, $0x1;
	s4 =	sadd.s32 s5, s19  }
0x9d: {  	s8 =	simm.s32 $0x0;
	s20 =	sshll.u32 s6, $0x1;
	s6 =	sadd.s32 s21, s4  }
0x9e: {  	[timem:s8], [sflag:s22] =	dma.local [hbm:s6], s20  }
0x9f: {  	_ =	swait.ge [sflag:s22], s20  }
0xa0: {  	s5 =	ssub.s32 $0x0, s20;
	[sflag:s22] =	ssyncset.done $0x0  }
0xa1: {  	[sflag:s22] =	ssyncadd.s32 s5;
	_ =	sdelay $0x1  }
0xa2: {  	s23 =	simm.s32 $0x1B8B  }
0xa3: {  	_ =	swait.ge [sflag:s23], $0x1  }
0xa4: {  	[sflag:s23] =	ssyncset.done $0x0  }
0xa5: {  	s25 =	simm.s32 $0x1B8E;
	s24 =	sld [smem:$0x3FFE];
	[sflag:s23] =	ssyncadd.s32 $0xFFFFFFFF  }
0xa6: {  	s26 =	simm.s32 $execute0_lowered;
	[smem:$0x3FD2] =	sst s25  }
0xa7: {  	s6 =	sshll.u32 s26, $0x1;
	_ =	strace $0x80000049;
	[dreg:$0x1] =	wrdreg $0xFFFFFFFF  }
0xa8: {  	s28 =	simm.s32 $_size_execute0_lowered;
	s4 =	sadd.s32 s4, s6;
	[dreg:$0x0] =	wrdreg $0x0  }
0xa9: {  	s6 =	sshll.u32 s28, $0x1;
	[dreg:$0x2] =	wrdreg s4  }
0xaa: {  	[dreg:$0x3] =	wrdreg s6  }
0xab: {  	[dreg:$0x4] =	wrdreg $0xC0  }
0xac: {  	_ =	task [dreg:s8], $0x5FFFF  }
0xad: {  	[dreg:$0x1] =	wrdreg $0xFFFFFFFF  }
0xae: {  	[dreg:$0x0] =	wrdreg $0x60  }
0xaf: {  	[dreg:$0x2] =	wrdreg s2  }
0xb0: {  	[dreg:$0x3] =	wrdreg s18  }
0xb1: {  	[dreg:$0x4] =	wrdreg s24  }
0xb2: {  	[dreg:$0x5] =	wrdreg $0xC2000  }
0xb3: {  	[dreg:$0x6] =	wrdreg $0x9  }
0xb4: {  	_ =	task.clear_ibuf [dreg:s8], $0x7FFFF;
	_ =	strace $0x90000049  }
0xb5: {  	s29 =	simm.s32 $0x9;
	_ =	strace $0x8000004B  }
0xb6: {  	_ =	swait.ge [sflag:s29], $0x1  }
0xb7: {  	[sflag:s29] =	ssyncadd.s32 $0xFFFFFFFF  }
0xb8: {  	_ =	strace $0x9000004B  }
0xb9: {  	_ =	sfence  }
0xba: {  	s30 =	sld [smem:$0x0];
	_ =	sdelay $0x2  }
0xbb: {  	s31 =	sshll.u32 s1, $0xD;
	s1 =	sshrl.u32 s1, $0x2  }
0xbc: {  	s3 =	sand.u32 $0x4000, s31;
	s1 =	sadd.s32 s1, s30  }
0xbd: {  	s0 =	sor.u32 s3, s0;
	s1 =	sshll.u32 s1, $0x11  }
0xbe: {  	s0 =	sor.u32 s1, s0  }
0xbf: {  	s0 =	sadd.s32 $0x8F2B, s0  }
0xc0: {  	[sflag:s0] =	ssyncadd.remote.s32 $0x1  }
0xc1: {  	_ =	sfence.sel $0xFFFF  }
0xc2: {  	[dreg:$0x0] =	wrdreg $0xFFFFFFFF;
	(pc) =	sbr.abs _section_cstart, $3  }
0xc3: {  	[dreg:$0x1] =	wrdreg $0xFFFFFFFF  }
0xc4: {  	_ =	task.clear_ibuf [dreg:s8], $0x2FFFF;
	_ =	strace $0x9FFFFFFF  }
0xc5: {  	(tm) =	ssettm $0x7FFFFFFF  }
tec
execute0_lowered:
.L_overlay_start_1:
0x0: {  	(tag) =	ssettag $0x1  }
0x1: {  	s0 =	rddreg [dreg:$0x0]  }
0x2: {  	s1 =	rddreg [dreg:$0x1]  }
0x3: {  	s3 =	rddreg [dreg:$0x2]  }
0x4: {  	s2 =	rddreg [dreg:$0x3];
	s4 =	srdreg.scid  }
0x5: {  	s10 =	stileid.u32;
	s8 =	simm.s32 $0x0;
	s28 =	simm.s32 $0x7  }
0x6: {  	s30 =	simm.s32 $0x9A80;
	s31 =	simm.s32 $0x30;
	s29 =	simm.s32 $0x5280  }
0x7: {  	s4 =	sand.u32 $0x1, s4;
	s5 =	sshrl.u32 s10, $0x2;
	s6 =	sshll.u32 s10, $0x8  }
0x8: {  	[smem:$0x7FF] =	sst s8;
	s25 =	sadd.s32 $0x1E00, s3;
	s9 =	smul.u32 $0x4E000, s10  }
0x9: {  	s16 =	sadd.s32 $0x138000, s2;
	s17 =	smul.u32 $0x13800, s10;
	p0 =	sne.s32 s10, $0xF  }
0xa: {  	s10 =	simm.s32 $0x5180;
	s7 =	sshll.u32 s4, $0x7;
	s24 =	ssub.s32 $0x2, s4  }
0xb: {  	s6 =	sand.u32 $0x300, s6;
	_ =	strace $0x8000004A;
	s26 =	sshrl.u32 s24, $0x1  }
0xc: {  	s6 =	sor.u32 s7, s6;
	s12 =	sshrl.u32 s9, $0x2;
	s7 =	ssub.s32 s24, s26  }
0xd: {  	[dreg:$0x5] =	wrdreg s25;
	s9 =	sadd.s32 s12, s2;
	s13 =	smax.u32 s7, $0x1  }
0xe: {  	s5 =	smul.u32 $0x13C00, s5;
	s14 =	sadd.s32 $0x3000, s9;
	[dreg:$0x9] =	wrdreg s13  }
0xf: {  	s4 =	smul.u32 $0x138800, s4;
	s15 =	sadd.s32 $0x4800, s9;
	[dreg:$0xb] =	wrdreg s14  }
0x10: {  	s5 =	sor.u32 s5, s6;
	s18 =	sadd.s32 $0x7800, s9;
	[dreg:$0xc] =	wrdreg s15  }
0x11: {  	s11 =	sshrl.u32 s4, $0x3;
	s19 =	sadd.s32 $0x9000, s9;
	[dreg:$0xe] =	wrdreg s18  }
0x12: {  	s6 =	simm.s32 $0x5080;
	s21 =	sadd.s32 $0xA800, s9;
	[dreg:$0xf] =	wrdreg s19  }
0x13: {  	s5 =	sshrl.u32 s5, $0x3;
	s22 =	sadd.s32 $0xC000, s9;
	[dreg:$0x10] =	wrdreg s21  }
0x14: {  	s20 =	sadd.s32 $0x1800, s9;
	s24 =	sadd.s32 $0xF000, s9;
	[dreg:$0x11] =	wrdreg s22  }
0x15: {  	s25 =	sadd.s32 $0x10800, s9;
	s26 =	sadd.s32 $0x12000, s9;
	[dreg:$0x13] =	wrdreg s24  }
0x16: {  	s7 =	simm.s32 $0x2;
	s23 =	sadd.s32 s5, s3;
	[dreg:$0x14] =	wrdreg s25  }
0x17: {  	s3 =	sadd.s32 $0x2400, s3;
	s1 =	sadd.s32 s1, s5;
	[dreg:$0x15] =	wrdreg s26  }
0x18: {  	s5 =	sadd.s32 $0x6000, s9;
	s25 =	simm.s32 $0x8280;
	[dreg:$0xa] =	wrdreg s20  }
0x19: {  	s26 =	simm.s32 $0x1;
	s13 =	simm.s32 $0x5200;
	[dreg:$0x6] =	wrdreg s1  }
0x1a: {  	s15 =	simm.s32 $0x5;
	s8 =	sadd.s32 $0x5AC00, s23;
	[dreg:$0xd] =	wrdreg s5  }
0x1b: {  	s1 =	sadd.s32 s3, s11;
	s23 =	sadd.s32 $0xD800, s9;
	[dreg:$0x7] =	wrdreg s8  }
0x1c: {  	s5 =	simm.s32 $0x5100;
	s1 =	sadd.s32 $0x27000, s1;
	[dreg:$0x12] =	wrdreg s23  }
0x1d: {  	s11 =	simm.s32 $0x3;
	[dreg:$0x8] =	wrdreg s1;
	s1 =	sadd.s32 s17, s4  }
0x1e: {  	s4 =	simm.s32 $0x4F00;
	s17 =	simm.s32 $0x0;
	s1 =	sshrl.u32 s1, $0x3  }
0x1f: {  	v0 =	vimm.f32 $0.0e+00;
	s24 =	sadd.s32 s1, s3;
	s3 =	simm.s32 $0x5000;
	s1 =	simm.s32 $0x6A80  }
.LBB2_1:
0x20: {  	s8 =	simm.s32 $0x0  }
0x21: {  	s14 =	rddreg [dreg:$0x6];
	s12 =	simm.s32 $0x80;
	s18 =	simm.s32 $0x400  }
0x22: {  	[tilespmem:s8], [sflag:$0x7] =	stream.strided.gather [hbm4b:s14+s12], $0x2780, s18, s12, $0x38;
	[tilespmem:$0x1FAC0] =	vst v63  }
0x23: {  	_ =	swait.ge [sflag:s28], $0x2780  }
0x24: {  	[sflag:s28] =	ssyncset.done $0x0  }
0x25: {  	s19 =	simm.s32 $0x2780;
	s21 =	rddreg [dreg:$0x7];
	[sflag:s28] =	ssyncadd.s32 $0xFFFFD880  }
0x26: {  	[tilespmem:s19], [sflag:$0x7] =	stream.strided.gather [hbm4b:s21+s12], $0x2780, s18, s12, $0x38;
	[tilespmem:$0x1FAC0] =	vst v63  }
0x27: {  	_ =	swait.ge [sflag:s28], $0x2780  }
0x28: {  	[sflag:s28] =	ssyncset.done $0x0  }
0x29: {  	s22 =	rddreg [dreg:$0x5];
	[sflag:s28] =	ssyncadd.s32 $0xFFFFD880  }
0x2a: {  	[tilespmem:s30], [sflag:$0x7] =	stream.linear.gather [hbm4b:s22+s8], $0x2780, $0x38;
	[tilespmem:$0x1FAC0] =	vst v63  }
0x2b: {  	_ =	swait.ge [sflag:s28], $0x2780  }
0x2c: {  	[sflag:s28] =	ssyncset.done $0x0  }
0x2d: {  	[sflag:s28] =	ssyncadd.s32 $0xFFFFD880  }
0x2e: {  	v1 =	vld [tilespmem:$0x0];
	_ =	sdelay $0x1  }
0x2f: {  	v2 =	vld [tilespmem:$0x10];
	_ =	sdelay $0x1  }
0x30: {  	v3 =	vld [tilespmem:$0x20]  }
0x31: {  	v4 =	vand.u32 $0xFFFF, v1  }
0x32: {  	v1 =	vshrl.u32 v1, $0x10;
	[tilespmem:$0x4F80] =	vst v4  }
0x33: {  	[tilespmem:$0x5100] =	vst v1;
	v1 =	vand.u32 $0xFFFF, v2  }
0x34: {  	[tilespmem:$0x4F90] =	vst v1;
	v1 =	vshrl.u32 v2, $0x10  }
0x35: {  	[tilespmem:$0x5110] =	vst v1;
	v1 =	vand.u32 $0xFFFF, v3  }
0x36: {  	[tilespmem:$0x4FA0] =	vst v1;
	v1 =	vshrl.u32 v3, $0x10  }
0x37: {  	s23 =	simm.s32 $0x4F80;
	[tilespmem:$0x5120] =	vst v1  }
0x38: {  	[tilespmem:s29], [sflag:$0x1] =	stream.indirect.gather [hbm4b:s0+s31], $0x80, s23, s31, $0xb8;
	[tilespmem:$0x1FAC0] =	vst v63  }
0x39: {  	v1 =	vld [tilespmem:$0x30];
	_ =	sdelay $0x1  }
0x3a: {  	v2 =	vld [tilespmem:$0x40];
	_ =	sdelay $0x1  }
0x3b: {  	v3 =	vld [tilespmem:$0x50]  }
0x3c: {  	v63 =	vand.u32 $0xFFFF, v1  }
0x3d: {  	v1 =	vshrl.u32 v1, $0x10;
	[tilespmem:$0x5000] =	vst v63  }
0x3e: {  	[tilespmem:$0x5180] =	vst v1;
	v1 =	vand.u32 $0xFFFF, v2  }
0x3f: {  	[tilespmem:$0x5010] =	vst v1;
	v1 =	vshrl.u32 v2, $0x10  }
0x40: {  	[tilespmem:$0x5190] =	vst v1;
	v1 =	vand.u32 $0xFFFF, v3  }
0x41: {  	[tilespmem:$0x5020] =	vst v1;
	v1 =	vshrl.u32 v3, $0x10  }
0x42: {  	s18 =	simm.s32 $0x0;
	s19 =	simm.s32 $0x200;
	[tilespmem:$0x51A0] =	vst v1  }
0x43: {  	[tilespmem:s1], [sflag:$0x2] =	stream.indirect.gather [hbm4b:s0+s31], $0x80, s3, s31, $0xb8;
	[tilespmem:$0x1FAC0] =	vst v63  }
.LBB2_2:
0x44: {  	p1 =	sne.s32 s19, $0x5E00;
	[tilespmem:s18+$0x82F0] =	vst v0  }
0x45: {  	[tilespmem:s18+$0x8280] =	vst v0  }
0x46: {  	[tilespmem:s18+$0x8290] =	vst v0  }
.Ltmp0:
0x47: {  	[tilespmem:s18+$0x82A0] =	vst v0;
	(pc) =	sbr.rel @p1 .LBB2_2-.Ltmp0, $4  }
0x48: {  	[tilespmem:s18+$0x82B0] =	vst v0  }
0x49: {  	[tilespmem:s18+$0x82C0] =	vst v0  }
0x4a: {  	[tilespmem:s18+$0x82D0] =	vst v0  }
0x4b: {  	[tilespmem:s18+$0x82E0] =	vst v0;
	s18 =	sshra.s32 s19, $0x2;
	s19 =	sadd.s32 $0x200, s19  }
0x4c: {  	[tilespmem:s18+$0x82F0] =	vst v0  }
0x4d: {  	[tilespmem:s18+$0x8280] =	vst v0  }
0x4e: {  	[tilespmem:s18+$0x8290] =	vst v0  }
0x4f: {  	[tilespmem:s18+$0x82A0] =	vst v0  }
0x50: {  	[tilespmem:s18+$0x82B0] =	vst v0  }
0x51: {  	[tilespmem:s18+$0x82C0] =	vst v0  }
0x52: {  	[tilespmem:s18+$0x82D0] =	vst v0  }
0x53: {  	[tilespmem:s18+$0x82E0] =	vst v0  }
0x54: {  	[spmem:s9] =	stream.linear.scatter [tilespmem:s25], [sflag:$0x7], $0x1800, $0x38;
	[tilespmem:$0x1FAC0] =	vst v63  }
0x55: {  	_ =	swait.ge [sflag:s28], $0x1800  }
0x56: {  	[sflag:s28] =	ssyncset.done $0x0  }
0x57: {  	[sflag:s28] =	ssyncadd.s32 $0xFFFFE800  }
0x58: {  	[spmem:s20] =	stream.linear.scatter [tilespmem:s25], [sflag:$0x7], $0x1800, $0x38;
	[tilespmem:$0x1FAC0] =	vst v63  }
0x59: {  	_ =	swait.ge [sflag:s28], $0x1800  }
0x5a: {  	[sflag:s28] =	ssyncset.done $0x0  }
0x5b: {  	s8 =	rddreg [dreg:$0xb];
	[sflag:s28] =	ssyncadd.s32 $0xFFFFE800  }
0x5c: {  	[spmem:s8] =	stream.linear.scatter [tilespmem:s25], [sflag:$0x7], $0x1800, $0x38;
	[tilespmem:$0x1FAC0] =	vst v63  }
0x5d: {  	_ =	swait.ge [sflag:s28], $0x1800  }
0x5e: {  	[sflag:s28] =	ssyncset.done $0x0  }
0x5f: {  	s22 =	rddreg [dreg:$0xc];
	[sflag:s28] =	ssyncadd.s32 $0xFFFFE800  }
0x60: {  	[spmem:s22] =	stream.linear.scatter [tilespmem:s25], [sflag:$0x7], $0x1800, $0x38;
	[tilespmem:$0x1FAC0] =	vst v63  }
0x61: {  	_ =	swait.ge [sflag:s28], $0x1800  }
0x62: {  	[sflag:s28] =	ssyncset.done $0x0  }
0x63: {  	s23 =	rddreg [dreg:$0xd];
	[sflag:s28] =	ssyncadd.s32 $0xFFFFE800  }
0x64: {  	[spmem:s23] =	stream.linear.scatter [tilespmem:s25], [sflag:$0x7], $0x1800, $0x38;
	[tilespmem:$0x1FAC0] =	vst v63  }
0x65: {  	_ =	swait.ge [sflag:s28], $0x1800  }
0x66: {  	[sflag:s28] =	ssyncset.done $0x0  }
0x67: {  	s12 =	rddreg [dreg:$0xe];
	[sflag:s28] =	ssyncadd.s32 $0xFFFFE800  }
0x68: {  	[spmem:s12] =	stream.linear.scatter [tilespmem:s25], [sflag:$0x7], $0x1800, $0x38;
	[tilespmem:$0x1FAC0] =	vst v63  }
0x69: {  	_ =	swait.ge [sflag:s28], $0x1800  }
0x6a: {  	[sflag:s28] =	ssyncset.done $0x0  }
0x6b: {  	s14 =	rddreg [dreg:$0xf];
	[sflag:s28] =	ssyncadd.s32 $0xFFFFE800  }
0x6c: {  	[spmem:s14] =	stream.linear.scatter [tilespmem:s25], [sflag:$0x7], $0x1800, $0x38;
	[tilespmem:$0x1FAC0] =	vst v63  }
0x6d: {  	_ =	swait.ge [sflag:s28], $0x1800  }
0x6e: {  	[sflag:s28] =	ssyncset.done $0x0  }
0x6f: {  	s18 =	rddreg [dreg:$0x10];
	[sflag:s28] =	ssyncadd.s32 $0xFFFFE800  }
0x70: {  	[spmem:s18] =	stream.linear.scatter [tilespmem:s25], [sflag:$0x7], $0x1800, $0x38;
	[tilespmem:$0x1FAC0] =	vst v63  }
0x71: {  	_ =	swait.ge [sflag:s28], $0x1800  }
0x72: {  	[sflag:s28] =	ssyncset.done $0x0  }
0x73: {  	s19 =	rddreg [dreg:$0x11];
	[sflag:s28] =	ssyncadd.s32 $0xFFFFE800  }
0x74: {  	[spmem:s19] =	stream.linear.scatter [tilespmem:s25], [sflag:$0x7], $0x1800, $0x38;
	[tilespmem:$0x1FAC0] =	vst v63  }
0x75: {  	_ =	swait.ge [sflag:s28], $0x1800  }
0x76: {  	[sflag:s28] =	ssyncset.done $0x0  }
0x77: {  	s20 =	rddreg [dreg:$0x12];
	[sflag:s28] =	ssyncadd.s32 $0xFFFFE800  }
0x78: {  	[spmem:s20] =	stream.linear.scatter [tilespmem:s25], [sflag:$0x7], $0x1800, $0x38;
	[tilespmem:$0x1FAC0] =	vst v63  }
0x79: {  	_ =	swait.ge [sflag:s28], $0x1800  }
0x7a: {  	[sflag:s28] =	ssyncset.done $0x0  }
0x7b: {  	s21 =	rddreg [dreg:$0x13];
	[sflag:s28] =	ssyncadd.s32 $0xFFFFE800  }
0x7c: {  	[spmem:s21] =	stream.linear.scatter [tilespmem:s25], [sflag:$0x7], $0x1800, $0x38;
	[tilespmem:$0x1FAC0] =	vst v63  }
0x7d: {  	_ =	swait.ge [sflag:s28], $0x1800  }
0x7e: {  	[sflag:s28] =	ssyncset.done $0x0  }
0x7f: {  	s22 =	rddreg [dreg:$0x14];
	[sflag:s28] =	ssyncadd.s32 $0xFFFFE800  }
0x80: {  	[spmem:s22] =	stream.linear.scatter [tilespmem:s25], [sflag:$0x7], $0x1800, $0x38;
	[tilespmem:$0x1FAC0] =	vst v63  }
0x81: {  	_ =	swait.ge [sflag:s28], $0x1800  }
0x82: {  	[sflag:s28] =	ssyncset.done $0x0  }
0x83: {  	s23 =	rddreg [dreg:$0x15];
	[sflag:s28] =	ssyncadd.s32 $0xFFFFE800  }
0x84: {  	[spmem:s23] =	stream.linear.scatter [tilespmem:s25], [sflag:$0x7], $0x1800, $0x38;
	[tilespmem:$0x1FAC0] =	vst v63  }
0x85: {  	_ =	swait.ge [sflag:s28], $0x1800  }
0x86: {  	[sflag:s28] =	ssyncset.done $0x0  }
0x87: {  	s14 =	simm.s32 @!p0 $0x8280;
	[sflag:s28] =	ssyncadd.s32 $0xFFFFE800  }
0x88: {  	[spmem:s16] =	stream.linear.scatter @!p0 [tilespmem:s14], [sflag:$0x7], $0xC00, $0x38;
	[tilespmem:$0x1FAC0] =	vst v63  }
0x89: {  	s14 =	simm.s32 @!p0 $0x7  }
0x8a: {  	_ =	swait.ge @!p0 [sflag:s14], $0xC00  }
0x8b: {  	[sflag:s14] =	ssyncset.done @!p0 $0x0  }
0x8c: {  	s12 =	smov.u32 s16;
	[sflag:s14] =	ssyncadd.s32 @!p0 $0xFFFFF400  }
0x8d: {  	s18 =	simm.s32 $0x0;
	s19 =	simm.s32 $0x0;
	[bflag:$0x0] =	sbarrier.arrive $0xFFFF  }
.LBB2_4:
0x8e: {  	_ =	swait.ge [sflag:s26], $0x1800  }
0x8f: {  	[sflag:s26] =	ssyncset.done $0x0  }
0x90: {  	[sflag:s26] =	ssyncadd.s32 $0xFFFFE800  }
0x91: {  	v1 =	vld [tilespmem:$0x4F80];
	_ =	sdelay $0x3  }
0x92: {  	s20 =	smul.u32 $0x90, s19;
	_ =	sdelay $0x1  }
0x93: {  	v2 =	vld [tilespmem:s20+$0x2780]  }
0x94: {  	v3 =	vld [tilespmem:$0x4F90]  }
0x95: {  	v1 =	vld.idx.msk [tilespmem:v1+s30+$0x0], $0xffff;
	_ =	sdelay $0x4  }
0x96: {  	v1 =	vmul.f32 v2, v1;
	_ =	sdelay $0x1  }
0x97: {  	[tilespmem:$0x4F00] =	vst v1  }
0x98: {  	v1 =	vld.idx.msk [tilespmem:v3+s30+$0x0], $0xffff  }
0x99: {  	v2 =	vld [tilespmem:s20+$0x2790]  }
0x9a: {  	v3 =	vld [tilespmem:$0x4FA0];
	_ =	sdelay $0x4  }
0x9b: {  	v1 =	vmul.f32 v2, v1;
	_ =	sdelay $0x1  }
0x9c: {  	[tilespmem:$0x4F10] =	vst v1  }
0x9d: {  	v1 =	vld.idx.msk [tilespmem:v3+s30+$0x0], $0xffff  }
0x9e: {  	s14 =	simm.s32 $0x6;
	v2 =	vld [tilespmem:s20+$0x27A0];
	v3 =	vmov s18  }
0x9f: {  	v4 =	vmov s14;
	v3 =	vand.u32 $0xFFFFFFF8, v3  }
0xa0: {  	v4 =	vand.u32 $0xFFFFFFFE, v4;
	v3 =	vbroadcast v3, $0x0  }
0xa1: {  	v4 =	vbroadcast v4, $0x0;
	_ =	sdelay $0x1  }
0xa2: {  	v1 =	vmul.f32 v2, v1;
	_ =	sdelay $0x1  }
0xa3: {  	[tilespmem:$0x4F20] =	vst v1  }
0xa4: {  	v1 =	vld.idx.msk [tilespmem:v3+s4+$0x0], $0xffff  }
0xa5: {  	s21 =	simm.s32 $0x5480;
	v2 =	vld.idx.msk [tilespmem:v4+s4+$0x0], $0xffff  }
0xa6: {  	v4 =	vld [tilespmem:s21+$0x170]  }
0xa7: {  	v5 =	vld [tilespmem:s21+$0xFFFFFE00]  }
0xa8: {  	v6 =	vld [tilespmem:s21+$0xFFFFFE10]  }
0xa9: {  	v7 =	vld [tilespmem:s21+$0xFFFFFE20]  }
0xaa: {  	v8 =	vld [tilespmem:s21+$0xFFFFFE30]  }
0xab: {  	s22 =	simm.s32 $0x1;
	v9 =	vld [tilespmem:s21+$0xFFFFFE40]  }
0xac: {  	v3 =	vmov s22;
	v10 =	vld [tilespmem:s21+$0xFFFFFE50]  }
0xad: {  	v11 =	vld [tilespmem:s21+$0xFFFFFE60];
	v3 =	vand.u32 $0xFFFFFFF9, v3  }
0xae: {  	v12 =	vld [tilespmem:s21+$0xFFFFFE70];
	v3 =	vbroadcast v3, $0x0  }
0xaf: {  	v13 =	vld [tilespmem:s21+$0xFFFFFE80]  }
0xb0: {  	v14 =	vld [tilespmem:s21+$0xFFFFFE90];
	v5 =	vmul.f32 v5, v1  }
0xb1: {  	v15 =	vld [tilespmem:s21+$0xFFFFFEA0];
	v4 =	vmul.f32 v4, v2  }
0xb2: {  	v16 =	vld [tilespmem:s21+$0xFFFFFEB0];
	v6 =	vmul.f32 v6, v1;
	[tilespmem:s21+$0xFFFFFE00] =	vst v5  }
0xb3: {  	s23 =	simm.s32 $0x2;
	v8 =	vmul.f32 v8, v1;
	[tilespmem:s21+$0x170] =	vst v4;
	v4 =	vmul.f32 v7, v1;
	v7 =	vld [tilespmem:s21+$0xFFFFFEC0]  }
0xb4: {  	v9 =	vmul.f32 v9, v1;
	v5 =	vmov s23;
	[tilespmem:s21+$0xFFFFFE10] =	vst v6;
	v3 =	vld.idx.msk [tilespmem:v3+s4+$0x0], $0xffff  }
0xb5: {  	[tilespmem:s21+$0xFFFFFE30] =	vst v8;
	v8 =	vmul.f32 v10, v1;
	v10 =	vld [tilespmem:s21+$0xFFFFFEF0];
	v5 =	vand.u32 $0xFFFFFFFA, v5  }
0xb6: {  	[tilespmem:s21+$0xFFFFFE40] =	vst v9;
	v9 =	vmul.f32 v11, v1;
	v11 =	vld [tilespmem:s21+$0xFFFFFF00];
	v5 =	vbroadcast v5, $0x0  }
0xb7: {  	v1 =	vmul.f32 v12, v1;
	v12 =	vld [tilespmem:s21+$0xFFFFFF20];
	[tilespmem:s21+$0xFFFFFE20] =	vst v4  }
0xb8: {  	v4 =	vld [tilespmem:s21+$0xFFFFFEE0];
	[tilespmem:s21+$0xFFFFFE50] =	vst v8  }
0xb9: {  	v8 =	vld [tilespmem:s21+$0xFFFFFF10];
	[tilespmem:s21+$0xFFFFFE60] =	vst v9;
	v6 =	vmul.f32 v13, v3  }
0xba: {  	[tilespmem:s21+$0xFFFFFE70] =	vst v1;
	v13 =	vld [tilespmem:s21+$0xFFFFFED0];
	v9 =	vmul.f32 v14, v3  }
0xbb: {  	s8 =	simm.s32 $0x3;
	v1 =	vmul.f32 v15, v3;
	v14 =	vld [tilespmem:s21+$0xFFFFFF30];
	[tilespmem:s21+$0xFFFFFE80] =	vst v6  }
0xbc: {  	v7 =	vmul.f32 v7, v3;
	v5 =	vld.idx.msk [tilespmem:v5+s4+$0x0], $0xffff;
	v6 =	vmov s8;
	[tilespmem:s21+$0xFFFFFE90] =	vst v9  }
0xbd: {  	v15 =	vld [tilespmem:s21+$0xFFFFFF40];
	v9 =	vmul.f32 v16, v3;
	[tilespmem:s21+$0xFFFFFEA0] =	vst v1;
	v6 =	vand.u32 $0xFFFFFFFB, v6  }
0xbe: {  	v4 =	vmul.f32 v4, v3;
	[tilespmem:s21+$0xFFFFFEC0] =	vst v7;
	v7 =	vld [tilespmem:s21+$0xFFFFFF70];
	v6 =	vbroadcast v6, $0x0  }
0xbf: {  	[tilespmem:s21+$0xFFFFFEB0] =	vst v9;
	v9 =	vld [tilespmem:s21+$0xFFFFFF60];
	v13 =	vmul.f32 v13, v3  }
0xc0: {  	[tilespmem:s21+$0xFFFFFEE0] =	vst v4;
	v3 =	vmul.f32 v10, v3;
	v10 =	vld [tilespmem:s21+$0xFFFFFF80]  }
0xc1: {  	v1 =	vmul.f32 v11, v5;
	v11 =	vld [tilespmem:s21+$0xFFFFFF50];
	[tilespmem:s21+$0xFFFFFED0] =	vst v13  }
0xc2: {  	v4 =	vmul.f32 v8, v5;
	v8 =	vld [tilespmem:s21+$0xFFFFFF90];
	[tilespmem:s21+$0xFFFFFEF0] =	vst v3  }
0xc3: {  	s16 =	simm.s32 $0x4;
	v3 =	vmul.f32 v12, v5;
	v12 =	vld [tilespmem:s21+$0xFFFFFFA0];
	[tilespmem:s21+$0xFFFFFF00] =	vst v1  }
0xc4: {  	v1 =	vmov s16;
	[tilespmem:s21+$0xFFFFFF10] =	vst v4;
	v4 =	vmul.f32 v14, v5;
	v6 =	vld.idx.msk [tilespmem:v6+s4+$0x0], $0xffff  }
0xc5: {  	v13 =	vld [tilespmem:s21+$0xFFFFFFB0];
	[tilespmem:s21+$0xFFFFFF20] =	vst v3;
	v3 =	vmul.f32 v15, v5;
	v1 =	vand.u32 $0xFFFFFFFC, v1  }
0xc6: {  	v14 =	vld [tilespmem:s21+$0xFFFFFFC0];
	v9 =	vmul.f32 v9, v5;
	v1 =	vbroadcast v1, $0x0;
	[tilespmem:s21+$0xFFFFFF30] =	vst v4  }
0xc7: {  	[tilespmem:s21+$0xFFFFFF40] =	vst v3;
	v3 =	vld [tilespmem:s21+$0xFFFFFFE0];
	v11 =	vmul.f32 v11, v5  }
0xc8: {  	[tilespmem:s21+$0xFFFFFF60] =	vst v9;
	v9 =	vld [tilespmem:s21+$0x0];
	v5 =	vmul.f32 v7, v5  }
0xc9: {  	v7 =	vld [tilespmem:s21+$0xFFFFFFF0];
	[tilespmem:s21+$0xFFFFFF50] =	vst v11;
	v4 =	vmul.f32 v10, v6  }
0xca: {  	[tilespmem:s21+$0xFFFFFF70] =	vst v5;
	v10 =	vld [tilespmem:s21+$0xFFFFFFD0];
	v8 =	vmul.f32 v8, v6  }
0xcb: {  	v11 =	vld [tilespmem:s21+$0x10];
	v5 =	vmul.f32 v12, v6;
	[tilespmem:s21+$0xFFFFFF80] =	vst v4  }
0xcc: {  	s22 =	simm.s32 $0x5;
	v3 =	vmul.f32 v3, v6;
	v1 =	vld.idx.msk [tilespmem:v1+s4+$0x0], $0xffff;
	[tilespmem:s21+$0xFFFFFF90] =	vst v8  }
0xcd: {  	v12 =	vld [tilespmem:s21+$0x20];
	v4 =	vmov s22;
	v8 =	vmul.f32 v13, v6;
	[tilespmem:s21+$0xFFFFFFA0] =	vst v5  }
0xce: {  	v5 =	vmul.f32 v14, v6;
	v13 =	vld [tilespmem:s21+$0x30];
	v4 =	vand.u32 $0xFFFFFFFD, v4;
	[tilespmem:s21+$0xFFFFFFE0] =	vst v3  }
0xcf: {  	v4 =	vbroadcast v4, $0x0;
	[tilespmem:s21+$0xFFFFFFB0] =	vst v8;
	v8 =	vmul.f32 v10, v6;
	v10 =	vld [tilespmem:s21+$0x40]  }
0xd0: {  	[tilespmem:s21+$0xFFFFFFC0] =	vst v5;
	v6 =	vmul.f32 v7, v6;
	v7 =	vld [tilespmem:s21+$0x80]  }
0xd1: {  	v5 =	vmul.f32 v9, v1;
	v9 =	vld [tilespmem:s21+$0x50];
	[tilespmem:s21+$0xFFFFFFD0] =	vst v8  }
0xd2: {  	v8 =	vld [tilespmem:s21+$0x60];
	v3 =	vmul.f32 v11, v1;
	[tilespmem:s21+$0xFFFFFFF0] =	vst v6  }
0xd3: {  	v6 =	vmul.f32 v12, v1;
	v11 =	vld [tilespmem:s21+$0x90];
	[tilespmem:s21+$0x0] =	vst v5  }
0xd4: {  	v5 =	vld [tilespmem:s21+$0x70];
	[tilespmem:s21+$0x10] =	vst v3;
	v3 =	vmul.f32 v13, v1  }
0xd5: {  	[tilespmem:s21+$0x20] =	vst v6;
	v4 =	vld.idx.msk [tilespmem:v4+s4+$0x0], $0xffff;
	v6 =	vmul.f32 v10, v1  }
0xd6: {  	v10 =	vld [tilespmem:s21+$0xA0];
	[tilespmem:s21+$0x30] =	vst v3  }
0xd7: {  	v3 =	vmul.f32 v9, v1;
	v9 =	vld [tilespmem:s21+$0xB0];
	[tilespmem:s21+$0x40] =	vst v6;
	v6 =	vmul.f32 v8, v1  }
0xd8: {  	v8 =	vld [tilespmem:s21+$0xC0]  }
0xd9: {  	v5 =	vmul.f32 v5, v1;
	[tilespmem:s21+$0x60] =	vst v6;
	v6 =	vld [tilespmem:s21+$0xE0]  }
0xda: {  	[tilespmem:s21+$0x50] =	vst v3;
	v3 =	vmul.f32 v7, v4;
	v7 =	vld [tilespmem:s21+$0xD0]  }
0xdb: {  	v11 =	vmul.f32 v11, v4;
	[tilespmem:s21+$0x70] =	vst v5;
	v5 =	vld [tilespmem:s21+$0xF0]  }
0xdc: {  	[tilespmem:s21+$0x80] =	vst v3;
	v3 =	vmul.f32 v10, v4;
	v10 =	vld [tilespmem:s21+$0x100]  }
0xdd: {  	[tilespmem:s21+$0x90] =	vst v11;
	v9 =	vmul.f32 v9, v4;
	v11 =	vld [tilespmem:s21+$0x150]  }
0xde: {  	s23 =	simm.s32 $0x7;
	[tilespmem:s21+$0xA0] =	vst v3;
	v3 =	vmul.f32 v8, v4;
	v8 =	vld [tilespmem:s21+$0x110]  }
0xdf: {  	v14 =	vld [tilespmem:s21+$0x180];
	v12 =	vmov s23;
	[tilespmem:s21+$0xB0] =	vst v9;
	v7 =	vmul.f32 v7, v4  }
0xe0: {  	v9 =	vld [tilespmem:s21+$0x120];
	[tilespmem:s21+$0xC0] =	vst v3;
	v3 =	vmul.f32 v6, v4  }
0xe1: {  	s23 =	simm.s32 $0xA;
	v6 =	vld [tilespmem:s21+$0x130];
	v4 =	vmul.f32 v5, v4;
	[tilespmem:s21+$0xD0] =	vst v7  }
0xe2: {  	s8 =	simm.s32 $0x8;
	v13 =	vmov s23;
	v5 =	vld [tilespmem:s21+$0x140];
	v10 =	vmul.f32 v10, v2;
	[tilespmem:s21+$0xE0] =	vst v3  }
0xe3: {  	s22 =	simm.s32 $0x9;
	s23 =	simm.s32 $0xD;
	v7 =	vmov s8;
	v11 =	vmul.f32 v11, v2;
	[tilespmem:s21+$0xF0] =	vst v4;
	v4 =	vmul.f32 v8, v2;
	v8 =	vld [tilespmem:s21+$0x160]  }
0xe4: {  	s16 =	simm.s32 $0xF;
	v18 =	vmov s23;
	v1 =	vld.idx.msk [tilespmem:v12+s4+$0x0], $0xffff;
	v12 =	vmov s22;
	s8 =	simm.s32 $0xB;
	v7 =	vand.u32 $0xFFFFFFF8, v7;
	[tilespmem:s21+$0x100] =	vst v10  }
0xe5: {  	v17 =	vld [tilespmem:s21+$0x190];
	v3 =	vmov s16;
	s16 =	simm.s32 $0xC;
	v9 =	vmul.f32 v9, v2;
	v10 =	vmov s8;
	[tilespmem:s21+$0x150] =	vst v11  }
0xe6: {  	v15 =	vmov s16;
	[tilespmem:s21+$0x110] =	vst v4;
	v16 =	vmul.f32 v6, v2;
	v4 =	vbroadcast v7, $0x0;
	v6 =	vld [tilespmem:s21+$0x1A0]  }
0xe7: {  	[tilespmem:s21+$0x120] =	vst v9;
	v9 =	vmul.f32 v5, v2;
	v5 =	vand.u32 $0xFFFFFFF9, v12;
	v12 =	vand.u32 $0xFFFFFFFA, v13;
	v7 =	vld [tilespmem:s21+$0x1B0]  }
0xe8: {  	v13 =	vand.u32 $0xFFFFFFFB, v10;
	v5 =	vbroadcast v5, $0x0;
	[tilespmem:s21+$0x130] =	vst v16;
	v16 =	vmul.f32 v8, v2;
	v8 =	vld [tilespmem:s21+$0x1C0]  }
0xe9: {  	v10 =	vbroadcast v12, $0x0;
	[tilespmem:s21+$0x140] =	vst v9;
	v9 =	vld [tilespmem:s21+$0x1D0];
	v2 =	vand.u32 $0xFFFFFFFC, v15;
	v15 =	vmul.f32 v14, v1  }
0xea: {  	s23 =	simm.s32 $0xE;
	s22 =	simm.s32 $0x10;
	v11 =	vld [tilespmem:s21+$0x1E0];
	v12 =	vbroadcast v13, $0x0;
	v13 =	vmul.f32 v17, v1;
	v14 =	vand.u32 $0xFFFFFFFD, v18;
	[tilespmem:s21+$0x160] =	vst v16  }
.LBB2_5:
0xeb: {  	p1 =	slt.u32 s22, $0x28;
	v2 =	vbroadcast v2, $0x0;
	v16 =	vmov s23;
	[tilespmem:s21+$0x180] =	vst v15;
	v6 =	vmul.f32 v6, v1;
	v15 =	vld [tilespmem:s21+$0x1F0]  }
0xec: {  	v14 =	vbroadcast v14, $0x0;
	v16 =	vand.u32 $0xFFFFFFFE, v16;
	v17 =	vld.idx.msk [tilespmem:v3+s4+$0x0], $0xffff;
	[tilespmem:s21+$0x190] =	vst v13;
	v3 =	vmul.f32 v7, v1  }
0xed: {  	v7 =	vld.idx.msk [tilespmem:v4+s4+$0x0], $0xffff;
	v13 =	vbroadcast v16, $0x0;
	[tilespmem:s21+$0x1A0] =	vst v6;
	v4 =	vmul.f32 v8, v1  }
0xee: {  	v6 =	vld.idx.msk [tilespmem:v5+s4+$0x0], $0xffff;
	[tilespmem:s21+$0x1B0] =	vst v3;
	v3 =	vmul.f32 v9, v1  }
0xef: {  	v8 =	vld.idx.msk [tilespmem:v10+s4+$0x0], $0xffff;
	[tilespmem:s21+$0x1C0] =	vst v4;
	v9 =	vmul.f32 v11, v1  }
0xf0: {  	v5 =	vld.idx.msk [tilespmem:v12+s4+$0x0], $0xffff;
	[tilespmem:s21+$0x1D0] =	vst v3;
	v10 =	vmul.f32 v15, v1  }
0xf1: {  	v4 =	vld.idx.msk [tilespmem:v2+s4+$0x0], $0xffff;
	[tilespmem:s21+$0x1E0] =	vst v9  }
0xf2: {  	v1 =	vmov v17;
	v3 =	vld.idx.msk [tilespmem:v14+s4+$0x0], $0xffff;
	[tilespmem:s21+$0x1F0] =	vst v10  }
0xf3: {  	s21 =	sadd.s32 $0x400, s21;
	v2 =	vld.idx.msk [tilespmem:v13+s4+$0x0], $0xffff  }
0xf4: {  	v9 =	vld [tilespmem:s21+$0x170]  }
0xf5: {  	v10 =	vld [tilespmem:s21+$0xFFFFFE00]  }
0xf6: {  	v11 =	vld [tilespmem:s21+$0xFFFFFE10]  }
0xf7: {  	v12 =	vld [tilespmem:s21+$0xFFFFFE20]  }
0xf8: {  	v13 =	vld [tilespmem:s21+$0xFFFFFE30]  }
0xf9: {  	v14 =	vld [tilespmem:s21+$0xFFFFFE40];
	v9 =	vmul.f32 v9, v2  }
0xfa: {  	v10 =	vmul.f32 v10, v7;
	v15 =	vld [tilespmem:s21+$0xFFFFFE50]  }
0xfb: {  	v11 =	vmul.f32 v11, v7;
	v16 =	vld [tilespmem:s21+$0xFFFFFE60];
	[tilespmem:s21+$0x170] =	vst v9  }
0xfc: {  	[tilespmem:s21+$0xFFFFFE00] =	vst v10;
	v9 =	vmul.f32 v12, v7;
	v10 =	vld [tilespmem:s21+$0xFFFFFE70]  }
0xfd: {  	[tilespmem:s21+$0xFFFFFE10] =	vst v11;
	v11 =	vmul.f32 v13, v7;
	v12 =	vld [tilespmem:s21+$0xFFFFFE80]  }
0xfe: {  	[tilespmem:s21+$0xFFFFFE20] =	vst v9;
	v9 =	vmul.f32 v14, v7;
	v13 =	vld [tilespmem:s21+$0xFFFFFE90]  }
0xff: {  	[tilespmem:s21+$0xFFFFFE30] =	vst v11;
	v11 =	vmul.f32 v15, v7;
	v14 =	vld [tilespmem:s21+$0xFFFFFEA0]  }
0x100: {  	[tilespmem:s21+$0xFFFFFE40] =	vst v9;
	v9 =	vmul.f32 v16, v7;
	v15 =	vld [tilespmem:s21+$0xFFFFFEB0]  }
0x101: {  	[tilespmem:s21+$0xFFFFFE50] =	vst v11;
	v7 =	vmul.f32 v10, v7;
	v10 =	vld [tilespmem:s21+$0xFFFFFEC0]  }
0x102: {  	[tilespmem:s21+$0xFFFFFE60] =	vst v9;
	v9 =	vmul.f32 v12, v6;
	v11 =	vld [tilespmem:s21+$0xFFFFFED0]  }
0x103: {  	[tilespmem:s21+$0xFFFFFE70] =	vst v7;
	v7 =	vmul.f32 v13, v6;
	v12 =	vld [tilespmem:s21+$0xFFFFFEE0]  }
0x104: {  	[tilespmem:s21+$0xFFFFFE80] =	vst v9;
	v9 =	vmul.f32 v14, v6;
	v13 =	vld [tilespmem:s21+$0xFFFFFEF0]  }
0x105: {  	[tilespmem:s21+$0xFFFFFE90] =	vst v7;
	v7 =	vmul.f32 v15, v6;
	v14 =	vld [tilespmem:s21+$0xFFFFFF00]  }
0x106: {  	[tilespmem:s21+$0xFFFFFEA0] =	vst v9;
	v9 =	vmul.f32 v10, v6;
	v10 =	vld [tilespmem:s21+$0xFFFFFF10]  }
0x107: {  	[tilespmem:s21+$0xFFFFFEB0] =	vst v7;
	v7 =	vmul.f32 v11, v6;
	v11 =	vld [tilespmem:s21+$0xFFFFFF20]  }
0x108: {  	[tilespmem:s21+$0xFFFFFEC0] =	vst v9;
	v9 =	vmul.f32 v12, v6;
	v12 =	vld [tilespmem:s21+$0xFFFFFF30]  }
0x109: {  	[tilespmem:s21+$0xFFFFFED0] =	vst v7;
	v6 =	vmul.f32 v13, v6;
	v7 =	vld [tilespmem:s21+$0xFFFFFF40]  }
0x10a: {  	[tilespmem:s21+$0xFFFFFEE0] =	vst v9;
	v9 =	vmul.f32 v14, v8;
	v13 =	vld [tilespmem:s21+$0xFFFFFF50]  }
0x10b: {  	[tilespmem:s21+$0xFFFFFEF0] =	vst v6;
	v6 =	vmul.f32 v10, v8;
	v10 =	vld [tilespmem:s21+$0xFFFFFF60]  }
0x10c: {  	[tilespmem:s21+$0xFFFFFF00] =	vst v9;
	v9 =	vmul.f32 v11, v8;
	v11 =	vld [tilespmem:s21+$0xFFFFFF70]  }
0x10d: {  	[tilespmem:s21+$0xFFFFFF10] =	vst v6;
	v6 =	vmul.f32 v12, v8;
	v12 =	vld [tilespmem:s21+$0xFFFFFF80]  }
0x10e: {  	[tilespmem:s21+$0xFFFFFF20] =	vst v9;
	v7 =	vmul.f32 v7, v8;
	v9 =	vld [tilespmem:s21+$0xFFFFFF90]  }
0x10f: {  	[tilespmem:s21+$0xFFFFFF30] =	vst v6;
	v6 =	vmul.f32 v13, v8;
	v13 =	vld [tilespmem:s21+$0xFFFFFFA0]  }
0x110: {  	[tilespmem:s21+$0xFFFFFF40] =	vst v7;
	v7 =	vmul.f32 v10, v8;
	v10 =	vld [tilespmem:s21+$0xFFFFFFB0]  }
0x111: {  	[tilespmem:s21+$0xFFFFFF50] =	vst v6;
	v6 =	vmul.f32 v11, v8;
	v8 =	vld [tilespmem:s21+$0xFFFFFFC0]  }
0x112: {  	[tilespmem:s21+$0xFFFFFF60] =	vst v7;
	v7 =	vmul.f32 v12, v5;
	v11 =	vld [tilespmem:s21+$0xFFFFFFD0]  }
0x113: {  	[tilespmem:s21+$0xFFFFFF70] =	vst v6;
	v6 =	vmul.f32 v9, v5;
	v9 =	vld [tilespmem:s21+$0xFFFFFFE0]  }
0x114: {  	[tilespmem:s21+$0xFFFFFF80] =	vst v7;
	v7 =	vmul.f32 v13, v5;
	v12 =	vld [tilespmem:s21+$0xFFFFFFF0]  }
0x115: {  	[tilespmem:s21+$0xFFFFFF90] =	vst v6;
	v6 =	vmul.f32 v10, v5;
	v10 =	vld [tilespmem:s21+$0x0]  }
0x116: {  	[tilespmem:s21+$0xFFFFFFA0] =	vst v7;
	v7 =	vmul.f32 v8, v5;
	v8 =	vld [tilespmem:s21+$0x10]  }
0x117: {  	[tilespmem:s21+$0xFFFFFFB0] =	vst v6;
	v6 =	vmul.f32 v11, v5;
	v11 =	vld [tilespmem:s21+$0x20]  }
0x118: {  	[tilespmem:s21+$0xFFFFFFC0] =	vst v7;
	v7 =	vmul.f32 v9, v5;
	v9 =	vld [tilespmem:s21+$0x30]  }
0x119: {  	[tilespmem:s21+$0xFFFFFFD0] =	vst v6;
	v5 =	vmul.f32 v12, v5;
	v6 =	vld [tilespmem:s21+$0x40]  }
0x11a: {  	[tilespmem:s21+$0xFFFFFFE0] =	vst v7;
	v7 =	vmul.f32 v10, v4;
	v10 =	vld [tilespmem:s21+$0x50]  }
0x11b: {  	[tilespmem:s21+$0xFFFFFFF0] =	vst v5;
	v5 =	vmul.f32 v8, v4;
	v8 =	vld [tilespmem:s21+$0x60]  }
0x11c: {  	[tilespmem:s21+$0x0] =	vst v7;
	v7 =	vmul.f32 v11, v4;
	v11 =	vld [tilespmem:s21+$0x70]  }
0x11d: {  	[tilespmem:s21+$0x10] =	vst v5;
	v5 =	vmul.f32 v9, v4;
	v9 =	vld [tilespmem:s21+$0x80]  }
0x11e: {  	[tilespmem:s21+$0x20] =	vst v7;
	v6 =	vmul.f32 v6, v4;
	v7 =	vld [tilespmem:s21+$0x90]  }
0x11f: {  	[tilespmem:s21+$0x30] =	vst v5;
	v5 =	vmul.f32 v10, v4;
	v10 =	vld [tilespmem:s21+$0xA0]  }
0x120: {  	[tilespmem:s21+$0x40] =	vst v6;
	v6 =	vmul.f32 v8, v4;
	v8 =	vld [tilespmem:s21+$0xB0]  }
0x121: {  	[tilespmem:s21+$0x50] =	vst v5;
	v4 =	vmul.f32 v11, v4;
	v5 =	vld [tilespmem:s21+$0xC0]  }
0x122: {  	[tilespmem:s21+$0x60] =	vst v6;
	v6 =	vmul.f32 v9, v3;
	v9 =	vld [tilespmem:s21+$0xD0]  }
0x123: {  	[tilespmem:s21+$0x70] =	vst v4;
	v4 =	vmul.f32 v7, v3;
	v7 =	vld [tilespmem:s21+$0xE0]  }
0x124: {  	[tilespmem:s21+$0x80] =	vst v6;
	v6 =	vmul.f32 v10, v3;
	v10 =	vld [tilespmem:s21+$0xF0]  }
0x125: {  	[tilespmem:s21+$0x90] =	vst v4;
	v4 =	vmul.f32 v8, v3;
	v8 =	vld [tilespmem:s21+$0x100]  }
0x126: {  	[tilespmem:s21+$0xA0] =	vst v6;
	v5 =	vmul.f32 v5, v3;
	v6 =	vld [tilespmem:s21+$0x110]  }
0x127: {  	[tilespmem:s21+$0xB0] =	vst v4;
	v4 =	vmul.f32 v9, v3;
	v9 =	vld [tilespmem:s21+$0x120]  }
0x128: {  	[tilespmem:s21+$0xC0] =	vst v5;
	v5 =	vmul.f32 v7, v3;
	v7 =	vld [tilespmem:s21+$0x130]  }
0x129: {  	[tilespmem:s21+$0xD0] =	vst v4;
	v4 =	vmul.f32 v10, v3;
	v10 =	vld [tilespmem:s21+$0x140]  }
0x12a: {  	s14 =	sadd.s32 $0x7, s22;
	v3 =	vmov s22;
	[tilespmem:s21+$0xE0] =	vst v5;
	v5 =	vmul.f32 v8, v2;
	v8 =	vld [tilespmem:s21+$0x150]  }
0x12b: {  	s23 =	sadd.s32 $0x1, s22;
	s16 =	sadd.s32 $0x2, s22;
	v11 =	vand.u32 $0xFFFFFFF8, v3;
	v3 =	vmov s14;
	[tilespmem:s21+$0xF0] =	vst v4;
	v4 =	vmul.f32 v6, v2;
	v12 =	vld [tilespmem:s21+$0x160]  }
0x12c: {  	v14 =	vmov s16;
	s16 =	sadd.s32 $0x4, s22;
	v13 =	vmov s23;
	s14 =	sadd.s32 $0x3, s22;
	[tilespmem:s21+$0x100] =	vst v5;
	v5 =	vmul.f32 v9, v2;
	v9 =	vld [tilespmem:s21+$0x180]  }
0x12d: {  	v16 =	vmov s16;
	v15 =	vmov s14;
	s14 =	sadd.s32 $0x5, s22;
	[tilespmem:s21+$0x110] =	vst v4;
	v7 =	vmul.f32 v7, v2;
	v17 =	vld [tilespmem:s21+$0x190]  }
.Ltmp1:
0x12e: {  	v4 =	vbroadcast v11, $0x0;
	v11 =	vmov s14;
	[tilespmem:s21+$0x120] =	vst v5;
	v10 =	vmul.f32 v10, v2;
	v6 =	vld [tilespmem:s21+$0x1A0];
	(pc) =	sbr.rel @p1 .LBB2_5-.Ltmp1, $4  }
0x12f: {  	v5 =	vand.u32 $0xFFFFFFF9, v13;
	v13 =	vand.u32 $0xFFFFFFFA, v14;
	[tilespmem:s21+$0x130] =	vst v7;
	v14 =	vmul.f32 v8, v2;
	v7 =	vld [tilespmem:s21+$0x1B0]  }
0x130: {  	v18 =	vand.u32 $0xFFFFFFFB, v15;
	v5 =	vbroadcast v5, $0x0;
	[tilespmem:s21+$0x140] =	vst v10;
	v19 =	vmul.f32 v12, v2;
	v8 =	vld [tilespmem:s21+$0x1C0]  }
0x131: {  	v10 =	vbroadcast v13, $0x0;
	v2 =	vand.u32 $0xFFFFFFFC, v16;
	[tilespmem:s21+$0x150] =	vst v14;
	v15 =	vmul.f32 v9, v1;
	v9 =	vld [tilespmem:s21+$0x1D0]  }
0x132: {  	s23 =	sadd.s32 $0x6, s22;
	s22 =	sadd.s32 $0x8, s22;
	v12 =	vbroadcast v18, $0x0;
	v14 =	vand.u32 $0xFFFFFFFD, v11;
	[tilespmem:s21+$0x160] =	vst v19;
	v13 =	vmul.f32 v17, v1;
	v11 =	vld [tilespmem:s21+$0x1E0]  }
0x133: {  	_ =	sdelay $0x2  }
0x134: {  	v16 =	vld [tilespmem:s21+$0x1F0]  }
0x135: {  	v18 =	vld.idx.msk [tilespmem:v4+s4+$0x0], $0xffff  }
0x136: {  	[tilespmem:s21+$0x180] =	vst v15;
	v15 =	vbroadcast v2, $0x0;
	v2 =	vmov s23;
	v10 =	vld.idx.msk [tilespmem:v10+s4+$0x0], $0xffff  }
0x137: {  	v17 =	vand.u32 $0xFFFFFFFE, v2;
	v2 =	vld.idx.msk [tilespmem:v3+s4+$0x0], $0xffff  }
0x138: {  	s22 =	sadd.s32 $0x400, s21;
	v12 =	vld.idx.msk [tilespmem:v12+s4+$0x0], $0xffff  }
0x139: {  	v14 =	vbroadcast v14, $0x0;
	v6 =	vmul.f32 v6, v1;
	[tilespmem:s21+$0x190] =	vst v13;
	v13 =	vld [tilespmem:s22+$0x170]  }
0x13a: {  	v7 =	vmul.f32 v7, v1;
	v3 =	vbroadcast v17, $0x0;
	v17 =	vld.idx.msk [tilespmem:v5+s4+$0x0], $0xffff  }
0x13b: {  	[tilespmem:s21+$0x1A0] =	vst v6;
	v6 =	vmul.f32 v8, v1;
	v8 =	vld [tilespmem:s22+$0xFFFFFE00]  }
0x13c: {  	[tilespmem:s21+$0x1B0] =	vst v7;
	v7 =	vmul.f32 v9, v1;
	v9 =	vld [tilespmem:s22+$0xFFFFFE10]  }
0x13d: {  	[tilespmem:s21+$0x1C0] =	vst v6;
	v6 =	vmul.f32 v11, v1;
	v11 =	vld [tilespmem:s22+$0xFFFFFE20]  }
0x13e: {  	[tilespmem:s21+$0x1D0] =	vst v7;
	v7 =	vld [tilespmem:s22+$0xFFFFFE30]  }
0x13f: {  	v5 =	vld.idx.msk [tilespmem:v15+s4+$0x0], $0xffff  }
0x140: {  	v1 =	vmul.f32 v16, v1;
	v4 =	vld.idx.msk [tilespmem:v14+s4+$0x0], $0xffff  }
0x141: {  	[tilespmem:s21+$0x1E0] =	vst v6;
	v6 =	vld [tilespmem:s22+$0xFFFFFE40]  }
0x142: {  	[tilespmem:s21+$0x1F0] =	vst v1;
	v1 =	vmul.f32 v8, v18;
	v3 =	vld.idx.msk [tilespmem:v3+s4+$0x0], $0xffff  }
0x143: {  	v8 =	vld [tilespmem:s22+$0xFFFFFE50];
	v9 =	vmul.f32 v9, v18  }
0x144: {  	v14 =	vld [tilespmem:s22+$0xFFFFFE60];
	[tilespmem:s22+$0xFFFFFE00] =	vst v1;
	v1 =	vmul.f32 v11, v18  }
0x145: {  	v11 =	vld [tilespmem:s22+$0xFFFFFE70];
	[tilespmem:s22+$0xFFFFFE10] =	vst v9;
	v7 =	vmul.f32 v7, v18  }
0x146: {  	v9 =	vld [tilespmem:s22+$0xFFFFFE80];
	[tilespmem:s22+$0xFFFFFE20] =	vst v1;
	v1 =	vmul.f32 v6, v18  }
0x147: {  	v6 =	vld [tilespmem:s22+$0xFFFFFE90];
	[tilespmem:s22+$0xFFFFFE30] =	vst v7;
	v13 =	vmul.f32 v13, v3  }
0x148: {  	v7 =	vmul.f32 v8, v18;
	v8 =	vld [tilespmem:s22+$0xFFFFFEA0];
	[tilespmem:s22+$0xFFFFFE40] =	vst v1  }
0x149: {  	v1 =	vmul.f32 v14, v18;
	[tilespmem:s22+$0x170] =	vst v13;
	v13 =	vld [tilespmem:s22+$0xFFFFFEB0]  }
0x14a: {  	[tilespmem:s22+$0xFFFFFE50] =	vst v7;
	v7 =	vmul.f32 v11, v18;
	v11 =	vld [tilespmem:s22+$0xFFFFFEC0]  }
0x14b: {  	[tilespmem:s22+$0xFFFFFE60] =	vst v1;
	v1 =	vmul.f32 v9, v17;
	v9 =	vld [tilespmem:s22+$0xFFFFFED0]  }
0x14c: {  	[tilespmem:s22+$0xFFFFFE70] =	vst v7;
	v6 =	vmul.f32 v6, v17;
	v7 =	vld [tilespmem:s22+$0xFFFFFEE0]  }
0x14d: {  	[tilespmem:s22+$0xFFFFFE80] =	vst v1;
	v1 =	vmul.f32 v8, v17;
	v8 =	vld [tilespmem:s22+$0xFFFFFEF0]  }
0x14e: {  	[tilespmem:s22+$0xFFFFFE90] =	vst v6;
	v6 =	vmul.f32 v13, v17;
	v13 =	vld [tilespmem:s22+$0xFFFFFF00]  }
0x14f: {  	[tilespmem:s22+$0xFFFFFEA0] =	vst v1;
	v1 =	vmul.f32 v11, v17;
	v11 =	vld [tilespmem:s22+$0xFFFFFF10]  }
0x150: {  	[tilespmem:s22+$0xFFFFFEB0] =	vst v6;
	v6 =	vmul.f32 v9, v17;
	v9 =	vld [tilespmem:s22+$0xFFFFFF20]  }
0x151: {  	[tilespmem:s22+$0xFFFFFEC0] =	vst v1;
	v1 =	vmul.f32 v7, v17;
	v7 =	vld [tilespmem:s22+$0xFFFFFF30]  }
0x152: {  	[tilespmem:s22+$0xFFFFFED0] =	vst v6;
	v6 =	vmul.f32 v8, v17;
	v8 =	vld [tilespmem:s22+$0xFFFFFF40]  }
0x153: {  	[tilespmem:s22+$0xFFFFFEE0] =	vst v1;
	v1 =	vmul.f32 v13, v10;
	v13 =	vld [tilespmem:s22+$0xFFFFFF50]  }
0x154: {  	[tilespmem:s22+$0xFFFFFEF0] =	vst v6;
	v6 =	vmul.f32 v11, v10;
	v11 =	vld [tilespmem:s22+$0xFFFFFF60]  }
0x155: {  	[tilespmem:s22+$0xFFFFFF00] =	vst v1;
	v1 =	vmul.f32 v9, v10;
	v9 =	vld [tilespmem:s22+$0xFFFFFF70]  }
0x156: {  	[tilespmem:s22+$0xFFFFFF10] =	vst v6;
	v6 =	vmul.f32 v7, v10;
	v7 =	vld [tilespmem:s22+$0xFFFFFF80]  }
0x157: {  	[tilespmem:s22+$0xFFFFFF20] =	vst v1;
	v1 =	vmul.f32 v8, v10;
	v8 =	vld [tilespmem:s22+$0xFFFFFF90]  }
0x158: {  	[tilespmem:s22+$0xFFFFFF30] =	vst v6;
	v6 =	vmul.f32 v13, v10;
	v13 =	vld [tilespmem:s22+$0xFFFFFFA0]  }
0x159: {  	[tilespmem:s22+$0xFFFFFF40] =	vst v1;
	v1 =	vmul.f32 v11, v10;
	v11 =	vld [tilespmem:s22+$0xFFFFFFB0]  }
0x15a: {  	[tilespmem:s22+$0xFFFFFF50] =	vst v6;
	v6 =	vmul.f32 v9, v10;
	v9 =	vld [tilespmem:s22+$0xFFFFFFC0]  }
0x15b: {  	[tilespmem:s22+$0xFFFFFF60] =	vst v1;
	v1 =	vmul.f32 v7, v12;
	v7 =	vld [tilespmem:s22+$0xFFFFFFD0]  }
0x15c: {  	[tilespmem:s22+$0xFFFFFF70] =	vst v6;
	v6 =	vmul.f32 v8, v12;
	v8 =	vld [tilespmem:s22+$0xFFFFFFE0]  }
0x15d: {  	v10 =	vld [tilespmem:s22+$0xFFFFFFF0];
	[tilespmem:s22+$0xFFFFFF80] =	vst v1;
	v1 =	vmul.f32 v13, v12  }
0x15e: {  	[tilespmem:s22+$0xFFFFFF90] =	vst v6;
	v6 =	vmul.f32 v11, v12;
	v11 =	vld [tilespmem:s22+$0x0]  }
0x15f: {  	[tilespmem:s22+$0xFFFFFFA0] =	vst v1;
	v1 =	vmul.f32 v9, v12;
	v9 =	vld [tilespmem:s22+$0x10]  }
0x160: {  	[tilespmem:s22+$0xFFFFFFB0] =	vst v6;
	v6 =	vmul.f32 v7, v12;
	v7 =	vld [tilespmem:s22+$0x20]  }
0x161: {  	[tilespmem:s22+$0xFFFFFFC0] =	vst v1;
	v1 =	vmul.f32 v8, v12;
	v8 =	vld [tilespmem:s22+$0x30]  }
0x162: {  	[tilespmem:s22+$0xFFFFFFD0] =	vst v6;
	v6 =	vmul.f32 v10, v12;
	v10 =	vld [tilespmem:s22+$0x40]  }
0x163: {  	[tilespmem:s22+$0xFFFFFFE0] =	vst v1;
	v1 =	vmul.f32 v11, v5;
	v11 =	vld [tilespmem:s22+$0x50]  }
0x164: {  	[tilespmem:s22+$0xFFFFFFF0] =	vst v6;
	v6 =	vmul.f32 v9, v5;
	v9 =	vld [tilespmem:s22+$0x60]  }
0x165: {  	[tilespmem:s22+$0x0] =	vst v1;
	v1 =	vmul.f32 v7, v5;
	v7 =	vld [tilespmem:s22+$0x70]  }
0x166: {  	[tilespmem:s22+$0x10] =	vst v6;
	v6 =	vmul.f32 v8, v5;
	v8 =	vld [tilespmem:s22+$0x80]  }
0x167: {  	[tilespmem:s22+$0x20] =	vst v1;
	v1 =	vmul.f32 v10, v5;
	v10 =	vld [tilespmem:s22+$0x90]  }
0x168: {  	[tilespmem:s22+$0x30] =	vst v6;
	v6 =	vmul.f32 v11, v5;
	v11 =	vld [tilespmem:s22+$0xA0]  }
0x169: {  	[tilespmem:s22+$0x40] =	vst v1;
	v1 =	vmul.f32 v9, v5;
	v9 =	vld [tilespmem:s22+$0xB0]  }
0x16a: {  	[tilespmem:s22+$0x50] =	vst v6;
	v5 =	vmul.f32 v7, v5;
	v6 =	vld [tilespmem:s22+$0xC0]  }
0x16b: {  	v7 =	vld [tilespmem:s22+$0xD0];
	[tilespmem:s22+$0x60] =	vst v1;
	v1 =	vmul.f32 v8, v4  }
0x16c: {  	v8 =	vld [tilespmem:s22+$0xE0];
	[tilespmem:s22+$0x70] =	vst v5;
	v5 =	vmul.f32 v10, v4  }
0x16d: {  	v10 =	vld [tilespmem:s22+$0xF0];
	[tilespmem:s22+$0x80] =	vst v1;
	v1 =	vmul.f32 v11, v4  }
0x16e: {  	[tilespmem:s22+$0x90] =	vst v5;
	v5 =	vmul.f32 v9, v4;
	v9 =	vld [tilespmem:s22+$0x100]  }
0x16f: {  	[tilespmem:s22+$0xA0] =	vst v1;
	v1 =	vmul.f32 v6, v4;
	v6 =	vld [tilespmem:s22+$0x110]  }
0x170: {  	[tilespmem:s22+$0xB0] =	vst v5;
	v5 =	vmul.f32 v7, v4;
	v7 =	vld [tilespmem:s22+$0x120]  }
0x171: {  	[tilespmem:s22+$0xC0] =	vst v1;
	v1 =	vmul.f32 v8, v4;
	v8 =	vld [tilespmem:s22+$0x130]  }
0x172: {  	v4 =	vmul.f32 v10, v4;
	[tilespmem:s22+$0xD0] =	vst v5;
	v5 =	vld [tilespmem:s22+$0x140]  }
0x173: {  	[tilespmem:s22+$0xE0] =	vst v1;
	v1 =	vmul.f32 v9, v3;
	v9 =	vld [tilespmem:s22+$0x150]  }
0x174: {  	[tilespmem:s22+$0xF0] =	vst v4;
	v4 =	vmul.f32 v6, v3;
	v6 =	vld [tilespmem:s22+$0x160]  }
0x175: {  	[tilespmem:s22+$0x100] =	vst v1;
	v1 =	vmul.f32 v7, v3;
	v7 =	vld [tilespmem:s22+$0x180]  }
0x176: {  	[tilespmem:s22+$0x110] =	vst v4;
	v4 =	vmul.f32 v8, v3;
	v8 =	vld [tilespmem:s22+$0x190]  }
0x177: {  	[tilespmem:s22+$0x120] =	vst v1;
	v1 =	vmul.f32 v5, v3;
	v5 =	vld [tilespmem:s22+$0x1A0]  }
0x178: {  	[tilespmem:s22+$0x130] =	vst v4;
	v4 =	vmul.f32 v9, v3;
	v9 =	vld [tilespmem:s22+$0x1B0]  }
0x179: {  	[tilespmem:s22+$0x140] =	vst v1;
	v1 =	vmul.f32 v6, v3;
	v3 =	vld [tilespmem:s22+$0x1C0]  }
0x17a: {  	v6 =	vld [tilespmem:s22+$0x1D0];
	[tilespmem:s22+$0x150] =	vst v4;
	v4 =	vmul.f32 v7, v2  }
0x17b: {  	v7 =	vld [tilespmem:s22+$0x1E0];
	[tilespmem:s22+$0x160] =	vst v1;
	v1 =	vmul.f32 v8, v2  }
0x17c: {  	[tilespmem:s22+$0x180] =	vst v4;
	v4 =	vmul.f32 v5, v2;
	v5 =	vld [tilespmem:s22+$0x1F0]  }
0x17d: {  	[tilespmem:s22+$0x190] =	vst v1;
	v1 =	vmul.f32 v9, v2  }
0x17e: {  	[tilespmem:s22+$0x1A0] =	vst v4;
	v3 =	vmul.f32 v3, v2  }
0x17f: {  	[tilespmem:s22+$0x1B0] =	vst v1;
	v1 =	vmul.f32 v6, v2  }
0x180: {  	[tilespmem:s22+$0x1C0] =	vst v3;
	v3 =	vmul.f32 v7, v2  }
0x181: {  	[tilespmem:s22+$0x1D0] =	vst v1;
	v1 =	vmul.f32 v5, v2  }
0x182: {  	p1 =	seq.s32 s19, $0x0;
	[tilespmem:s22+$0x1E0] =	vst v3  }
0x183: {  	s14 =	simm.s32 @!p1 $0x6;
	[tilespmem:s22+$0x1F0] =	vst v1  }
0x184: {  	[spmem:s2] =	stream.indirect.scatter.add.f32 [tilespmem:s29], [sflag:$0x4], $0x80, s5, s31, $0xb8;
	[tilespmem:$0x1FAC0] =	vst v63  }
0x185: {  	_ =	swait.ge @!p1 [sflag:s14], $0x1800  }
0x186: {  	[sflag:s14] =	ssyncset.done @!p1 $0x0  }
0x187: {  	[sflag:s14] =	ssyncadd.s32 @!p1 $0xFFFFE800  }
0x188: {  	v1 =	vld [tilespmem:s20+$0x60];
	_ =	sdelay $0x4  }
0x189: {  	v2 =	vand.u32 $0xFFFF, v1  }
0x18a: {  	v1 =	vshrl.u32 v1, $0x10;
	[tilespmem:$0x5080] =	vst v2  }
0x18b: {  	[tilespmem:$0x5200] =	vst v1  }
0x18c: {  	v1 =	vld [tilespmem:s20+$0x70];
	_ =	sdelay $0x4  }
0x18d: {  	v2 =	vand.u32 $0xFFFF, v1  }
0x18e: {  	v1 =	vshrl.u32 v1, $0x10;
	[tilespmem:$0x5090] =	vst v2  }
0x18f: {  	[tilespmem:$0x5210] =	vst v1  }
0x190: {  	v1 =	vld [tilespmem:s20+$0x80];
	_ =	sdelay $0x4  }
0x191: {  	v2 =	vand.u32 $0xFFFF, v1  }
0x192: {  	v1 =	vshrl.u32 v1, $0x10;
	[tilespmem:$0x50A0] =	vst v2  }
0x193: {  	[tilespmem:$0x5220] =	vst v1  }
0x194: {  	[tilespmem:s25], [sflag:$0x3] =	stream.indirect.gather [hbm4b:s0+s31], $0x80, s6, s31, $0xb8;
	[tilespmem:$0x1FAC0] =	vst v63  }
0x195: {  	_ =	swait.ge [sflag:s7], $0x1800  }
0x196: {  	[sflag:s7] =	ssyncset.done $0x0  }
0x197: {  	[sflag:s7] =	ssyncadd.s32 $0xFFFFE800  }
0x198: {  	v1 =	vld [tilespmem:$0x5000];
	_ =	sdelay $0x5  }
0x199: {  	v2 =	vld [tilespmem:s20+$0x27B0]  }
0x19a: {  	v3 =	vld [tilespmem:$0x5010]  }
0x19b: {  	v1 =	vld.idx.msk [tilespmem:v1+s30+$0x0], $0xffff;
	_ =	sdelay $0x4  }
0x19c: {  	v1 =	vmul.f32 v2, v1;
	_ =	sdelay $0x1  }
0x19d: {  	[tilespmem:$0x4F00] =	vst v1  }
0x19e: {  	v1 =	vld.idx.msk [tilespmem:v3+s30+$0x0], $0xffff  }
0x19f: {  	v2 =	vld [tilespmem:s20+$0x27C0]  }
0x1a0: {  	v3 =	vld [tilespmem:$0x5020];
	_ =	sdelay $0x4  }
0x1a1: {  	v1 =	vmul.f32 v2, v1;
	_ =	sdelay $0x1  }
0x1a2: {  	[tilespmem:$0x4F10] =	vst v1  }
0x1a3: {  	s22 =	simm.s32 $0x0;
	v1 =	vld.idx.msk [tilespmem:v3+s30+$0x0], $0xffff  }
0x1a4: {  	s23 =	simm.s32 $0x6;
	v2 =	vld [tilespmem:s20+$0x27D0];
	v3 =	vmov s22  }
0x1a5: {  	v4 =	vmov s23;
	v3 =	vand.u32 $0xFFFFFFF8, v3  }
0x1a6: {  	v4 =	vand.u32 $0xFFFFFFFE, v4;
	v3 =	vbroadcast v3, $0x0  }
0x1a7: {  	v4 =	vbroadcast v4, $0x0;
	_ =	sdelay $0x1  }
0x1a8: {  	v1 =	vmul.f32 v2, v1;
	_ =	sdelay $0x1  }
0x1a9: {  	[tilespmem:$0x4F20] =	vst v1  }
0x1aa: {  	v1 =	vld.idx.msk [tilespmem:v3+s4+$0x0], $0xffff  }
0x1ab: {  	s22 =	simm.s32 $0x6C80;
	v2 =	vld.idx.msk [tilespmem:v4+s4+$0x0], $0xffff  }
0x1ac: {  	v4 =	vld [tilespmem:s22+$0x170]  }
0x1ad: {  	v5 =	vld [tilespmem:s22+$0xFFFFFE00]  }
0x1ae: {  	v6 =	vld [tilespmem:s22+$0xFFFFFE10]  }
0x1af: {  	v7 =	vld [tilespmem:s22+$0xFFFFFE20]  }
0x1b0: {  	v8 =	vld [tilespmem:s22+$0xFFFFFE30]  }
0x1b1: {  	v9 =	vld [tilespmem:s22+$0xFFFFFE40]  }
0x1b2: {  	s8 =	simm.s32 $0x1;
	v10 =	vld [tilespmem:s22+$0xFFFFFE50]  }
0x1b3: {  	v3 =	vmov s8;
	v11 =	vld [tilespmem:s22+$0xFFFFFE60]  }
0x1b4: {  	v12 =	vld [tilespmem:s22+$0xFFFFFE70];
	v3 =	vand.u32 $0xFFFFFFF9, v3  }
0x1b5: {  	v13 =	vld [tilespmem:s22+$0xFFFFFE80];
	v3 =	vbroadcast v3, $0x0  }
0x1b6: {  	v14 =	vld [tilespmem:s22+$0xFFFFFE90];
	v5 =	vmul.f32 v5, v1  }
0x1b7: {  	v15 =	vld [tilespmem:s22+$0xFFFFFEA0];
	v4 =	vmul.f32 v4, v2  }
0x1b8: {  	v16 =	vld [tilespmem:s22+$0xFFFFFEB0];
	v8 =	vmul.f32 v8, v1;
	[tilespmem:s22+$0xFFFFFE00] =	vst v5  }
0x1b9: {  	s16 =	simm.s32 $0x2;
	[tilespmem:s22+$0x170] =	vst v4;
	v4 =	vmul.f32 v7, v1;
	v7 =	vld [tilespmem:s22+$0xFFFFFEC0]  }
0x1ba: {  	v9 =	vmul.f32 v9, v1;
	v5 =	vmov s16;
	[tilespmem:s22+$0xFFFFFE30] =	vst v8;
	v8 =	vmul.f32 v10, v1;
	v10 =	vld [tilespmem:s22+$0xFFFFFEF0]  }
0x1bb: {  	v6 =	vmul.f32 v6, v1;
	v3 =	vld.idx.msk [tilespmem:v3+s4+$0x0], $0xffff;
	v5 =	vand.u32 $0xFFFFFFFA, v5  }
0x1bc: {  	[tilespmem:s22+$0xFFFFFE40] =	vst v9;
	v9 =	vmul.f32 v11, v1;
	v11 =	vld [tilespmem:s22+$0xFFFFFF00];
	v5 =	vbroadcast v5, $0x0  }
0x1bd: {  	[tilespmem:s22+$0xFFFFFE10] =	vst v6;
	v1 =	vmul.f32 v12, v1;
	v12 =	vld [tilespmem:s22+$0xFFFFFF20]  }
0x1be: {  	[tilespmem:s22+$0xFFFFFE20] =	vst v4;
	v4 =	vld [tilespmem:s22+$0xFFFFFEE0]  }
0x1bf: {  	[tilespmem:s22+$0xFFFFFE50] =	vst v8;
	v8 =	vld [tilespmem:s22+$0xFFFFFF10]  }
0x1c0: {  	[tilespmem:s22+$0xFFFFFE60] =	vst v9;
	v6 =	vmul.f32 v13, v3;
	v13 =	vld [tilespmem:s22+$0xFFFFFED0]  }
0x1c1: {  	[tilespmem:s22+$0xFFFFFE70] =	vst v1;
	v9 =	vmul.f32 v14, v3;
	v14 =	vld [tilespmem:s22+$0xFFFFFF30]  }
0x1c2: {  	s21 =	simm.s32 $0x3;
	v7 =	vmul.f32 v7, v3;
	v5 =	vld.idx.msk [tilespmem:v5+s4+$0x0], $0xffff;
	[tilespmem:s22+$0xFFFFFE80] =	vst v6  }
0x1c3: {  	v1 =	vmul.f32 v15, v3;
	v15 =	vld [tilespmem:s22+$0xFFFFFF40];
	v6 =	vmov s21;
	[tilespmem:s22+$0xFFFFFE90] =	vst v9;
	v9 =	vmul.f32 v16, v3  }
0x1c4: {  	[tilespmem:s22+$0xFFFFFEC0] =	vst v7;
	v7 =	vld [tilespmem:s22+$0xFFFFFF70];
	v6 =	vand.u32 $0xFFFFFFFB, v6  }
0x1c5: {  	v4 =	vmul.f32 v4, v3;
	v6 =	vbroadcast v6, $0x0;
	[tilespmem:s22+$0xFFFFFEB0] =	vst v9;
	v9 =	vld [tilespmem:s22+$0xFFFFFF60]  }
0x1c6: {  	[tilespmem:s22+$0xFFFFFEA0] =	vst v1;
	v13 =	vmul.f32 v13, v3;
	v3 =	vmul.f32 v10, v3;
	v10 =	vld [tilespmem:s22+$0xFFFFFF80]  }
0x1c7: {  	[tilespmem:s22+$0xFFFFFEE0] =	vst v4;
	v1 =	vmul.f32 v11, v5;
	v11 =	vld [tilespmem:s22+$0xFFFFFF50]  }
0x1c8: {  	[tilespmem:s22+$0xFFFFFED0] =	vst v13;
	v4 =	vmul.f32 v8, v5;
	v8 =	vld [tilespmem:s22+$0xFFFFFF90]  }
0x1c9: {  	[tilespmem:s22+$0xFFFFFEF0] =	vst v3;
	v3 =	vmul.f32 v12, v5;
	v12 =	vld [tilespmem:s22+$0xFFFFFFA0]  }
0x1ca: {  	s23 =	simm.s32 $0x4;
	v13 =	vld [tilespmem:s22+$0xFFFFFFB0];
	[tilespmem:s22+$0xFFFFFF00] =	vst v1  }
0x1cb: {  	v1 =	vmov s23;
	[tilespmem:s22+$0xFFFFFF20] =	vst v3;
	v3 =	vmul.f32 v15, v5;
	v6 =	vld.idx.msk [tilespmem:v6+s4+$0x0], $0xffff  }
0x1cc: {  	[tilespmem:s22+$0xFFFFFF10] =	vst v4;
	v4 =	vmul.f32 v14, v5;
	v14 =	vld [tilespmem:s22+$0xFFFFFFC0];
	v9 =	vmul.f32 v9, v5;
	v1 =	vand.u32 $0xFFFFFFFC, v1  }
0x1cd: {  	v1 =	vbroadcast v1, $0x0;
	[tilespmem:s22+$0xFFFFFF40] =	vst v3;
	v3 =	vld [tilespmem:s22+$0xFFFFFFE0]  }
0x1ce: {  	[tilespmem:s22+$0xFFFFFF60] =	vst v9;
	v9 =	vld [tilespmem:s22+$0x0];
	v11 =	vmul.f32 v11, v5  }
0x1cf: {  	[tilespmem:s22+$0xFFFFFF30] =	vst v4;
	v5 =	vmul.f32 v7, v5;
	v7 =	vld [tilespmem:s22+$0xFFFFFFF0]  }
0x1d0: {  	[tilespmem:s22+$0xFFFFFF50] =	vst v11;
	v11 =	vld [tilespmem:s22+$0x10];
	v4 =	vmul.f32 v10, v6  }
0x1d1: {  	[tilespmem:s22+$0xFFFFFF70] =	vst v5;
	v10 =	vld [tilespmem:s22+$0xFFFFFFD0];
	v8 =	vmul.f32 v8, v6  }
0x1d2: {  	v5 =	vmul.f32 v12, v6;
	v12 =	vld [tilespmem:s22+$0x20];
	[tilespmem:s22+$0xFFFFFF80] =	vst v4  }
0x1d3: {  	s8 =	simm.s32 $0x5;
	v3 =	vmul.f32 v3, v6;
	v1 =	vld.idx.msk [tilespmem:v1+s4+$0x0], $0xffff;
	[tilespmem:s22+$0xFFFFFF90] =	vst v8  }
0x1d4: {  	v4 =	vmov s8;
	v8 =	vmul.f32 v13, v6;
	[tilespmem:s22+$0xFFFFFFA0] =	vst v5;
	v13 =	vld [tilespmem:s22+$0x30]  }
0x1d5: {  	v5 =	vmul.f32 v14, v6;
	v14 =	vld [tilespmem:s22+$0x180];
	v4 =	vand.u32 $0xFFFFFFFD, v4;
	[tilespmem:s22+$0xFFFFFFE0] =	vst v3  }
0x1d6: {  	v4 =	vbroadcast v4, $0x0;
	[tilespmem:s22+$0xFFFFFFB0] =	vst v8;
	v8 =	vmul.f32 v10, v6;
	v10 =	vld [tilespmem:s22+$0x40]  }
0x1d7: {  	[tilespmem:s22+$0xFFFFFFC0] =	vst v5;
	v6 =	vmul.f32 v7, v6;
	v7 =	vld [tilespmem:s22+$0x80]  }
0x1d8: {  	v5 =	vmul.f32 v9, v1;
	v9 =	vld [tilespmem:s22+$0x50];
	[tilespmem:s22+$0xFFFFFFD0] =	vst v8  }
0x1d9: {  	v8 =	vld [tilespmem:s22+$0x60];
	v3 =	vmul.f32 v11, v1;
	[tilespmem:s22+$0xFFFFFFF0] =	vst v6  }
0x1da: {  	v6 =	vmul.f32 v12, v1;
	v11 =	vld [tilespmem:s22+$0x90];
	[tilespmem:s22+$0x0] =	vst v5  }
0x1db: {  	v5 =	vld [tilespmem:s22+$0x70];
	[tilespmem:s22+$0x10] =	vst v3;
	v3 =	vmul.f32 v13, v1  }
0x1dc: {  	[tilespmem:s22+$0x20] =	vst v6;
	v4 =	vld.idx.msk [tilespmem:v4+s4+$0x0], $0xffff;
	v6 =	vmul.f32 v10, v1  }
0x1dd: {  	v10 =	vld [tilespmem:s22+$0xA0];
	[tilespmem:s22+$0x30] =	vst v3  }
0x1de: {  	v3 =	vmul.f32 v9, v1;
	v9 =	vld [tilespmem:s22+$0xB0];
	[tilespmem:s22+$0x40] =	vst v6;
	v6 =	vmul.f32 v8, v1  }
0x1df: {  	v8 =	vld [tilespmem:s22+$0xC0]  }
0x1e0: {  	s16 =	simm.s32 $0x7;
	v5 =	vmul.f32 v5, v1;
	[tilespmem:s22+$0x60] =	vst v6;
	v6 =	vld [tilespmem:s22+$0xE0]  }
0x1e1: {  	v12 =	vmov s16;
	[tilespmem:s22+$0x50] =	vst v3;
	v3 =	vmul.f32 v7, v4;
	v7 =	vld [tilespmem:s22+$0xD0]  }
0x1e2: {  	v11 =	vmul.f32 v11, v4;
	[tilespmem:s22+$0x70] =	vst v5;
	v5 =	vld [tilespmem:s22+$0xF0]  }
0x1e3: {  	[tilespmem:s22+$0x80] =	vst v3;
	v3 =	vmul.f32 v10, v4;
	v10 =	vld [tilespmem:s22+$0x100]  }
0x1e4: {  	[tilespmem:s22+$0x90] =	vst v11;
	v9 =	vmul.f32 v9, v4;
	v11 =	vld [tilespmem:s22+$0x150]  }
0x1e5: {  	[tilespmem:s22+$0xA0] =	vst v3;
	v3 =	vmul.f32 v8, v4;
	v8 =	vld [tilespmem:s22+$0x110]  }
0x1e6: {  	v1 =	vld.idx.msk [tilespmem:v12+s4+$0x0], $0xffff;
	[tilespmem:s22+$0xB0] =	vst v9;
	v7 =	vmul.f32 v7, v4  }
0x1e7: {  	v9 =	vld [tilespmem:s22+$0x120];
	[tilespmem:s22+$0xC0] =	vst v3;
	v3 =	vmul.f32 v6, v4  }
0x1e8: {  	s8 =	simm.s32 $0xA;
	v6 =	vld [tilespmem:s22+$0x130];
	v4 =	vmul.f32 v5, v4;
	[tilespmem:s22+$0xD0] =	vst v7  }
0x1e9: {  	s21 =	simm.s32 $0x8;
	v13 =	vmov s8;
	v5 =	vld [tilespmem:s22+$0x140];
	v10 =	vmul.f32 v10, v2;
	[tilespmem:s22+$0xE0] =	vst v3  }
0x1ea: {  	s16 =	simm.s32 $0x9;
	v7 =	vmov s21;
	v11 =	vmul.f32 v11, v2;
	[tilespmem:s22+$0xF0] =	vst v4;
	v4 =	vmul.f32 v8, v2;
	v8 =	vld [tilespmem:s22+$0x160]  }
0x1eb: {  	s23 =	simm.s32 $0xF;
	v12 =	vmov s16;
	v14 =	vmul.f32 v14, v1;
	s21 =	simm.s32 $0xC;
	v7 =	vand.u32 $0xFFFFFFF8, v7;
	[tilespmem:s22+$0x100] =	vst v10  }
0x1ec: {  	v17 =	vld [tilespmem:s22+$0x190];
	s16 =	simm.s32 $0xB;
	v3 =	vmov s23;
	v15 =	vmov s21;
	v9 =	vmul.f32 v9, v2;
	[tilespmem:s22+$0x150] =	vst v11  }
0x1ed: {  	v10 =	vmov s16;
	[tilespmem:s22+$0x110] =	vst v4;
	v16 =	vmul.f32 v6, v2;
	v4 =	vbroadcast v7, $0x0;
	v6 =	vld [tilespmem:s22+$0x1A0]  }
0x1ee: {  	[tilespmem:s22+$0x120] =	vst v9;
	v9 =	vmul.f32 v5, v2;
	v5 =	vand.u32 $0xFFFFFFF9, v12;
	v12 =	vand.u32 $0xFFFFFFFA, v13;
	v7 =	vld [tilespmem:s22+$0x1B0]  }
0x1ef: {  	s23 =	simm.s32 $0xD;
	v13 =	vand.u32 $0xFFFFFFFB, v10;
	v5 =	vbroadcast v5, $0x0;
	[tilespmem:s22+$0x130] =	vst v16;
	v16 =	vmul.f32 v8, v2;
	v8 =	vld [tilespmem:s22+$0x1C0]  }
0x1f0: {  	v63 =	vmov s23;
	v10 =	vbroadcast v12, $0x0;
	v12 =	vbroadcast v13, $0x0;
	[tilespmem:s22+$0x140] =	vst v9;
	v9 =	vld [tilespmem:s22+$0x1D0]  }
0x1f1: {  	s14 =	simm.s32 $0xE;
	s21 =	sadd.s32 $0x60, s20;
	s23 =	simm.s32 $0x10;
	v11 =	vld [tilespmem:s22+$0x1E0];
	v13 =	vmul.f32 v17, v1;
	v2 =	vand.u32 $0xFFFFFFFC, v15;
	v15 =	vand.u32 $0xFFFFFFFD, v63;
	[tilespmem:s22+$0x160] =	vst v16  }
.LBB2_7:
0x1f2: {  	p1 =	slt.u32 s23, $0x28;
	v2 =	vbroadcast v2, $0x0;
	v16 =	vmov s14;
	[tilespmem:s22+$0x180] =	vst v14;
	v6 =	vmul.f32 v6, v1;
	v14 =	vld [tilespmem:s22+$0x1F0]  }
0x1f3: {  	v15 =	vbroadcast v15, $0x0;
	v16 =	vand.u32 $0xFFFFFFFE, v16;
	v17 =	vld.idx.msk [tilespmem:v3+s4+$0x0], $0xffff;
	[tilespmem:s22+$0x190] =	vst v13;
	v3 =	vmul.f32 v7, v1  }
0x1f4: {  	v7 =	vld.idx.msk [tilespmem:v4+s4+$0x0], $0xffff;
	v13 =	vbroadcast v16, $0x0;
	[tilespmem:s22+$0x1A0] =	vst v6;
	v4 =	vmul.f32 v8, v1  }
0x1f5: {  	v6 =	vld.idx.msk [tilespmem:v5+s4+$0x0], $0xffff;
	[tilespmem:s22+$0x1B0] =	vst v3;
	v3 =	vmul.f32 v9, v1  }
0x1f6: {  	v8 =	vld.idx.msk [tilespmem:v10+s4+$0x0], $0xffff;
	[tilespmem:s22+$0x1C0] =	vst v4;
	v9 =	vmul.f32 v11, v1  }
0x1f7: {  	v5 =	vld.idx.msk [tilespmem:v12+s4+$0x0], $0xffff;
	[tilespmem:s22+$0x1D0] =	vst v3;
	v10 =	vmul.f32 v14, v1  }
0x1f8: {  	v4 =	vld.idx.msk [tilespmem:v2+s4+$0x0], $0xffff;
	[tilespmem:s22+$0x1E0] =	vst v9  }
0x1f9: {  	v1 =	vmov v17;
	v3 =	vld.idx.msk [tilespmem:v15+s4+$0x0], $0xffff;
	[tilespmem:s22+$0x1F0] =	vst v10  }
0x1fa: {  	s22 =	sadd.s32 $0x400, s22;
	v2 =	vld.idx.msk [tilespmem:v13+s4+$0x0], $0xffff  }
0x1fb: {  	v9 =	vld [tilespmem:s22+$0x170]  }
0x1fc: {  	v10 =	vld [tilespmem:s22+$0xFFFFFE00]  }
0x1fd: {  	v11 =	vld [tilespmem:s22+$0xFFFFFE10]  }
0x1fe: {  	v12 =	vld [tilespmem:s22+$0xFFFFFE20]  }
0x1ff: {  	v13 =	vld [tilespmem:s22+$0xFFFFFE30]  }
0x200: {  	v14 =	vld [tilespmem:s22+$0xFFFFFE40];
	v9 =	vmul.f32 v9, v2  }
0x201: {  	v10 =	vmul.f32 v10, v7;
	v15 =	vld [tilespmem:s22+$0xFFFFFE50]  }
0x202: {  	v11 =	vmul.f32 v11, v7;
	v16 =	vld [tilespmem:s22+$0xFFFFFE60];
	[tilespmem:s22+$0x170] =	vst v9  }
0x203: {  	[tilespmem:s22+$0xFFFFFE00] =	vst v10;
	v9 =	vmul.f32 v12, v7;
	v10 =	vld [tilespmem:s22+$0xFFFFFE70]  }
0x204: {  	[tilespmem:s22+$0xFFFFFE10] =	vst v11;
	v11 =	vmul.f32 v13, v7;
	v12 =	vld [tilespmem:s22+$0xFFFFFE80]  }
0x205: {  	[tilespmem:s22+$0xFFFFFE20] =	vst v9;
	v9 =	vmul.f32 v14, v7;
	v13 =	vld [tilespmem:s22+$0xFFFFFE90]  }
0x206: {  	[tilespmem:s22+$0xFFFFFE30] =	vst v11;
	v11 =	vmul.f32 v15, v7;
	v14 =	vld [tilespmem:s22+$0xFFFFFEA0]  }
0x207: {  	[tilespmem:s22+$0xFFFFFE40] =	vst v9;
	v9 =	vmul.f32 v16, v7;
	v15 =	vld [tilespmem:s22+$0xFFFFFEB0]  }
0x208: {  	[tilespmem:s22+$0xFFFFFE50] =	vst v11;
	v7 =	vmul.f32 v10, v7;
	v10 =	vld [tilespmem:s22+$0xFFFFFEC0]  }
0x209: {  	[tilespmem:s22+$0xFFFFFE60] =	vst v9;
	v9 =	vmul.f32 v12, v6;
	v11 =	vld [tilespmem:s22+$0xFFFFFED0]  }
0x20a: {  	[tilespmem:s22+$0xFFFFFE70] =	vst v7;
	v7 =	vmul.f32 v13, v6;
	v12 =	vld [tilespmem:s22+$0xFFFFFEE0]  }
0x20b: {  	[tilespmem:s22+$0xFFFFFE80] =	vst v9;
	v9 =	vmul.f32 v14, v6;
	v13 =	vld [tilespmem:s22+$0xFFFFFEF0]  }
0x20c: {  	[tilespmem:s22+$0xFFFFFE90] =	vst v7;
	v7 =	vmul.f32 v15, v6;
	v14 =	vld [tilespmem:s22+$0xFFFFFF00]  }
0x20d: {  	[tilespmem:s22+$0xFFFFFEA0] =	vst v9;
	v9 =	vmul.f32 v10, v6;
	v10 =	vld [tilespmem:s22+$0xFFFFFF10]  }
0x20e: {  	[tilespmem:s22+$0xFFFFFEB0] =	vst v7;
	v7 =	vmul.f32 v11, v6;
	v11 =	vld [tilespmem:s22+$0xFFFFFF20]  }
0x20f: {  	[tilespmem:s22+$0xFFFFFEC0] =	vst v9;
	v9 =	vmul.f32 v12, v6;
	v12 =	vld [tilespmem:s22+$0xFFFFFF30]  }
0x210: {  	[tilespmem:s22+$0xFFFFFED0] =	vst v7;
	v6 =	vmul.f32 v13, v6;
	v7 =	vld [tilespmem:s22+$0xFFFFFF40]  }
0x211: {  	[tilespmem:s22+$0xFFFFFEE0] =	vst v9;
	v9 =	vmul.f32 v14, v8;
	v13 =	vld [tilespmem:s22+$0xFFFFFF50]  }
0x212: {  	[tilespmem:s22+$0xFFFFFEF0] =	vst v6;
	v6 =	vmul.f32 v10, v8;
	v10 =	vld [tilespmem:s22+$0xFFFFFF60]  }
0x213: {  	[tilespmem:s22+$0xFFFFFF00] =	vst v9;
	v9 =	vmul.f32 v11, v8;
	v11 =	vld [tilespmem:s22+$0xFFFFFF70]  }
0x214: {  	[tilespmem:s22+$0xFFFFFF10] =	vst v6;
	v6 =	vmul.f32 v12, v8;
	v12 =	vld [tilespmem:s22+$0xFFFFFF80]  }
0x215: {  	[tilespmem:s22+$0xFFFFFF20] =	vst v9;
	v7 =	vmul.f32 v7, v8;
	v9 =	vld [tilespmem:s22+$0xFFFFFF90]  }
0x216: {  	[tilespmem:s22+$0xFFFFFF30] =	vst v6;
	v6 =	vmul.f32 v13, v8;
	v13 =	vld [tilespmem:s22+$0xFFFFFFA0]  }
0x217: {  	[tilespmem:s22+$0xFFFFFF40] =	vst v7;
	v7 =	vmul.f32 v10, v8;
	v10 =	vld [tilespmem:s22+$0xFFFFFFB0]  }
0x218: {  	[tilespmem:s22+$0xFFFFFF50] =	vst v6;
	v6 =	vmul.f32 v11, v8;
	v8 =	vld [tilespmem:s22+$0xFFFFFFC0]  }
0x219: {  	[tilespmem:s22+$0xFFFFFF60] =	vst v7;
	v7 =	vmul.f32 v12, v5;
	v11 =	vld [tilespmem:s22+$0xFFFFFFD0]  }
0x21a: {  	[tilespmem:s22+$0xFFFFFF70] =	vst v6;
	v6 =	vmul.f32 v9, v5;
	v9 =	vld [tilespmem:s22+$0xFFFFFFE0]  }
0x21b: {  	[tilespmem:s22+$0xFFFFFF80] =	vst v7;
	v7 =	vmul.f32 v13, v5;
	v12 =	vld [tilespmem:s22+$0xFFFFFFF0]  }
0x21c: {  	[tilespmem:s22+$0xFFFFFF90] =	vst v6;
	v6 =	vmul.f32 v10, v5;
	v10 =	vld [tilespmem:s22+$0x0]  }
0x21d: {  	[tilespmem:s22+$0xFFFFFFA0] =	vst v7;
	v7 =	vmul.f32 v8, v5;
	v8 =	vld [tilespmem:s22+$0x10]  }
0x21e: {  	[tilespmem:s22+$0xFFFFFFB0] =	vst v6;
	v6 =	vmul.f32 v11, v5;
	v11 =	vld [tilespmem:s22+$0x20]  }
0x21f: {  	[tilespmem:s22+$0xFFFFFFC0] =	vst v7;
	v7 =	vmul.f32 v9, v5;
	v9 =	vld [tilespmem:s22+$0x30]  }
0x220: {  	[tilespmem:s22+$0xFFFFFFD0] =	vst v6;
	v5 =	vmul.f32 v12, v5;
	v6 =	vld [tilespmem:s22+$0x40]  }
0x221: {  	[tilespmem:s22+$0xFFFFFFE0] =	vst v7;
	v7 =	vmul.f32 v10, v4;
	v10 =	vld [tilespmem:s22+$0x50]  }
0x222: {  	[tilespmem:s22+$0xFFFFFFF0] =	vst v5;
	v5 =	vmul.f32 v8, v4;
	v8 =	vld [tilespmem:s22+$0x60]  }
0x223: {  	[tilespmem:s22+$0x0] =	vst v7;
	v7 =	vmul.f32 v11, v4;
	v11 =	vld [tilespmem:s22+$0x70]  }
0x224: {  	[tilespmem:s22+$0x10] =	vst v5;
	v5 =	vmul.f32 v9, v4;
	v9 =	vld [tilespmem:s22+$0x80]  }
0x225: {  	[tilespmem:s22+$0x20] =	vst v7;
	v6 =	vmul.f32 v6, v4;
	v7 =	vld [tilespmem:s22+$0x90]  }
0x226: {  	[tilespmem:s22+$0x30] =	vst v5;
	v5 =	vmul.f32 v10, v4;
	v10 =	vld [tilespmem:s22+$0xA0]  }
0x227: {  	[tilespmem:s22+$0x40] =	vst v6;
	v6 =	vmul.f32 v8, v4;
	v8 =	vld [tilespmem:s22+$0xB0]  }
0x228: {  	[tilespmem:s22+$0x50] =	vst v5;
	v4 =	vmul.f32 v11, v4;
	v5 =	vld [tilespmem:s22+$0xC0]  }
0x229: {  	[tilespmem:s22+$0x60] =	vst v6;
	v6 =	vmul.f32 v9, v3;
	v9 =	vld [tilespmem:s22+$0xD0]  }
0x22a: {  	[tilespmem:s22+$0x70] =	vst v4;
	v4 =	vmul.f32 v7, v3;
	v7 =	vld [tilespmem:s22+$0xE0]  }
0x22b: {  	[tilespmem:s22+$0x80] =	vst v6;
	v6 =	vmul.f32 v10, v3;
	v10 =	vld [tilespmem:s22+$0xF0]  }
0x22c: {  	[tilespmem:s22+$0x90] =	vst v4;
	v4 =	vmul.f32 v8, v3;
	v8 =	vld [tilespmem:s22+$0x100]  }
0x22d: {  	[tilespmem:s22+$0xA0] =	vst v6;
	v5 =	vmul.f32 v5, v3;
	v6 =	vld [tilespmem:s22+$0x110]  }
0x22e: {  	[tilespmem:s22+$0xB0] =	vst v4;
	v4 =	vmul.f32 v9, v3;
	v9 =	vld [tilespmem:s22+$0x120]  }
0x22f: {  	[tilespmem:s22+$0xC0] =	vst v5;
	v5 =	vmul.f32 v7, v3;
	v7 =	vld [tilespmem:s22+$0x130]  }
0x230: {  	[tilespmem:s22+$0xD0] =	vst v4;
	v4 =	vmul.f32 v10, v3;
	v10 =	vld [tilespmem:s22+$0x140]  }
0x231: {  	s14 =	sadd.s32 $0x7, s23;
	v3 =	vmov s23;
	[tilespmem:s22+$0xE0] =	vst v5;
	v5 =	vmul.f32 v8, v2;
	v8 =	vld [tilespmem:s22+$0x150]  }
0x232: {  	s16 =	sadd.s32 $0x1, s23;
	s8 =	sadd.s32 $0x2, s23;
	v11 =	vand.u32 $0xFFFFFFF8, v3;
	v3 =	vmov s14;
	[tilespmem:s22+$0xF0] =	vst v4;
	v4 =	vmul.f32 v6, v2;
	v12 =	vld [tilespmem:s22+$0x160]  }
0x233: {  	v14 =	vmov s8;
	s8 =	sadd.s32 $0x3, s23;
	v13 =	vmov s16;
	s14 =	sadd.s32 $0x4, s23;
	[tilespmem:s22+$0x100] =	vst v5;
	v5 =	vmul.f32 v9, v2;
	v9 =	vld [tilespmem:s22+$0x180]  }
0x234: {  	v15 =	vmov s8;
	s8 =	sadd.s32 $0x5, s23;
	v16 =	vmov s14;
	[tilespmem:s22+$0x110] =	vst v4;
	v7 =	vmul.f32 v7, v2;
	v17 =	vld [tilespmem:s22+$0x190]  }
.Ltmp2:
0x235: {  	v4 =	vbroadcast v11, $0x0;
	v11 =	vmov s8;
	[tilespmem:s22+$0x120] =	vst v5;
	v10 =	vmul.f32 v10, v2;
	v6 =	vld [tilespmem:s22+$0x1A0];
	(pc) =	sbr.rel @p1 .LBB2_7-.Ltmp2, $4  }
0x236: {  	v5 =	vand.u32 $0xFFFFFFF9, v13;
	v13 =	vand.u32 $0xFFFFFFFA, v14;
	[tilespmem:s22+$0x130] =	vst v7;
	v14 =	vmul.f32 v8, v2;
	v7 =	vld [tilespmem:s22+$0x1B0]  }
0x237: {  	v15 =	vand.u32 $0xFFFFFFFB, v15;
	v5 =	vbroadcast v5, $0x0;
	[tilespmem:s22+$0x140] =	vst v10;
	v18 =	vmul.f32 v12, v2;
	v8 =	vld [tilespmem:s22+$0x1C0]  }
0x238: {  	v10 =	vbroadcast v13, $0x0;
	v2 =	vand.u32 $0xFFFFFFFC, v16;
	[tilespmem:s22+$0x150] =	vst v14;
	v14 =	vmul.f32 v9, v1;
	v9 =	vld [tilespmem:s22+$0x1D0]  }
0x239: {  	s14 =	sadd.s32 $0x6, s23;
	s23 =	sadd.s32 $0x8, s23;
	v12 =	vbroadcast v15, $0x0;
	v15 =	vand.u32 $0xFFFFFFFD, v11;
	[tilespmem:s22+$0x160] =	vst v18;
	v13 =	vmul.f32 v17, v1;
	v11 =	vld [tilespmem:s22+$0x1E0]  }
0x23a: {  	_ =	sdelay $0x2  }
0x23b: {  	v16 =	vld [tilespmem:s22+$0x1F0]  }
0x23c: {  	v18 =	vld.idx.msk [tilespmem:v4+s4+$0x0], $0xffff  }
0x23d: {  	[tilespmem:s22+$0x180] =	vst v14;
	v14 =	vbroadcast v2, $0x0;
	v2 =	vmov s14;
	v10 =	vld.idx.msk [tilespmem:v10+s4+$0x0], $0xffff  }
0x23e: {  	v17 =	vand.u32 $0xFFFFFFFE, v2;
	v2 =	vld.idx.msk [tilespmem:v3+s4+$0x0], $0xffff  }
0x23f: {  	s23 =	sadd.s32 $0x400, s22;
	v12 =	vld.idx.msk [tilespmem:v12+s4+$0x0], $0xffff  }
0x240: {  	v15 =	vbroadcast v15, $0x0;
	v6 =	vmul.f32 v6, v1;
	[tilespmem:s22+$0x190] =	vst v13;
	v13 =	vld [tilespmem:s23+$0x170]  }
0x241: {  	v7 =	vmul.f32 v7, v1;
	v3 =	vbroadcast v17, $0x0;
	v17 =	vld.idx.msk [tilespmem:v5+s4+$0x0], $0xffff  }
0x242: {  	[tilespmem:s22+$0x1A0] =	vst v6;
	v6 =	vmul.f32 v8, v1;
	v8 =	vld [tilespmem:s23+$0xFFFFFE00]  }
0x243: {  	[tilespmem:s22+$0x1B0] =	vst v7;
	v7 =	vmul.f32 v9, v1;
	v9 =	vld [tilespmem:s23+$0xFFFFFE10]  }
0x244: {  	[tilespmem:s22+$0x1C0] =	vst v6;
	v6 =	vmul.f32 v11, v1;
	v11 =	vld [tilespmem:s23+$0xFFFFFE20]  }
0x245: {  	[tilespmem:s22+$0x1D0] =	vst v7;
	v7 =	vld [tilespmem:s23+$0xFFFFFE30]  }
0x246: {  	v5 =	vld.idx.msk [tilespmem:v14+s4+$0x0], $0xffff  }
0x247: {  	v1 =	vmul.f32 v16, v1;
	v4 =	vld.idx.msk [tilespmem:v15+s4+$0x0], $0xffff  }
0x248: {  	[tilespmem:s22+$0x1E0] =	vst v6;
	v6 =	vld [tilespmem:s23+$0xFFFFFE40]  }
0x249: {  	[tilespmem:s22+$0x1F0] =	vst v1;
	v1 =	vmul.f32 v8, v18;
	v3 =	vld.idx.msk [tilespmem:v3+s4+$0x0], $0xffff  }
0x24a: {  	v8 =	vld [tilespmem:s23+$0xFFFFFE50];
	v9 =	vmul.f32 v9, v18  }
0x24b: {  	v14 =	vld [tilespmem:s23+$0xFFFFFE60];
	[tilespmem:s23+$0xFFFFFE00] =	vst v1;
	v1 =	vmul.f32 v11, v18  }
0x24c: {  	v11 =	vld [tilespmem:s23+$0xFFFFFE70];
	[tilespmem:s23+$0xFFFFFE10] =	vst v9;
	v7 =	vmul.f32 v7, v18  }
0x24d: {  	v9 =	vld [tilespmem:s23+$0xFFFFFE80];
	[tilespmem:s23+$0xFFFFFE20] =	vst v1;
	v1 =	vmul.f32 v6, v18  }
0x24e: {  	v6 =	vld [tilespmem:s23+$0xFFFFFE90];
	[tilespmem:s23+$0xFFFFFE30] =	vst v7;
	v13 =	vmul.f32 v13, v3  }
0x24f: {  	v7 =	vmul.f32 v8, v18;
	v8 =	vld [tilespmem:s23+$0xFFFFFEA0];
	[tilespmem:s23+$0xFFFFFE40] =	vst v1  }
0x250: {  	v1 =	vmul.f32 v14, v18;
	[tilespmem:s23+$0x170] =	vst v13;
	v13 =	vld [tilespmem:s23+$0xFFFFFEB0]  }
0x251: {  	[tilespmem:s23+$0xFFFFFE50] =	vst v7;
	v7 =	vmul.f32 v11, v18;
	v11 =	vld [tilespmem:s23+$0xFFFFFEC0]  }
0x252: {  	[tilespmem:s23+$0xFFFFFE60] =	vst v1;
	v1 =	vmul.f32 v9, v17;
	v9 =	vld [tilespmem:s23+$0xFFFFFED0]  }
0x253: {  	[tilespmem:s23+$0xFFFFFE70] =	vst v7;
	v6 =	vmul.f32 v6, v17;
	v7 =	vld [tilespmem:s23+$0xFFFFFEE0]  }
0x254: {  	[tilespmem:s23+$0xFFFFFE80] =	vst v1;
	v1 =	vmul.f32 v8, v17;
	v8 =	vld [tilespmem:s23+$0xFFFFFEF0]  }
0x255: {  	[tilespmem:s23+$0xFFFFFE90] =	vst v6;
	v6 =	vmul.f32 v13, v17;
	v13 =	vld [tilespmem:s23+$0xFFFFFF00]  }
0x256: {  	[tilespmem:s23+$0xFFFFFEA0] =	vst v1;
	v1 =	vmul.f32 v11, v17;
	v11 =	vld [tilespmem:s23+$0xFFFFFF10]  }
0x257: {  	[tilespmem:s23+$0xFFFFFEB0] =	vst v6;
	v6 =	vmul.f32 v9, v17;
	v9 =	vld [tilespmem:s23+$0xFFFFFF20]  }
0x258: {  	[tilespmem:s23+$0xFFFFFEC0] =	vst v1;
	v1 =	vmul.f32 v7, v17;
	v7 =	vld [tilespmem:s23+$0xFFFFFF30]  }
0x259: {  	[tilespmem:s23+$0xFFFFFED0] =	vst v6;
	v6 =	vmul.f32 v8, v17;
	v8 =	vld [tilespmem:s23+$0xFFFFFF40]  }
0x25a: {  	[tilespmem:s23+$0xFFFFFEE0] =	vst v1;
	v1 =	vmul.f32 v13, v10;
	v13 =	vld [tilespmem:s23+$0xFFFFFF50]  }
0x25b: {  	[tilespmem:s23+$0xFFFFFEF0] =	vst v6;
	v6 =	vmul.f32 v11, v10;
	v11 =	vld [tilespmem:s23+$0xFFFFFF60]  }
0x25c: {  	[tilespmem:s23+$0xFFFFFF00] =	vst v1;
	v1 =	vmul.f32 v9, v10;
	v9 =	vld [tilespmem:s23+$0xFFFFFF70]  }
0x25d: {  	[tilespmem:s23+$0xFFFFFF10] =	vst v6;
	v6 =	vmul.f32 v7, v10;
	v7 =	vld [tilespmem:s23+$0xFFFFFF80]  }
0x25e: {  	[tilespmem:s23+$0xFFFFFF20] =	vst v1;
	v1 =	vmul.f32 v8, v10;
	v8 =	vld [tilespmem:s23+$0xFFFFFF90]  }
0x25f: {  	[tilespmem:s23+$0xFFFFFF30] =	vst v6;
	v6 =	vmul.f32 v13, v10;
	v13 =	vld [tilespmem:s23+$0xFFFFFFA0]  }
0x260: {  	[tilespmem:s23+$0xFFFFFF40] =	vst v1;
	v1 =	vmul.f32 v11, v10;
	v11 =	vld [tilespmem:s23+$0xFFFFFFB0]  }
0x261: {  	[tilespmem:s23+$0xFFFFFF50] =	vst v6;
	v6 =	vmul.f32 v9, v10;
	v9 =	vld [tilespmem:s23+$0xFFFFFFC0]  }
0x262: {  	[tilespmem:s23+$0xFFFFFF60] =	vst v1;
	v1 =	vmul.f32 v7, v12;
	v7 =	vld [tilespmem:s23+$0xFFFFFFD0]  }
0x263: {  	[tilespmem:s23+$0xFFFFFF70] =	vst v6;
	v6 =	vmul.f32 v8, v12;
	v8 =	vld [tilespmem:s23+$0xFFFFFFE0]  }
0x264: {  	v10 =	vld [tilespmem:s23+$0xFFFFFFF0];
	[tilespmem:s23+$0xFFFFFF80] =	vst v1;
	v1 =	vmul.f32 v13, v12  }
0x265: {  	[tilespmem:s23+$0xFFFFFF90] =	vst v6;
	v6 =	vmul.f32 v11, v12;
	v11 =	vld [tilespmem:s23+$0x0]  }
0x266: {  	[tilespmem:s23+$0xFFFFFFA0] =	vst v1;
	v1 =	vmul.f32 v9, v12;
	v9 =	vld [tilespmem:s23+$0x10]  }
0x267: {  	[tilespmem:s23+$0xFFFFFFB0] =	vst v6;
	v6 =	vmul.f32 v7, v12;
	v7 =	vld [tilespmem:s23+$0x20]  }
0x268: {  	[tilespmem:s23+$0xFFFFFFC0] =	vst v1;
	v1 =	vmul.f32 v8, v12;
	v8 =	vld [tilespmem:s23+$0x30]  }
0x269: {  	[tilespmem:s23+$0xFFFFFFD0] =	vst v6;
	v6 =	vmul.f32 v10, v12;
	v10 =	vld [tilespmem:s23+$0x40]  }
0x26a: {  	[tilespmem:s23+$0xFFFFFFE0] =	vst v1;
	v1 =	vmul.f32 v11, v5;
	v11 =	vld [tilespmem:s23+$0x50]  }
0x26b: {  	[tilespmem:s23+$0xFFFFFFF0] =	vst v6;
	v6 =	vmul.f32 v9, v5;
	v9 =	vld [tilespmem:s23+$0x60]  }
0x26c: {  	[tilespmem:s23+$0x0] =	vst v1;
	v1 =	vmul.f32 v7, v5;
	v7 =	vld [tilespmem:s23+$0x70]  }
0x26d: {  	[tilespmem:s23+$0x10] =	vst v6;
	v6 =	vmul.f32 v8, v5;
	v8 =	vld [tilespmem:s23+$0x80]  }
0x26e: {  	[tilespmem:s23+$0x20] =	vst v1;
	v1 =	vmul.f32 v10, v5;
	v10 =	vld [tilespmem:s23+$0x90]  }
0x26f: {  	[tilespmem:s23+$0x30] =	vst v6;
	v6 =	vmul.f32 v11, v5;
	v11 =	vld [tilespmem:s23+$0xA0]  }
0x270: {  	[tilespmem:s23+$0x40] =	vst v1;
	v1 =	vmul.f32 v9, v5;
	v9 =	vld [tilespmem:s23+$0xB0]  }
0x271: {  	[tilespmem:s23+$0x50] =	vst v6;
	v5 =	vmul.f32 v7, v5;
	v6 =	vld [tilespmem:s23+$0xC0]  }
0x272: {  	v7 =	vld [tilespmem:s23+$0xD0];
	[tilespmem:s23+$0x60] =	vst v1;
	v1 =	vmul.f32 v8, v4  }
0x273: {  	v8 =	vld [tilespmem:s23+$0xE0];
	[tilespmem:s23+$0x70] =	vst v5;
	v5 =	vmul.f32 v10, v4  }
0x274: {  	v10 =	vld [tilespmem:s23+$0xF0];
	[tilespmem:s23+$0x80] =	vst v1;
	v1 =	vmul.f32 v11, v4  }
0x275: {  	[tilespmem:s23+$0x90] =	vst v5;
	v5 =	vmul.f32 v9, v4;
	v9 =	vld [tilespmem:s23+$0x100]  }
0x276: {  	[tilespmem:s23+$0xA0] =	vst v1;
	v1 =	vmul.f32 v6, v4;
	v6 =	vld [tilespmem:s23+$0x110]  }
0x277: {  	[tilespmem:s23+$0xB0] =	vst v5;
	v5 =	vmul.f32 v7, v4;
	v7 =	vld [tilespmem:s23+$0x120]  }
0x278: {  	[tilespmem:s23+$0xC0] =	vst v1;
	v1 =	vmul.f32 v8, v4;
	v8 =	vld [tilespmem:s23+$0x130]  }
0x279: {  	v4 =	vmul.f32 v10, v4;
	[tilespmem:s23+$0xD0] =	vst v5;
	v5 =	vld [tilespmem:s23+$0x140]  }
0x27a: {  	[tilespmem:s23+$0xE0] =	vst v1;
	v1 =	vmul.f32 v9, v3;
	v9 =	vld [tilespmem:s23+$0x150]  }
0x27b: {  	[tilespmem:s23+$0xF0] =	vst v4;
	v4 =	vmul.f32 v6, v3;
	v6 =	vld [tilespmem:s23+$0x160]  }
0x27c: {  	[tilespmem:s23+$0x100] =	vst v1;
	v1 =	vmul.f32 v7, v3;
	v7 =	vld [tilespmem:s23+$0x180]  }
0x27d: {  	[tilespmem:s23+$0x110] =	vst v4;
	v4 =	vmul.f32 v8, v3;
	v8 =	vld [tilespmem:s23+$0x190]  }
0x27e: {  	[tilespmem:s23+$0x120] =	vst v1;
	v1 =	vmul.f32 v5, v3;
	v5 =	vld [tilespmem:s23+$0x1A0]  }
0x27f: {  	[tilespmem:s23+$0x130] =	vst v4;
	v4 =	vmul.f32 v9, v3;
	v9 =	vld [tilespmem:s23+$0x1B0]  }
0x280: {  	[tilespmem:s23+$0x140] =	vst v1;
	v1 =	vmul.f32 v6, v3;
	v3 =	vld [tilespmem:s23+$0x1C0]  }
0x281: {  	v6 =	vld [tilespmem:s23+$0x1D0];
	[tilespmem:s23+$0x150] =	vst v4;
	v4 =	vmul.f32 v7, v2  }
0x282: {  	v7 =	vld [tilespmem:s23+$0x1E0];
	[tilespmem:s23+$0x160] =	vst v1;
	v1 =	vmul.f32 v8, v2  }
0x283: {  	[tilespmem:s23+$0x180] =	vst v4;
	v4 =	vmul.f32 v5, v2;
	v5 =	vld [tilespmem:s23+$0x1F0]  }
0x284: {  	[tilespmem:s23+$0x190] =	vst v1;
	v1 =	vmul.f32 v9, v2  }
0x285: {  	[tilespmem:s23+$0x1A0] =	vst v4;
	v3 =	vmul.f32 v3, v2  }
0x286: {  	[tilespmem:s23+$0x1B0] =	vst v1;
	v1 =	vmul.f32 v6, v2  }
0x287: {  	[tilespmem:s23+$0x1C0] =	vst v3;
	v3 =	vmul.f32 v7, v2  }
0x288: {  	[tilespmem:s23+$0x1D0] =	vst v1;
	v1 =	vmul.f32 v5, v2  }
0x289: {  	p1 =	seq.s32 s19, $0x45;
	[tilespmem:s23+$0x1E0] =	vst v3  }
0x28a: {  	s8 =	simm.s32 @!p1 $0x4;
	[tilespmem:s23+$0x1F0] =	vst v1  }
0x28b: {  	[spmem:s2] =	stream.indirect.scatter.add.f32 [tilespmem:s1], [sflag:$0x5], $0x80, s10, s31, $0xb8;
	[tilespmem:$0x1FAC0] =	vst v63  }
0x28c: {  	_ =	swait.ge @!p1 [sflag:s8], $0x1800  }
0x28d: {  	[sflag:s8] =	ssyncset.done @!p1 $0x0  }
0x28e: {  	[sflag:s8] =	ssyncadd.s32 @!p1 $0xFFFFE800  }
0x28f: {  	v1 =	vld @!p1 [tilespmem:s20+$0x90];
	_ =	sdelay $0x4  }
0x290: {  	v2 =	vand.u32 @!p1 $0xFFFF, v1  }
0x291: {  	v1 =	vshrl.u32 @!p1 v1, $0x10;
	[tilespmem:$0x4F80] =	vst @!p1 v2  }
0x292: {  	[tilespmem:$0x5100] =	vst @!p1 v1  }
0x293: {  	v1 =	vld @!p1 [tilespmem:s20+$0xA0];
	_ =	sdelay $0x4  }
0x294: {  	v2 =	vand.u32 @!p1 $0xFFFF, v1  }
0x295: {  	v1 =	vshrl.u32 @!p1 v1, $0x10;
	[tilespmem:$0x4F90] =	vst @!p1 v2  }
0x296: {  	[tilespmem:$0x5110] =	vst @!p1 v1  }
0x297: {  	v1 =	vld @!p1 [tilespmem:s20+$0xB0];
	_ =	sdelay $0x4  }
0x298: {  	v2 =	vand.u32 @!p1 $0xFFFF, v1  }
0x299: {  	v1 =	vshrl.u32 @!p1 v1, $0x10;
	[tilespmem:$0x4FA0] =	vst @!p1 v2  }
0x29a: {  	s14 =	simm.s32 @!p1 $0x4F80;
	s16 =	simm.s32 @!p1 $0x5280;
	s8 =	simm.s32 @!p1 $0x30;
	[tilespmem:$0x5120] =	vst @!p1 v1  }
0x29b: {  	[tilespmem:s16], [sflag:$0x1] =	stream.indirect.gather @!p1 [hbm4b:s0+s8], $0x80, s14, s8, $0xb8;
	[tilespmem:$0x1FAC0] =	vst v63  }
0x29c: {  	_ =	swait.ge [sflag:s11], $0x1800  }
0x29d: {  	[sflag:s11] =	ssyncset.done $0x0  }
0x29e: {  	[sflag:s11] =	ssyncadd.s32 $0xFFFFE800  }
0x29f: {  	v1 =	vld [tilespmem:$0x5080];
	_ =	sdelay $0x5  }
0x2a0: {  	v2 =	vld [tilespmem:s21+$0x2780]  }
0x2a1: {  	v3 =	vld [tilespmem:$0x5090]  }
0x2a2: {  	v1 =	vld.idx.msk [tilespmem:v1+s30+$0x0], $0xffff;
	_ =	sdelay $0x4  }
0x2a3: {  	v1 =	vmul.f32 v2, v1;
	_ =	sdelay $0x1  }
0x2a4: {  	[tilespmem:$0x4F00] =	vst v1  }
0x2a5: {  	v1 =	vld.idx.msk [tilespmem:v3+s30+$0x0], $0xffff  }
0x2a6: {  	v2 =	vld [tilespmem:s21+$0x2790]  }
0x2a7: {  	v3 =	vld [tilespmem:$0x50A0];
	_ =	sdelay $0x4  }
0x2a8: {  	v1 =	vmul.f32 v2, v1;
	_ =	sdelay $0x1  }
0x2a9: {  	[tilespmem:$0x4F10] =	vst v1  }
0x2aa: {  	s16 =	simm.s32 $0x0;
	v1 =	vld.idx.msk [tilespmem:v3+s30+$0x0], $0xffff  }
0x2ab: {  	v2 =	vld [tilespmem:s21+$0x27A0];
	v3 =	vmov s16  }
0x2ac: {  	v3 =	vand.u32 $0xFFFFFFF8, v3  }
0x2ad: {  	v3 =	vbroadcast v3, $0x0;
	_ =	sdelay $0x2  }
0x2ae: {  	v1 =	vmul.f32 v2, v1;
	_ =	sdelay $0x1  }
0x2af: {  	s21 =	simm.s32 $0x6;
	[tilespmem:$0x4F20] =	vst v1  }
0x2b0: {  	v4 =	vmov s21;
	s21 =	simm.s32 $0x8480;
	v1 =	vld.idx.msk [tilespmem:v3+s4+$0x0], $0xffff  }
0x2b1: {  	v5 =	vld [tilespmem:s21+$0xFFFFFE00]  }
0x2b2: {  	v6 =	vld [tilespmem:s21+$0xFFFFFE10]  }
0x2b3: {  	v4 =	vand.u32 $0xFFFFFFFE, v4;
	v7 =	vld [tilespmem:s21+$0xFFFFFE20]  }
0x2b4: {  	v4 =	vbroadcast v4, $0x0;
	v8 =	vld [tilespmem:s21+$0xFFFFFE30]  }
0x2b5: {  	v9 =	vld [tilespmem:s21+$0xFFFFFE40]  }
0x2b6: {  	v10 =	vld [tilespmem:s21+$0xFFFFFE50]  }
0x2b7: {  	s22 =	simm.s32 $0x1;
	v11 =	vld [tilespmem:s21+$0xFFFFFE60]  }
0x2b8: {  	v3 =	vmov s22;
	v12 =	vld [tilespmem:s21+$0xFFFFFE70]  }
0x2b9: {  	v13 =	vld [tilespmem:s21+$0xFFFFFE80];
	v3 =	vand.u32 $0xFFFFFFF9, v3  }
0x2ba: {  	v2 =	vld.idx.msk [tilespmem:v4+s4+$0x0], $0xffff;
	v3 =	vbroadcast v3, $0x0  }
0x2bb: {  	v4 =	vld [tilespmem:s21+$0x170]  }
0x2bc: {  	v14 =	vld [tilespmem:s21+$0xFFFFFE90];
	v5 =	vmul.f32 v5, v1  }
0x2bd: {  	v15 =	vld [tilespmem:s21+$0xFFFFFEA0];
	v8 =	vmul.f32 v8, v1  }
0x2be: {  	v16 =	vld [tilespmem:s21+$0xFFFFFEB0];
	v6 =	vmul.f32 v6, v1;
	[tilespmem:s21+$0xFFFFFE00] =	vst v5  }
0x2bf: {  	s23 =	simm.s32 $0x2;
	v9 =	vmul.f32 v9, v1;
	[tilespmem:s21+$0xFFFFFE30] =	vst v8;
	v8 =	vmul.f32 v10, v1;
	v10 =	vld [tilespmem:s21+$0xFFFFFEF0]  }
0x2c0: {  	v4 =	vmul.f32 v4, v2;
	v5 =	vmov s23;
	[tilespmem:s21+$0xFFFFFE10] =	vst v6;
	v3 =	vld.idx.msk [tilespmem:v3+s4+$0x0], $0xffff  }
0x2c1: {  	[tilespmem:s21+$0xFFFFFE40] =	vst v9;
	v9 =	vmul.f32 v11, v1;
	v11 =	vld [tilespmem:s21+$0xFFFFFF00];
	v5 =	vand.u32 $0xFFFFFFFA, v5  }
0x2c2: {  	[tilespmem:s21+$0x170] =	vst v4;
	v4 =	vmul.f32 v7, v1;
	v7 =	vld [tilespmem:s21+$0xFFFFFEC0];
	v5 =	vbroadcast v5, $0x0  }
0x2c3: {  	v1 =	vmul.f32 v12, v1;
	v12 =	vld [tilespmem:s21+$0xFFFFFF20];
	[tilespmem:s21+$0xFFFFFE50] =	vst v8  }
0x2c4: {  	v8 =	vld [tilespmem:s21+$0xFFFFFF10];
	[tilespmem:s21+$0xFFFFFE60] =	vst v9  }
0x2c5: {  	[tilespmem:s21+$0xFFFFFE20] =	vst v4;
	v4 =	vld [tilespmem:s21+$0xFFFFFEE0];
	v6 =	vmul.f32 v13, v3  }
0x2c6: {  	[tilespmem:s21+$0xFFFFFE70] =	vst v1;
	v13 =	vld [tilespmem:s21+$0xFFFFFED0];
	v9 =	vmul.f32 v14, v3  }
0x2c7: {  	s14 =	simm.s32 $0x3;
	v1 =	vmul.f32 v15, v3;
	v14 =	vld [tilespmem:s21+$0xFFFFFF30];
	[tilespmem:s21+$0xFFFFFE80] =	vst v6  }
0x2c8: {  	v7 =	vmul.f32 v7, v3;
	v5 =	vld.idx.msk [tilespmem:v5+s4+$0x0], $0xffff;
	v6 =	vmov s14;
	[tilespmem:s21+$0xFFFFFE90] =	vst v9  }
0x2c9: {  	v15 =	vld [tilespmem:s21+$0xFFFFFF40];
	v9 =	vmul.f32 v16, v3;
	[tilespmem:s21+$0xFFFFFEA0] =	vst v1;
	v6 =	vand.u32 $0xFFFFFFFB, v6  }
0x2ca: {  	[tilespmem:s21+$0xFFFFFEC0] =	vst v7;
	v4 =	vmul.f32 v4, v3;
	v7 =	vld [tilespmem:s21+$0xFFFFFF70];
	v6 =	vbroadcast v6, $0x0  }
0x2cb: {  	[tilespmem:s21+$0xFFFFFEB0] =	vst v9;
	v9 =	vld [tilespmem:s21+$0xFFFFFF60];
	v13 =	vmul.f32 v13, v3  }
0x2cc: {  	[tilespmem:s21+$0xFFFFFEE0] =	vst v4;
	v3 =	vmul.f32 v10, v3;
	v10 =	vld [tilespmem:s21+$0xFFFFFF80]  }
0x2cd: {  	v1 =	vmul.f32 v11, v5;
	v11 =	vld [tilespmem:s21+$0xFFFFFF50];
	[tilespmem:s21+$0xFFFFFED0] =	vst v13  }
0x2ce: {  	v4 =	vmul.f32 v8, v5;
	v8 =	vld [tilespmem:s21+$0xFFFFFF90];
	[tilespmem:s21+$0xFFFFFEF0] =	vst v3  }
0x2cf: {  	s16 =	simm.s32 $0x4;
	v3 =	vmul.f32 v12, v5;
	v12 =	vld [tilespmem:s21+$0xFFFFFFA0];
	[tilespmem:s21+$0xFFFFFF00] =	vst v1  }
0x2d0: {  	v1 =	vmov s16;
	[tilespmem:s21+$0xFFFFFF10] =	vst v4;
	v4 =	vmul.f32 v14, v5;
	v6 =	vld.idx.msk [tilespmem:v6+s4+$0x0], $0xffff  }
0x2d1: {  	v13 =	vld [tilespmem:s21+$0xFFFFFFB0];
	[tilespmem:s21+$0xFFFFFF20] =	vst v3;
	v3 =	vmul.f32 v15, v5;
	v1 =	vand.u32 $0xFFFFFFFC, v1  }
0x2d2: {  	v14 =	vld [tilespmem:s21+$0xFFFFFFC0];
	v9 =	vmul.f32 v9, v5;
	v1 =	vbroadcast v1, $0x0;
	[tilespmem:s21+$0xFFFFFF30] =	vst v4  }
0x2d3: {  	[tilespmem:s21+$0xFFFFFF40] =	vst v3;
	v3 =	vld [tilespmem:s21+$0xFFFFFFE0];
	v11 =	vmul.f32 v11, v5  }
0x2d4: {  	[tilespmem:s21+$0xFFFFFF60] =	vst v9;
	v9 =	vld [tilespmem:s21+$0x0];
	v5 =	vmul.f32 v7, v5  }
0x2d5: {  	v7 =	vld [tilespmem:s21+$0xFFFFFFF0];
	[tilespmem:s21+$0xFFFFFF50] =	vst v11;
	v4 =	vmul.f32 v10, v6  }
0x2d6: {  	[tilespmem:s21+$0xFFFFFF70] =	vst v5;
	v10 =	vld [tilespmem:s21+$0xFFFFFFD0];
	v8 =	vmul.f32 v8, v6  }
0x2d7: {  	v11 =	vld [tilespmem:s21+$0x10];
	v5 =	vmul.f32 v12, v6;
	[tilespmem:s21+$0xFFFFFF80] =	vst v4  }
0x2d8: {  	s22 =	simm.s32 $0x5;
	v3 =	vmul.f32 v3, v6;
	v1 =	vld.idx.msk [tilespmem:v1+s4+$0x0], $0xffff;
	[tilespmem:s21+$0xFFFFFF90] =	vst v8  }
0x2d9: {  	v12 =	vld [tilespmem:s21+$0x20];
	v4 =	vmov s22;
	v8 =	vmul.f32 v13, v6;
	[tilespmem:s21+$0xFFFFFFA0] =	vst v5  }
0x2da: {  	v5 =	vmul.f32 v14, v6;
	v13 =	vld [tilespmem:s21+$0x30];
	v4 =	vand.u32 $0xFFFFFFFD, v4;
	[tilespmem:s21+$0xFFFFFFE0] =	vst v3  }
0x2db: {  	v4 =	vbroadcast v4, $0x0;
	[tilespmem:s21+$0xFFFFFFB0] =	vst v8;
	v8 =	vmul.f32 v10, v6;
	v10 =	vld [tilespmem:s21+$0x40]  }
0x2dc: {  	[tilespmem:s21+$0xFFFFFFC0] =	vst v5;
	v6 =	vmul.f32 v7, v6;
	v7 =	vld [tilespmem:s21+$0x80]  }
0x2dd: {  	v5 =	vmul.f32 v9, v1;
	v9 =	vld [tilespmem:s21+$0x50];
	[tilespmem:s21+$0xFFFFFFD0] =	vst v8  }
0x2de: {  	v8 =	vld [tilespmem:s21+$0x60];
	v3 =	vmul.f32 v11, v1;
	[tilespmem:s21+$0xFFFFFFF0] =	vst v6  }
0x2df: {  	v6 =	vmul.f32 v12, v1;
	v11 =	vld [tilespmem:s21+$0x90];
	[tilespmem:s21+$0x0] =	vst v5  }
0x2e0: {  	v5 =	vld [tilespmem:s21+$0x70];
	[tilespmem:s21+$0x10] =	vst v3;
	v3 =	vmul.f32 v13, v1  }
0x2e1: {  	[tilespmem:s21+$0x20] =	vst v6;
	v4 =	vld.idx.msk [tilespmem:v4+s4+$0x0], $0xffff;
	v6 =	vmul.f32 v10, v1  }
0x2e2: {  	v10 =	vld [tilespmem:s21+$0xA0];
	[tilespmem:s21+$0x30] =	vst v3  }
0x2e3: {  	v3 =	vmul.f32 v9, v1;
	v9 =	vld [tilespmem:s21+$0xB0];
	[tilespmem:s21+$0x40] =	vst v6;
	v6 =	vmul.f32 v8, v1  }
0x2e4: {  	v8 =	vld [tilespmem:s21+$0xC0]  }
0x2e5: {  	s23 =	simm.s32 $0x7;
	v5 =	vmul.f32 v5, v1;
	[tilespmem:s21+$0x60] =	vst v6;
	v6 =	vld [tilespmem:s21+$0xE0]  }
0x2e6: {  	v12 =	vmov s23;
	[tilespmem:s21+$0x50] =	vst v3;
	v3 =	vmul.f32 v7, v4;
	v7 =	vld [tilespmem:s21+$0xD0]  }
0x2e7: {  	v11 =	vmul.f32 v11, v4;
	[tilespmem:s21+$0x70] =	vst v5;
	v5 =	vld [tilespmem:s21+$0xF0]  }
0x2e8: {  	[tilespmem:s21+$0x80] =	vst v3;
	v3 =	vmul.f32 v10, v4;
	v10 =	vld [tilespmem:s21+$0x100]  }
0x2e9: {  	[tilespmem:s21+$0x90] =	vst v11;
	v9 =	vmul.f32 v9, v4;
	v11 =	vld [tilespmem:s21+$0x150]  }
0x2ea: {  	[tilespmem:s21+$0xA0] =	vst v3;
	v3 =	vmul.f32 v8, v4;
	v8 =	vld [tilespmem:s21+$0x110]  }
0x2eb: {  	v1 =	vld.idx.msk [tilespmem:v12+s4+$0x0], $0xffff;
	[tilespmem:s21+$0xB0] =	vst v9;
	v7 =	vmul.f32 v7, v4  }
0x2ec: {  	v9 =	vld [tilespmem:s21+$0x120];
	[tilespmem:s21+$0xC0] =	vst v3;
	v3 =	vmul.f32 v6, v4  }
0x2ed: {  	s23 =	simm.s32 $0xA;
	v6 =	vld [tilespmem:s21+$0x130];
	v4 =	vmul.f32 v5, v4;
	[tilespmem:s21+$0xD0] =	vst v7  }
0x2ee: {  	s22 =	simm.s32 $0x9;
	v13 =	vmov s23;
	v5 =	vld [tilespmem:s21+$0x140];
	v10 =	vmul.f32 v10, v2;
	[tilespmem:s21+$0xE0] =	vst v3  }
0x2ef: {  	s14 =	simm.s32 $0x8;
	s23 =	simm.s32 $0xD;
	v12 =	vmov s22;
	s22 =	simm.s32 $0xC;
	v11 =	vmul.f32 v11, v2;
	[tilespmem:s21+$0xF0] =	vst v4;
	v4 =	vmul.f32 v8, v2;
	v8 =	vld [tilespmem:s21+$0x160]  }
0x2f0: {  	s16 =	simm.s32 $0xF;
	v14 =	vld [tilespmem:s21+$0x180];
	v63 =	vmov s23;
	v15 =	vmov s22;
	v7 =	vmov s14;
	[tilespmem:s21+$0x100] =	vst v10  }
0x2f1: {  	v17 =	vld [tilespmem:s21+$0x190];
	v7 =	vand.u32 $0xFFFFFFF8, v7;
	v3 =	vmov s16;
	s16 =	simm.s32 $0xB;
	v9 =	vmul.f32 v9, v2;
	[tilespmem:s21+$0x150] =	vst v11  }
0x2f2: {  	v10 =	vmov s16;
	[tilespmem:s21+$0x110] =	vst v4;
	v16 =	vmul.f32 v6, v2;
	v4 =	vbroadcast v7, $0x0;
	v6 =	vld [tilespmem:s21+$0x1A0]  }
0x2f3: {  	[tilespmem:s21+$0x120] =	vst v9;
	v9 =	vmul.f32 v5, v2;
	v5 =	vand.u32 $0xFFFFFFF9, v12;
	v12 =	vand.u32 $0xFFFFFFFA, v13;
	v7 =	vld [tilespmem:s21+$0x1B0]  }
0x2f4: {  	v13 =	vand.u32 $0xFFFFFFFB, v10;
	v5 =	vbroadcast v5, $0x0;
	[tilespmem:s21+$0x130] =	vst v16;
	v16 =	vmul.f32 v8, v2;
	v8 =	vld [tilespmem:s21+$0x1C0]  }
0x2f5: {  	v10 =	vbroadcast v12, $0x0;
	[tilespmem:s21+$0x140] =	vst v9;
	v9 =	vld [tilespmem:s21+$0x1D0];
	v2 =	vand.u32 $0xFFFFFFFC, v15;
	v15 =	vmul.f32 v14, v1  }
0x2f6: {  	s22 =	simm.s32 $0x10;
	s14 =	simm.s32 $0xE;
	v11 =	vld [tilespmem:s21+$0x1E0];
	v12 =	vbroadcast v13, $0x0;
	v13 =	vmul.f32 v17, v1;
	v14 =	vand.u32 $0xFFFFFFFD, v63;
	[tilespmem:s21+$0x160] =	vst v16  }
.LBB2_9:
0x2f7: {  	p2 =	slt.u32 s22, $0x28;
	v2 =	vbroadcast v2, $0x0;
	v16 =	vmov s14;
	[tilespmem:s21+$0x180] =	vst v15;
	v6 =	vmul.f32 v6, v1;
	v15 =	vld [tilespmem:s21+$0x1F0]  }
0x2f8: {  	v14 =	vbroadcast v14, $0x0;
	v16 =	vand.u32 $0xFFFFFFFE, v16;
	v17 =	vld.idx.msk [tilespmem:v3+s4+$0x0], $0xffff;
	[tilespmem:s21+$0x190] =	vst v13;
	v3 =	vmul.f32 v7, v1  }
0x2f9: {  	v7 =	vld.idx.msk [tilespmem:v4+s4+$0x0], $0xffff;
	v13 =	vbroadcast v16, $0x0;
	[tilespmem:s21+$0x1A0] =	vst v6;
	v4 =	vmul.f32 v8, v1  }
0x2fa: {  	v6 =	vld.idx.msk [tilespmem:v5+s4+$0x0], $0xffff;
	[tilespmem:s21+$0x1B0] =	vst v3;
	v3 =	vmul.f32 v9, v1  }
0x2fb: {  	v8 =	vld.idx.msk [tilespmem:v10+s4+$0x0], $0xffff;
	[tilespmem:s21+$0x1C0] =	vst v4;
	v9 =	vmul.f32 v11, v1  }
0x2fc: {  	v5 =	vld.idx.msk [tilespmem:v12+s4+$0x0], $0xffff;
	[tilespmem:s21+$0x1D0] =	vst v3;
	v10 =	vmul.f32 v15, v1  }
0x2fd: {  	v4 =	vld.idx.msk [tilespmem:v2+s4+$0x0], $0xffff;
	[tilespmem:s21+$0x1E0] =	vst v9  }
0x2fe: {  	v1 =	vmov v17;
	v3 =	vld.idx.msk [tilespmem:v14+s4+$0x0], $0xffff;
	[tilespmem:s21+$0x1F0] =	vst v10  }
0x2ff: {  	s21 =	sadd.s32 $0x400, s21;
	v2 =	vld.idx.msk [tilespmem:v13+s4+$0x0], $0xffff  }
0x300: {  	v9 =	vld [tilespmem:s21+$0x170]  }
0x301: {  	v10 =	vld [tilespmem:s21+$0xFFFFFE00]  }
0x302: {  	v11 =	vld [tilespmem:s21+$0xFFFFFE10]  }
0x303: {  	v12 =	vld [tilespmem:s21+$0xFFFFFE20]  }
0x304: {  	v13 =	vld [tilespmem:s21+$0xFFFFFE30]  }
0x305: {  	v14 =	vld [tilespmem:s21+$0xFFFFFE40];
	v9 =	vmul.f32 v9, v2  }
0x306: {  	v10 =	vmul.f32 v10, v7;
	v15 =	vld [tilespmem:s21+$0xFFFFFE50]  }
0x307: {  	v11 =	vmul.f32 v11, v7;
	v16 =	vld [tilespmem:s21+$0xFFFFFE60];
	[tilespmem:s21+$0x170] =	vst v9  }
0x308: {  	[tilespmem:s21+$0xFFFFFE00] =	vst v10;
	v9 =	vmul.f32 v12, v7;
	v10 =	vld [tilespmem:s21+$0xFFFFFE70]  }
0x309: {  	[tilespmem:s21+$0xFFFFFE10] =	vst v11;
	v11 =	vmul.f32 v13, v7;
	v12 =	vld [tilespmem:s21+$0xFFFFFE80]  }
0x30a: {  	[tilespmem:s21+$0xFFFFFE20] =	vst v9;
	v9 =	vmul.f32 v14, v7;
	v13 =	vld [tilespmem:s21+$0xFFFFFE90]  }
0x30b: {  	[tilespmem:s21+$0xFFFFFE30] =	vst v11;
	v11 =	vmul.f32 v15, v7;
	v14 =	vld [tilespmem:s21+$0xFFFFFEA0]  }
0x30c: {  	[tilespmem:s21+$0xFFFFFE40] =	vst v9;
	v9 =	vmul.f32 v16, v7;
	v15 =	vld [tilespmem:s21+$0xFFFFFEB0]  }
0x30d: {  	[tilespmem:s21+$0xFFFFFE50] =	vst v11;
	v7 =	vmul.f32 v10, v7;
	v10 =	vld [tilespmem:s21+$0xFFFFFEC0]  }
0x30e: {  	[tilespmem:s21+$0xFFFFFE60] =	vst v9;
	v9 =	vmul.f32 v12, v6;
	v11 =	vld [tilespmem:s21+$0xFFFFFED0]  }
0x30f: {  	[tilespmem:s21+$0xFFFFFE70] =	vst v7;
	v7 =	vmul.f32 v13, v6;
	v12 =	vld [tilespmem:s21+$0xFFFFFEE0]  }
0x310: {  	[tilespmem:s21+$0xFFFFFE80] =	vst v9;
	v9 =	vmul.f32 v14, v6;
	v13 =	vld [tilespmem:s21+$0xFFFFFEF0]  }
0x311: {  	[tilespmem:s21+$0xFFFFFE90] =	vst v7;
	v7 =	vmul.f32 v15, v6;
	v14 =	vld [tilespmem:s21+$0xFFFFFF00]  }
0x312: {  	[tilespmem:s21+$0xFFFFFEA0] =	vst v9;
	v9 =	vmul.f32 v10, v6;
	v10 =	vld [tilespmem:s21+$0xFFFFFF10]  }
0x313: {  	[tilespmem:s21+$0xFFFFFEB0] =	vst v7;
	v7 =	vmul.f32 v11, v6;
	v11 =	vld [tilespmem:s21+$0xFFFFFF20]  }
0x314: {  	[tilespmem:s21+$0xFFFFFEC0] =	vst v9;
	v9 =	vmul.f32 v12, v6;
	v12 =	vld [tilespmem:s21+$0xFFFFFF30]  }
0x315: {  	[tilespmem:s21+$0xFFFFFED0] =	vst v7;
	v6 =	vmul.f32 v13, v6;
	v7 =	vld [tilespmem:s21+$0xFFFFFF40]  }
0x316: {  	[tilespmem:s21+$0xFFFFFEE0] =	vst v9;
	v9 =	vmul.f32 v14, v8;
	v13 =	vld [tilespmem:s21+$0xFFFFFF50]  }
0x317: {  	[tilespmem:s21+$0xFFFFFEF0] =	vst v6;
	v6 =	vmul.f32 v10, v8;
	v10 =	vld [tilespmem:s21+$0xFFFFFF60]  }
0x318: {  	[tilespmem:s21+$0xFFFFFF00] =	vst v9;
	v9 =	vmul.f32 v11, v8;
	v11 =	vld [tilespmem:s21+$0xFFFFFF70]  }
0x319: {  	[tilespmem:s21+$0xFFFFFF10] =	vst v6;
	v6 =	vmul.f32 v12, v8;
	v12 =	vld [tilespmem:s21+$0xFFFFFF80]  }
0x31a: {  	[tilespmem:s21+$0xFFFFFF20] =	vst v9;
	v7 =	vmul.f32 v7, v8;
	v9 =	vld [tilespmem:s21+$0xFFFFFF90]  }
0x31b: {  	[tilespmem:s21+$0xFFFFFF30] =	vst v6;
	v6 =	vmul.f32 v13, v8;
	v13 =	vld [tilespmem:s21+$0xFFFFFFA0]  }
0x31c: {  	[tilespmem:s21+$0xFFFFFF40] =	vst v7;
	v7 =	vmul.f32 v10, v8;
	v10 =	vld [tilespmem:s21+$0xFFFFFFB0]  }
0x31d: {  	[tilespmem:s21+$0xFFFFFF50] =	vst v6;
	v6 =	vmul.f32 v11, v8;
	v8 =	vld [tilespmem:s21+$0xFFFFFFC0]  }
0x31e: {  	[tilespmem:s21+$0xFFFFFF60] =	vst v7;
	v7 =	vmul.f32 v12, v5;
	v11 =	vld [tilespmem:s21+$0xFFFFFFD0]  }
0x31f: {  	[tilespmem:s21+$0xFFFFFF70] =	vst v6;
	v6 =	vmul.f32 v9, v5;
	v9 =	vld [tilespmem:s21+$0xFFFFFFE0]  }
0x320: {  	[tilespmem:s21+$0xFFFFFF80] =	vst v7;
	v7 =	vmul.f32 v13, v5;
	v12 =	vld [tilespmem:s21+$0xFFFFFFF0]  }
0x321: {  	[tilespmem:s21+$0xFFFFFF90] =	vst v6;
	v6 =	vmul.f32 v10, v5;
	v10 =	vld [tilespmem:s21+$0x0]  }
0x322: {  	[tilespmem:s21+$0xFFFFFFA0] =	vst v7;
	v7 =	vmul.f32 v8, v5;
	v8 =	vld [tilespmem:s21+$0x10]  }
0x323: {  	[tilespmem:s21+$0xFFFFFFB0] =	vst v6;
	v6 =	vmul.f32 v11, v5;
	v11 =	vld [tilespmem:s21+$0x20]  }
0x324: {  	[tilespmem:s21+$0xFFFFFFC0] =	vst v7;
	v7 =	vmul.f32 v9, v5;
	v9 =	vld [tilespmem:s21+$0x30]  }
0x325: {  	[tilespmem:s21+$0xFFFFFFD0] =	vst v6;
	v5 =	vmul.f32 v12, v5;
	v6 =	vld [tilespmem:s21+$0x40]  }
0x326: {  	[tilespmem:s21+$0xFFFFFFE0] =	vst v7;
	v7 =	vmul.f32 v10, v4;
	v10 =	vld [tilespmem:s21+$0x50]  }
0x327: {  	[tilespmem:s21+$0xFFFFFFF0] =	vst v5;
	v5 =	vmul.f32 v8, v4;
	v8 =	vld [tilespmem:s21+$0x60]  }
0x328: {  	[tilespmem:s21+$0x0] =	vst v7;
	v7 =	vmul.f32 v11, v4;
	v11 =	vld [tilespmem:s21+$0x70]  }
0x329: {  	[tilespmem:s21+$0x10] =	vst v5;
	v5 =	vmul.f32 v9, v4;
	v9 =	vld [tilespmem:s21+$0x80]  }
0x32a: {  	[tilespmem:s21+$0x20] =	vst v7;
	v6 =	vmul.f32 v6, v4;
	v7 =	vld [tilespmem:s21+$0x90]  }
0x32b: {  	[tilespmem:s21+$0x30] =	vst v5;
	v5 =	vmul.f32 v10, v4;
	v10 =	vld [tilespmem:s21+$0xA0]  }
0x32c: {  	[tilespmem:s21+$0x40] =	vst v6;
	v6 =	vmul.f32 v8, v4;
	v8 =	vld [tilespmem:s21+$0xB0]  }
0x32d: {  	[tilespmem:s21+$0x50] =	vst v5;
	v4 =	vmul.f32 v11, v4;
	v5 =	vld [tilespmem:s21+$0xC0]  }
0x32e: {  	[tilespmem:s21+$0x60] =	vst v6;
	v6 =	vmul.f32 v9, v3;
	v9 =	vld [tilespmem:s21+$0xD0]  }
0x32f: {  	[tilespmem:s21+$0x70] =	vst v4;
	v4 =	vmul.f32 v7, v3;
	v7 =	vld [tilespmem:s21+$0xE0]  }
0x330: {  	[tilespmem:s21+$0x80] =	vst v6;
	v6 =	vmul.f32 v10, v3;
	v10 =	vld [tilespmem:s21+$0xF0]  }
0x331: {  	[tilespmem:s21+$0x90] =	vst v4;
	v4 =	vmul.f32 v8, v3;
	v8 =	vld [tilespmem:s21+$0x100]  }
0x332: {  	[tilespmem:s21+$0xA0] =	vst v6;
	v5 =	vmul.f32 v5, v3;
	v6 =	vld [tilespmem:s21+$0x110]  }
0x333: {  	[tilespmem:s21+$0xB0] =	vst v4;
	v4 =	vmul.f32 v9, v3;
	v9 =	vld [tilespmem:s21+$0x120]  }
0x334: {  	[tilespmem:s21+$0xC0] =	vst v5;
	v5 =	vmul.f32 v7, v3;
	v7 =	vld [tilespmem:s21+$0x130]  }
0x335: {  	[tilespmem:s21+$0xD0] =	vst v4;
	v4 =	vmul.f32 v10, v3;
	v10 =	vld [tilespmem:s21+$0x140]  }
0x336: {  	s8 =	sadd.s32 $0x7, s22;
	v3 =	vmov s22;
	[tilespmem:s21+$0xE0] =	vst v5;
	v5 =	vmul.f32 v8, v2;
	v8 =	vld [tilespmem:s21+$0x150]  }
0x337: {  	s14 =	sadd.s32 $0x1, s22;
	s16 =	sadd.s32 $0x2, s22;
	v11 =	vand.u32 $0xFFFFFFF8, v3;
	v3 =	vmov s8;
	[tilespmem:s21+$0xF0] =	vst v4;
	v4 =	vmul.f32 v6, v2;
	v12 =	vld [tilespmem:s21+$0x160]  }
0x338: {  	v14 =	vmov s16;
	v13 =	vmov s14;
	s14 =	sadd.s32 $0x4, s22;
	s8 =	sadd.s32 $0x3, s22;
	[tilespmem:s21+$0x100] =	vst v5;
	v5 =	vmul.f32 v9, v2;
	v9 =	vld [tilespmem:s21+$0x180]  }
0x339: {  	v16 =	vmov s14;
	v15 =	vmov s8;
	s8 =	sadd.s32 $0x5, s22;
	[tilespmem:s21+$0x110] =	vst v4;
	v7 =	vmul.f32 v7, v2;
	v17 =	vld [tilespmem:s21+$0x190]  }
.Ltmp3:
0x33a: {  	v4 =	vbroadcast v11, $0x0;
	v11 =	vmov s8;
	[tilespmem:s21+$0x120] =	vst v5;
	v10 =	vmul.f32 v10, v2;
	v6 =	vld [tilespmem:s21+$0x1A0];
	(pc) =	sbr.rel @p2 .LBB2_9-.Ltmp3, $4  }
0x33b: {  	v5 =	vand.u32 $0xFFFFFFF9, v13;
	v13 =	vand.u32 $0xFFFFFFFA, v14;
	[tilespmem:s21+$0x130] =	vst v7;
	v14 =	vmul.f32 v8, v2;
	v7 =	vld [tilespmem:s21+$0x1B0]  }
0x33c: {  	v18 =	vand.u32 $0xFFFFFFFB, v15;
	v5 =	vbroadcast v5, $0x0;
	[tilespmem:s21+$0x140] =	vst v10;
	v19 =	vmul.f32 v12, v2;
	v8 =	vld [tilespmem:s21+$0x1C0]  }
0x33d: {  	v10 =	vbroadcast v13, $0x0;
	v2 =	vand.u32 $0xFFFFFFFC, v16;
	[tilespmem:s21+$0x150] =	vst v14;
	v15 =	vmul.f32 v9, v1;
	v9 =	vld [tilespmem:s21+$0x1D0]  }
0x33e: {  	s14 =	sadd.s32 $0x6, s22;
	s22 =	sadd.s32 $0x8, s22;
	v12 =	vbroadcast v18, $0x0;
	v14 =	vand.u32 $0xFFFFFFFD, v11;
	[tilespmem:s21+$0x160] =	vst v19;
	v13 =	vmul.f32 v17, v1;
	v11 =	vld [tilespmem:s21+$0x1E0]  }
0x33f: {  	_ =	sdelay $0x2  }
0x340: {  	v16 =	vld [tilespmem:s21+$0x1F0]  }
0x341: {  	v18 =	vld.idx.msk [tilespmem:v4+s4+$0x0], $0xffff  }
0x342: {  	v23 =	vld.idx.msk [tilespmem:v5+s4+$0x0], $0xffff  }
0x343: {  	v22 =	vbroadcast v2, $0x0;
	v2 =	vmov s14;
	v10 =	vld.idx.msk [tilespmem:v10+s4+$0x0], $0xffff  }
0x344: {  	v17 =	vand.u32 $0xFFFFFFFE, v2;
	v2 =	vld.idx.msk [tilespmem:v3+s4+$0x0], $0xffff  }
0x345: {  	s22 =	sadd.s32 $0x400, s21;
	v12 =	vld.idx.msk [tilespmem:v12+s4+$0x0], $0xffff  }
0x346: {  	v24 =	vld [tilespmem:s22+$0x170]  }
0x347: {  	v26 =	vld [tilespmem:s22+$0xFFFFFE00]  }
0x348: {  	v28 =	vld [tilespmem:s22+$0xFFFFFE10]  }
0x349: {  	[tilespmem:s21+$0x180] =	vst v15;
	v6 =	vmul.f32 v6, v1;
	v30 =	vld [tilespmem:s22+$0xFFFFFE20]  }
0x34a: {  	[tilespmem:s21+$0x190] =	vst v13;
	v7 =	vmul.f32 v7, v1;
	v31 =	vld [tilespmem:s22+$0xFFFFFE30]  }
0x34b: {  	v32 =	vld [tilespmem:s22+$0xFFFFFE40];
	[tilespmem:s21+$0x1A0] =	vst v6;
	v25 =	vmul.f32 v8, v1  }
0x34c: {  	v33 =	vld [tilespmem:s22+$0xFFFFFE50];
	[tilespmem:s21+$0x1B0] =	vst v7;
	v27 =	vmul.f32 v9, v1  }
0x34d: {  	v34 =	vld [tilespmem:s22+$0xFFFFFE60];
	[tilespmem:s21+$0x1C0] =	vst v25;
	v29 =	vmul.f32 v11, v1  }
0x34e: {  	v35 =	vld [tilespmem:s22+$0xFFFFFE70];
	[tilespmem:s21+$0x1D0] =	vst v27;
	v1 =	vmul.f32 v16, v1  }
0x34f: {  	v36 =	vld [tilespmem:s22+$0xFFFFFE80];
	[tilespmem:s21+$0x1E0] =	vst v29;
	v9 =	vmul.f32 v28, v18  }
0x350: {  	v37 =	vld [tilespmem:s22+$0xFFFFFE90];
	[tilespmem:s21+$0x1F0] =	vst v1;
	v1 =	vmul.f32 v26, v18  }
0x351: {  	v39 =	vld [tilespmem:s22+$0xFFFFFEA0];
	v7 =	vmul.f32 v31, v18;
	[tilespmem:s22+$0xFFFFFE10] =	vst v9  }
0x352: {  	v40 =	vld [tilespmem:s22+$0xFFFFFEB0];
	[tilespmem:s22+$0xFFFFFE00] =	vst v1;
	v1 =	vmul.f32 v30, v18  }
0x353: {  	v42 =	vld [tilespmem:s22+$0xFFFFFEC0];
	v38 =	vmul.f32 v33, v18;
	[tilespmem:s22+$0xFFFFFE30] =	vst v7  }
0x354: {  	v43 =	vld [tilespmem:s22+$0xFFFFFED0];
	[tilespmem:s22+$0xFFFFFE20] =	vst v1;
	v1 =	vmul.f32 v32, v18  }
0x355: {  	v44 =	vld [tilespmem:s22+$0xFFFFFEE0];
	v41 =	vmul.f32 v35, v18;
	[tilespmem:s22+$0xFFFFFE50] =	vst v38  }
0x356: {  	v45 =	vld [tilespmem:s22+$0xFFFFFEF0];
	[tilespmem:s22+$0xFFFFFE40] =	vst v1;
	v1 =	vmul.f32 v34, v18  }
0x357: {  	v47 =	vld [tilespmem:s22+$0xFFFFFF00];
	v6 =	vmul.f32 v37, v23;
	[tilespmem:s22+$0xFFFFFE70] =	vst v41  }
0x358: {  	v48 =	vld [tilespmem:s22+$0xFFFFFF10];
	[tilespmem:s22+$0xFFFFFE60] =	vst v1;
	v1 =	vmul.f32 v36, v23  }
0x359: {  	v50 =	vld [tilespmem:s22+$0xFFFFFF20];
	v46 =	vmul.f32 v40, v23;
	[tilespmem:s22+$0xFFFFFE90] =	vst v6  }
0x35a: {  	v51 =	vld [tilespmem:s22+$0xFFFFFF30];
	[tilespmem:s22+$0xFFFFFE80] =	vst v1;
	v1 =	vmul.f32 v39, v23  }
0x35b: {  	v53 =	vld [tilespmem:s22+$0xFFFFFF40];
	v49 =	vmul.f32 v43, v23;
	[tilespmem:s22+$0xFFFFFEB0] =	vst v46  }
0x35c: {  	v54 =	vld [tilespmem:s22+$0xFFFFFF50];
	[tilespmem:s22+$0xFFFFFEA0] =	vst v1;
	v1 =	vmul.f32 v42, v23  }
0x35d: {  	v56 =	vld [tilespmem:s22+$0xFFFFFF60];
	v52 =	vmul.f32 v45, v23;
	[tilespmem:s22+$0xFFFFFED0] =	vst v49  }
0x35e: {  	v57 =	vld [tilespmem:s22+$0xFFFFFF70];
	[tilespmem:s22+$0xFFFFFEC0] =	vst v1;
	v1 =	vmul.f32 v44, v23  }
0x35f: {  	v14 =	vbroadcast v14, $0x0;
	v59 =	vld [tilespmem:s22+$0xFFFFFF80];
	v55 =	vmul.f32 v48, v10;
	[tilespmem:s22+$0xFFFFFEF0] =	vst v52  }
0x360: {  	v60 =	vld [tilespmem:s22+$0xFFFFFF90];
	[tilespmem:s22+$0xFFFFFEE0] =	vst v1;
	v1 =	vmul.f32 v47, v10  }
0x361: {  	v62 =	vld [tilespmem:s22+$0xFFFFFFA0];
	v58 =	vmul.f32 v51, v10;
	[tilespmem:s22+$0xFFFFFF10] =	vst v55  }
0x362: {  	v63 =	vld [tilespmem:s22+$0xFFFFFFB0];
	v3 =	vbroadcast v17, $0x0;
	[tilespmem:s22+$0xFFFFFF00] =	vst v1;
	v1 =	vmul.f32 v50, v10  }
0x363: {  	v15 =	vld [tilespmem:s22+$0xFFFFFFC0];
	v61 =	vmul.f32 v54, v10;
	[tilespmem:s22+$0xFFFFFF30] =	vst v58  }
0x364: {  	v19 =	vld [tilespmem:s22+$0xFFFFFFF0];
	[tilespmem:s22+$0xFFFFFF20] =	vst v1;
	v1 =	vmul.f32 v53, v10  }
0x365: {  	v4 =	vld.idx.msk [tilespmem:v14+s4+$0x0], $0xffff;
	v14 =	vmul.f32 v57, v10;
	[tilespmem:s22+$0xFFFFFF50] =	vst v61  }
0x366: {  	v5 =	vld.idx.msk [tilespmem:v22+s4+$0x0], $0xffff;
	[tilespmem:s22+$0xFFFFFF40] =	vst v1;
	v1 =	vmul.f32 v56, v10  }
0x367: {  	v17 =	vmul.f32 v60, v12;
	v22 =	vld [tilespmem:s22+$0x10];
	[tilespmem:s22+$0xFFFFFF70] =	vst v14  }
0x368: {  	v3 =	vld.idx.msk [tilespmem:v3+s4+$0x0], $0xffff;
	[tilespmem:s22+$0xFFFFFF60] =	vst v1;
	v1 =	vmul.f32 v59, v12  }
0x369: {  	v20 =	vmul.f32 v63, v12;
	[tilespmem:s22+$0xFFFFFF90] =	vst v17;
	v18 =	vld [tilespmem:s22+$0xFFFFFFE0]  }
0x36a: {  	v25 =	vld [tilespmem:s22+$0x30];
	[tilespmem:s22+$0xFFFFFF80] =	vst v1;
	v1 =	vmul.f32 v62, v12  }
0x36b: {  	v21 =	vld [tilespmem:s22+$0x0];
	v26 =	vmul.f32 v19, v12;
	[tilespmem:s22+$0xFFFFFFB0] =	vst v20  }
0x36c: {  	v28 =	vld [tilespmem:s22+$0x50];
	[tilespmem:s22+$0xFFFFFFA0] =	vst v1;
	v1 =	vmul.f32 v15, v12  }
0x36d: {  	[tilespmem:s22+$0xFFFFFFF0] =	vst v26;
	v29 =	vmul.f32 v22, v5;
	v13 =	vmul.f32 v24, v3;
	v24 =	vld [tilespmem:s22+$0x20]  }
0x36e: {  	v37 =	vld [tilespmem:s22+$0xB0];
	[tilespmem:s22+$0xFFFFFFC0] =	vst v1;
	v1 =	vmul.f32 v18, v12  }
0x36f: {  	v27 =	vld [tilespmem:s22+$0x40];
	v32 =	vmul.f32 v25, v5;
	[tilespmem:s22+$0x10] =	vst v29  }
0x370: {  	[tilespmem:s22+$0xFFFFFFE0] =	vst v1;
	v1 =	vmul.f32 v21, v5  }
0x371: {  	v30 =	vld [tilespmem:s22+$0x60];
	v35 =	vmul.f32 v28, v5;
	[tilespmem:s22+$0x30] =	vst v32  }
0x372: {  	v45 =	vld [tilespmem:s22+$0x110];
	[tilespmem:s22+$0x0] =	vst v1;
	v1 =	vmul.f32 v24, v5  }
0x373: {  	v33 =	vld [tilespmem:s22+$0x80];
	v43 =	vmul.f32 v37, v4;
	[tilespmem:s22+$0x50] =	vst v35  }
0x374: {  	v48 =	vld [tilespmem:s22+$0x130];
	[tilespmem:s22+$0x20] =	vst v1;
	v1 =	vmul.f32 v27, v5  }
0x375: {  	[tilespmem:s22+$0xB0] =	vst v43;
	v36 =	vld [tilespmem:s22+$0xA0]  }
0x376: {  	v34 =	vld [tilespmem:s22+$0x90];
	[tilespmem:s22+$0x40] =	vst v1;
	v1 =	vmul.f32 v30, v5  }
0x377: {  	v38 =	vld [tilespmem:s22+$0xC0];
	v51 =	vmul.f32 v45, v3;
	[tilespmem:s22+$0x170] =	vst v13  }
0x378: {  	v16 =	vld [tilespmem:s22+$0xFFFFFFD0];
	[tilespmem:s22+$0x60] =	vst v1;
	v1 =	vmul.f32 v33, v4  }
0x379: {  	v41 =	vld [tilespmem:s22+$0xE0];
	v54 =	vmul.f32 v48, v3;
	[tilespmem:s22+$0x110] =	vst v51  }
0x37a: {  	v39 =	vld [tilespmem:s22+$0xD0];
	[tilespmem:s22+$0x80] =	vst v1;
	v1 =	vmul.f32 v36, v4  }
0x37b: {  	[tilespmem:s22+$0x130] =	vst v54;
	v40 =	vmul.f32 v34, v4;
	v44 =	vld [tilespmem:s22+$0x100]  }
0x37c: {  	v50 =	vld [tilespmem:s22+$0x150];
	[tilespmem:s22+$0xA0] =	vst v1;
	v1 =	vmul.f32 v38, v4  }
0x37d: {  	[tilespmem:s22+$0x90] =	vst v40;
	v23 =	vmul.f32 v16, v12;
	v47 =	vld [tilespmem:s22+$0x120]  }
0x37e: {  	v53 =	vld [tilespmem:s22+$0x180];
	[tilespmem:s22+$0xC0] =	vst v1;
	v1 =	vmul.f32 v41, v4  }
0x37f: {  	v49 =	vld [tilespmem:s22+$0x140];
	v46 =	vmul.f32 v39, v4;
	[tilespmem:s22+$0xFFFFFFD0] =	vst v23  }
0x380: {  	v56 =	vld [tilespmem:s22+$0x1A0];
	[tilespmem:s22+$0xE0] =	vst v1;
	v1 =	vmul.f32 v44, v3  }
0x381: {  	v52 =	vld [tilespmem:s22+$0x160];
	[tilespmem:s22+$0xD0] =	vst v46;
	v57 =	vmul.f32 v50, v3  }
0x382: {  	v31 =	vld [tilespmem:s22+$0x70];
	[tilespmem:s22+$0x100] =	vst v1;
	v1 =	vmul.f32 v47, v3  }
0x383: {  	v55 =	vld [tilespmem:s22+$0x190];
	[tilespmem:s22+$0x150] =	vst v57;
	v59 =	vmul.f32 v53, v2  }
0x384: {  	v42 =	vld [tilespmem:s22+$0xF0];
	[tilespmem:s22+$0x120] =	vst v1;
	v1 =	vmul.f32 v49, v3  }
0x385: {  	v58 =	vld [tilespmem:s22+$0x1B0];
	[tilespmem:s22+$0x180] =	vst v59;
	v62 =	vmul.f32 v56, v2  }
0x386: {  	[tilespmem:s22+$0x140] =	vst v1;
	v1 =	vmul.f32 v52, v3;
	v3 =	vld [tilespmem:s22+$0x1C0]  }
0x387: {  	v60 =	vld [tilespmem:s22+$0x1D0];
	[tilespmem:s22+$0x1A0] =	vst v62;
	v5 =	vmul.f32 v31, v5  }
0x388: {  	v61 =	vld [tilespmem:s22+$0x1E0];
	[tilespmem:s22+$0x160] =	vst v1;
	v1 =	vmul.f32 v55, v2  }
0x389: {  	v63 =	vld [tilespmem:s22+$0x1F0];
	[tilespmem:s22+$0x70] =	vst v5;
	v4 =	vmul.f32 v42, v4  }
0x38a: {  	[tilespmem:s22+$0x190] =	vst v1;
	v1 =	vmul.f32 v58, v2  }
0x38b: {  	[tilespmem:s22+$0xF0] =	vst v4;
	v3 =	vmul.f32 v3, v2  }
0x38c: {  	[tilespmem:s22+$0x1B0] =	vst v1;
	v1 =	vmul.f32 v60, v2  }
.Ltmp4:
0x38d: {  	[tilespmem:s22+$0x1C0] =	vst v3;
	v3 =	vmul.f32 v61, v2;
	(pc) =	sbr.rel @p1 .LBB2_12-.Ltmp4, $4  }
0x38e: {  	[tilespmem:s22+$0x1D0] =	vst v1;
	v1 =	vmul.f32 v63, v2  }
0x38f: {  	[tilespmem:s22+$0x1E0] =	vst v3  }
0x390: {  	[tilespmem:s22+$0x1F0] =	vst v1  }
0x391: {  	[spmem:s2] =	stream.indirect.scatter.add.f32 [tilespmem:s25], [sflag:$0x6], $0x80, s13, s31, $0xb8;
	[tilespmem:$0x1FAC0] =	vst v63  }
0x392: {  	_ =	swait.ge [sflag:s15], $0x1800  }
0x393: {  	[sflag:s15] =	ssyncset.done $0x0  }
0x394: {  	[sflag:s15] =	ssyncadd.s32 $0xFFFFE800  }
0x395: {  	v1 =	vld [tilespmem:s20+$0xC0];
	_ =	sdelay $0x4  }
0x396: {  	v2 =	vand.u32 $0xFFFF, v1  }
0x397: {  	v1 =	vshrl.u32 v1, $0x10;
	[tilespmem:$0x5000] =	vst v2  }
0x398: {  	[tilespmem:$0x5180] =	vst v1  }
0x399: {  	v1 =	vld [tilespmem:s20+$0xD0];
	_ =	sdelay $0x4  }
0x39a: {  	v2 =	vand.u32 $0xFFFF, v1  }
0x39b: {  	v1 =	vshrl.u32 v1, $0x10;
	[tilespmem:$0x5010] =	vst v2  }
0x39c: {  	[tilespmem:$0x5190] =	vst v1  }
0x39d: {  	v1 =	vld [tilespmem:s20+$0xE0];
	_ =	sdelay $0x3  }
.Ltmp5:
0x39e: {  	_ = 	snop;
	(pc) =	sbr.rel .LBB2_4-.Ltmp5, $4  }
0x39f: {  	v2 =	vand.u32 $0xFFFF, v1  }
0x3a0: {  	v1 =	vshrl.u32 v1, $0x10;
	[tilespmem:$0x5020] =	vst v2  }
0x3a1: {  	s19 =	sadd.s32 $0x1, s19;
	[tilespmem:$0x51A0] =	vst v1  }
0x3a2: {  	[tilespmem:s1], [sflag:$0x2] =	stream.indirect.gather [hbm4b:s0+s31], $0x80, s3, s31, $0xb8;
	[tilespmem:$0x1FAC0] =	vst v63  }
.LBB2_12:
0x3a3: {  	s8 =	simm.s32 $0x4  }
0x3a4: {  	_ =	swait.ge [sflag:s8], $0x1800  }
0x3a5: {  	[sflag:s8] =	ssyncset.done $0x0  }
0x3a6: {  	[sflag:s8] =	ssyncadd.s32 $0xFFFFE800  }
0x3a7: {  	_ =	swait.ge [sflag:s15], $0x1800  }
0x3a8: {  	[sflag:s15] =	ssyncset.done $0x0  }
0x3a9: {  	s21 =	simm.s32 $0x6;
	[sflag:s15] =	ssyncadd.s32 $0xFFFFE800  }
0x3aa: {  	_ =	swait.ge [sflag:s21], $0x1800  }
0x3ab: {  	s22 =	stileid.u32;
	[sflag:s21] =	ssyncset.done $0x0  }
0x3ac: {  	s14 =	sadd.s32 $0x0, s24;
	s8 =	sshll.u32 s22, $0x6;
	[sflag:s21] =	ssyncadd.s32 $0xFFFFE800  }
0x3ad: {  	s23 =	sshrl.u32 s9, $0x3;
	s18 =	sor.u32 $0x1C07, s8;
	[bflag:$0x0] =	sbarrier.arrive $0xFFFF  }
0x3ae: {  	[hbm:s14], [sflag:s18] =	dma.local [spmem:s23], $0x300  }
0x3af: {  	_ =	swait.ge [sflag:s28], $0x300  }
0x3b0: {  	s20 =	rddreg [dreg:$0xa]  }
0x3b1: {  	s19 =	simm.s32 $0x300;
	s14 =	smov.u32 s20  }
.LBB2_13:
0x3b2: {  	s8 =	sadd.s32 s19, s24;
	[sflag:s28] =	ssyncset.done $0x0;
	p1 =	sne.s32 s19, $0x2400  }
.Ltmp6:
0x3b3: {  	s16 =	sshrl.u32 s14, $0x3;
	[sflag:s28] =	ssyncadd.s32 $0xFFFFFD00;
	(pc) =	sbr.rel @p1 .LBB2_13-.Ltmp6, $3  }
0x3b4: {  	[hbm:s8], [sflag:s18] =	dma.local [spmem:s16], $0x300  }
0x3b5: {  	s19 =	sadd.s32 $0x300, s19;
	_ =	sdelay $0x1  }
0x3b6: {  	s14 =	sadd.s32 $0x1800, s14;
	_ =	swait.ge [sflag:s28], $0x300  }
0x3b7: {  	[sflag:s28] =	ssyncset.done $0x0;
	s16 =	smov.u32 s12;
	s8 =	sshrl.u32 @!p0 s12, $0x3  }
0x3b8: {  	s14 =	simm.s32 @!p0 $0x1FC7;
	s12 =	rddreg [dreg:$0x8];
	[sflag:s28] =	ssyncadd.s32 $0xFFFFFD00  }
0x3b9: {  	[hbm:s12], [sflag:s14] =	dma.local @!p0 [spmem:s8], $0x100  }
0x3ba: {  	s8 =	simm.s32 @!p0 $0x7  }
0x3bb: {  	_ =	swait.ge @!p0 [sflag:s8], $0x100  }
0x3bc: {  	s17 =	sadd.s32 $0x1, s17;
	s23 =	rddreg [dreg:$0x9]  }
0x3bd: {  	p1 =	sne.s32 s17, s23  }
.Ltmp7:
0x3be: {  	_ = 	snop;
	(pc) =	sbr.rel @p1 .LBB2_1-.Ltmp7, $3  }
0x3bf: {  	_ =	sdelay $0x1  }
0x3c0: {  	[sflag:s8] =	ssyncset.done @!p0 $0x0  }
0x3c1: {  	[sflag:s8] =	ssyncadd.s32 @!p0 $0xFFFFFF00  }
0x3c2: {  	_ =	sfence.sel $0x180000  }
0x3c3: {  	[bflag:$0x0] =	sbarrier.arrive $0xFFFF  }
0x3c4: {  	_ =	strace $0x9000004A  }
0x3c5: {  	s0 =	stileid.u32;
	[bflag:$0x2] =	sbarrier.arrive $0xFFFF  }
0x3c6: {  	p0 =	sne.s32 s0, $0x0;
	s0 =	rddreg [dreg:$0x4]  }
0x3c7: {  	s0 =	sadd.s32 @!p0 $0x100000, s0  }
0x3c8: {  	[sflag:s0] =	ssyncadd.tile.s32 @!p0 $0x1;
	_ =	shalt  }
.Lfunc_end2:
_tile_overlayer_lowered:
.L_overlay_start_2:
0x3c9: {  	(tag) =	ssettag $0x2  }
0x3ca: {  	s0 =	rddreg [dreg:$0x0];
	s2 =	stileid.u32  }
0x3cb: {  	s1 =	rddreg [dreg:$0x1];
	p0 =	sne.s32 s2, $0x0  }
0x3cc: {  	s3 =	rddreg [dreg:$0x2];
	[bflag:$0x3] =	sbarrier.arrive $0xFFFF;
	s2 =	simm.s32 @!p0 $0x1C07  }
0x3cd: {  	[timem:s3], [sflag:s2] =	dma.local @!p0 [hbm:s0], s1  }
0x3ce: {  	s0 =	simm.s32 @!p0 $0x7  }
0x3cf: {  	_ =	swait.ge @!p0 [sflag:s0], s1  }
0x3d0: {  	s1 =	ssub.s32 @!p0 $0x0, s1;
	[sflag:s0] =	ssyncset.done @!p0 $0x0  }
0x3d1: {  	[sflag:s0] =	ssyncadd.s32 @!p0 s1  }
0x3d2: {  	[bflag:$0x3] =	sbarrier.arrive $0xFFFF  }
0x3d3: {  	_ =	shalt  }

// kernel: kernel.7.cloned.1.call-start
scs
__scs_entry_jumppad:
0x0: {  	(pc) =	sbr.rel $0x88, $3  }
0x1: {  	(tag) =	ssettag $0x0;
	lr =	simm.s32 $0x1  }
0x2: {  	[smem:$0x3F98] =	sst lr;
	_ =	strace $0xD0000000  }
0x3: {  	_ = 	snop  }
0x4: {  	_ = 	snop  }
0x5: {  	_ = 	snop  }
0x6: {  	_ = 	snop  }
0x7: {  	_ = 	snop  }
__scs_overlays_trampoline_lowered:
0x8: {  	[smem:$0x3FA7] =	sst s0  }
0x9: {  	[smem:$0x3FA8] =	sst s1  }
0xa: {  	[smem:$0x3FA9] =	sst s2  }
0xb: {  	[smem:$0x3FAA] =	sst s3  }
0xc: {  	[smem:$0x3FAB] =	sst s4  }
0xd: {  	[smem:$0x3FAC] =	sst s5  }
0xe: {  	[smem:$0x3FAD] =	sst s6  }
0xf: {  	[smem:$0x3FAE] =	sst s7  }
0x10: {  	[smem:$0x3FAF] =	sst s8  }
0x11: {  	[smem:$0x3FB0] =	sst s9;
	s0 =	simm.s32 @!p0 $0x0  }
0x12: {  	s1 =	sld [smem:$0x3F96];
	s0 =	simm.s32 @p0 $0x1  }
0x13: {  	[smem:$0x3FB1] =	sst s0;
	s0 =	simm.s32 @!p1 $0x0  }
0x14: {  	s2 =	sld [smem:$0x3F95];
	s0 =	simm.s32 @p1 $0x1  }
0x15: {  	[smem:$0x3FB2] =	sst s0;
	s0 =	simm.s32 @!p2 $0x0  }
0x16: {  	s3 =	sld [smem:$0x3FDB];
	s0 =	simm.s32 @p2 $0x1  }
0x17: {  	s4 =	simm.s32 $0x1BF5;
	[smem:$0x3FB4] =	sst s0  }
0x18: {  	s0 =	sld [smem:$0x3F97];
	_ =	swait.ge [sflag:s4], $0x0  }
0x19: {  	s7 =	sld [smem:$0x3F98]  }
0x1a: {  	s8 =	sadd.s32 $0xFFFFE003, lr  }
0x1b: {  	s9 =	sadd.s32 $0xFFFFFEF7, lr;
	s5 =	simm.s32 $0xFFFFFFFF;
	p2 =	slt.u32 s8, $0xFFFFF086  }
0x1c: {  	p1 =	slt.u32 s9, $0xF7A;
	s5 =	simm.s32 @!p2 $0x0  }
0x1d: {  	s5 =	simm.s32 @p1 $0x1;
	p0 =	seq.s32 s7, s2  }
0x1e: {  	s7 =	smul.u32 @!p0 $0xF7A, s2;
	p2 =	seq.s32 @!p0 s5, $0x0  }
0x1f: {  	s9 =	smul.u32 $0xF7A, s1;
	s8 =	simm.s32 @!p0 $0x1BF5;
	p2 =	por !p2, p0  }
0x20: {  	[sflag:s8] =	ssyncset.s32 @!p0 $0xFFFFF086;
	s6 =	sadd.s32 @!p0 s3, s7;
	s7 =	simm.s32 @!p0 $0x108  }
0x21: {  	s3 =	sadd.s32 s3, s9;
	s6 =	sadd.s32 @!p0 $0x88, s6;
	s7 =	simm.s32 @p2 $0x1082  }
0x22: {  	[simem:s7], [sflag:s8] =	dma.local @!p0 [hbm:s6], $0xF7A  }
0x23: {  	s9 =	sor.u32 $0xD0000000, s2;
	s6 =	simm.s32 $0x108;
	_ =	swait.ge @!p0 [sflag:s8], $0x0  }
0x24: {  	s3 =	sadd.s32 $0x88, s3;
	s6 =	simm.s32 @!p1 $0x1082;
	[sflag:s4] =	ssyncset.s32 $0xFFFFF086  }
0x25: {  	[simem:s6], [sflag:s4] =	dma.local [hbm:s3], $0xF7A  }
0x26: {  	[smem:$0x3F98] =	sst s1;
	(tag) =	ssettag s2;
	_ =	strace s9  }
0x27: {  	s1 =	sld [smem:$0x3FA8]  }
0x28: {  	s2 =	sld [smem:$0x3FA9]  }
0x29: {  	s4 =	sld [smem:$0x3FAB]  }
0x2a: {  	p0 =	seq.s32 s5, $0x0;
	s5 =	sld [smem:$0x3FAC]  }
0x2b: {  	s6 =	sld [smem:$0x3FAD]  }
0x2c: {  	s7 =	sld [smem:$0x3FAE]  }
0x2d: {  	s3 =	simm.s32 $0x108;
	s8 =	sld [smem:$0x3FAF]  }
0x2e: {  	s3 =	simm.s32 @!p0 $0x1082;
	s9 =	sld [smem:$0x3FB0]  }
0x2f: {  	lr =	sadd.s32 s0, s3;
	s0 =	sld [smem:$0x3FA7]  }
0x30: {  	s3 =	sld [smem:$0x3FAA]  }
0x31: {  	[smem:$0x3FB3] =	sst s10  }
0x32: {  	s10 =	sld [smem:$0x3FB1];
	_ =	sdelay $0x3  }
0x33: {  	p0 =	seq.s32 s10, $0x1;
	s10 =	sld [smem:$0x3FB3];
	_ =	sdelay $0x3  }
0x34: {  	[smem:$0x3FB3] =	sst s10  }
0x35: {  	s10 =	sld [smem:$0x3FB2];
	_ =	sdelay $0x3  }
0x36: {  	p1 =	seq.s32 s10, $0x1;
	s10 =	sld [smem:$0x3FB3];
	_ =	sdelay $0x3  }
0x37: {  	[smem:$0x3FB3] =	sst s10  }
0x38: {  	s10 =	sld [smem:$0x3FB4]  }
0x39: {  	_ = 	snop;
	(pc) =	sbr.ind lr, $3  }
0x3a: {  	_ = 	snop  }
0x3b: {  	_ = 	snop  }
0x3c: {  	p2 =	seq.s32 s10, $0x1;
	s10 =	sld [smem:$0x3FB3]  }
0x3d: {  	_ =	shalt  }
0x3e: {  	_ =	shalt  }
0x3f: {  	_ =	shalt  }
0x40: {  	_ =	shalt  }
0x41: {  	_ =	shalt  }
0x42: {  	_ =	shalt  }
0x43: {  	_ =	shalt  }
0x44: {  	_ =	shalt  }
0x45: {  	_ =	shalt  }
0x46: {  	_ =	shalt  }
0x47: {  	_ =	shalt  }
0x48: {  	_ =	shalt  }
0x49: {  	_ =	shalt  }
0x4a: {  	_ =	shalt  }
0x4b: {  	_ =	shalt  }
0x4c: {  	_ =	shalt  }
0x4d: {  	_ =	shalt  }
0x4e: {  	_ =	shalt  }
0x4f: {  	_ =	shalt  }
0x50: {  	_ =	shalt  }
0x51: {  	_ =	shalt  }
0x52: {  	_ =	shalt  }
0x53: {  	_ =	shalt  }
0x54: {  	_ =	shalt  }
0x55: {  	_ =	shalt  }
0x56: {  	_ =	shalt  }
0x57: {  	_ =	shalt  }
0x58: {  	_ =	shalt  }
0x59: {  	_ =	shalt  }
0x5a: {  	_ =	shalt  }
0x5b: {  	_ =	shalt  }
0x5c: {  	_ =	shalt  }
0x5d: {  	_ =	shalt  }
0x5e: {  	_ =	shalt  }
0x5f: {  	_ =	shalt  }
0x60: {  	_ =	shalt  }
0x61: {  	_ =	shalt  }
0x62: {  	_ =	shalt  }
0x63: {  	_ =	shalt  }
0x64: {  	_ =	shalt  }
0x65: {  	_ =	shalt  }
0x66: {  	_ =	shalt  }
0x67: {  	_ =	shalt  }
0x68: {  	_ =	shalt  }
0x69: {  	_ =	shalt  }
0x6a: {  	_ =	shalt  }
0x6b: {  	_ =	shalt  }
0x6c: {  	_ =	shalt  }
0x6d: {  	_ =	shalt  }
0x6e: {  	_ =	shalt  }
0x6f: {  	_ =	shalt  }
0x70: {  	_ =	shalt  }
0x71: {  	_ =	shalt  }
0x72: {  	_ =	shalt  }
0x73: {  	_ =	shalt  }
0x74: {  	_ =	shalt  }
0x75: {  	_ =	shalt  }
0x76: {  	_ =	shalt  }
0x77: {  	_ =	shalt  }
0x78: {  	_ =	shalt  }
0x79: {  	_ =	shalt  }
0x7a: {  	_ =	shalt  }
0x7b: {  	_ =	shalt  }
0x7c: {  	_ =	shalt  }
0x7d: {  	_ =	shalt  }
0x7e: {  	_ =	shalt  }
0x7f: {  	_ =	shalt  }
0x80: {  	_ =	shalt  }
0x81: {  	_ =	shalt  }
0x82: {  	_ =	shalt  }
0x83: {  	_ =	shalt  }
0x84: {  	_ =	shalt  }
0x85: {  	_ =	shalt  }
0x86: {  	_ =	shalt  }
0x87: {  	_ =	shalt  }
.Lfunc_end0:
.L_simem_size_0:
called_computation_lowered:
.L_overlay_start_0:
0x88: {  	s2 =	sld [smem:$0x3FD9]  }
0x89: {  	s3 =	sld [smem:$0x3FFE];
	_ =	sdelay $0x1  }
0x8a: {  	s1 =	srdreg.scid  }
0x8b: {  	s0 =	sand.u32 $0x1, s1  }
0x8c: {  	s17 =	sshll.u32 s0, $0xA;
	s2 =	sadd.s32 s3, s2  }
0x8d: {  	s2 =	sadd.s32 s2, s17  }
0x8e: {  	[smem:$0x3FBF] =	sst s2  }
0x8f: {  	_ = 	snop  }
0x90: {  	s2 =	sld [smem:$0x3FC7];
	(tm) =	ssettm $0x1  }
0x91: {  	s18 =	sld [smem:$0x3FFB];
	_ =	sdelay $0x3  }
0x92: {  	_ =	strace s18  }
0x93: {  	s3 =	sld [smem:$0x3FFC];
	_ =	sdelay $0x3  }
0x94: {  	_ =	strace s3  }
0x95: {  	s3 =	sld [smem:$0x3FFD];
	_ =	sdelay $0x3  }
0x96: {  	_ =	strace s3  }
0x97: {  	_ =	strace $0x8FFFFFFF  }
0x98: {  	s19 =	sld [smem:$0x3FDB];
	_ =	sdelay $0x1  }
0x99: {  	s4 =	simm.s32 $_scs_section_size  }
0x9a: {  	s5 =	simm.s32 $_size__tile_overlayer_lowered;
	s6 =	simm.s32 $_tile_overlayer_lowered  }
0x9b: {  	s22 =	simm.s32 $0x1BFF;
	s21 =	sshll.u32 s6, $0x1;
	s3 =	sadd.s32 s4, s19  }
0x9c: {  	s7 =	simm.s32 $0x0;
	s20 =	sshll.u32 s5, $0x1;
	s5 =	sadd.s32 s21, s3  }
0x9d: {  	[timem:s7], [sflag:s22] =	dma.local [hbm:s5], s20  }
0x9e: {  	_ =	swait.ge [sflag:s22], s20  }
0x9f: {  	s4 =	ssub.s32 $0x0, s20;
	[sflag:s22] =	ssyncset.done $0x0  }
0xa0: {  	[sflag:s22] =	ssyncadd.s32 s4;
	_ =	sdelay $0x1  }
0xa1: {  	s23 =	simm.s32 $0x1B8B  }
0xa2: {  	_ =	swait.ge [sflag:s23], $0x1  }
0xa3: {  	[sflag:s23] =	ssyncset.done $0x0  }
0xa4: {  	s25 =	simm.s32 $0x1B8E;
	s24 =	sld [smem:$0x3FFE];
	[sflag:s23] =	ssyncadd.s32 $0xFFFFFFFF  }
0xa5: {  	s26 =	simm.s32 $execute0_lowered;
	[smem:$0x3FD2] =	sst s25  }
0xa6: {  	s5 =	sshll.u32 s26, $0x1;
	_ =	strace $0x80000046;
	[dreg:$0x1] =	wrdreg $0xFFFFFFFF  }
0xa7: {  	s28 =	simm.s32 $_size_execute0_lowered;
	s3 =	sadd.s32 s3, s5;
	[dreg:$0x0] =	wrdreg $0x0  }
0xa8: {  	s5 =	sshll.u32 s28, $0x1;
	[dreg:$0x2] =	wrdreg s3  }
0xa9: {  	[dreg:$0x3] =	wrdreg s5  }
0xaa: {  	[dreg:$0x4] =	wrdreg $0xC0  }
0xab: {  	_ =	task [dreg:s7], $0x5FFFF  }
0xac: {  	[dreg:$0x1] =	wrdreg $0xFFFFFFFF  }
0xad: {  	[dreg:$0x0] =	wrdreg $0x60  }
0xae: {  	[dreg:$0x2] =	wrdreg s24  }
0xaf: {  	[dreg:$0x3] =	wrdreg s2  }
0xb0: {  	[dreg:$0x4] =	wrdreg $0x9  }
0xb1: {  	_ =	task.clear_ibuf [dreg:s7], $0x5FFFF;
	_ =	strace $0x90000046  }
0xb2: {  	s29 =	simm.s32 $0x9;
	_ =	strace $0x80000048  }
0xb3: {  	_ =	swait.ge [sflag:s29], $0x1  }
0xb4: {  	[sflag:s29] =	ssyncadd.s32 $0xFFFFFFFF  }
0xb5: {  	_ =	strace $0x90000048  }
0xb6: {  	_ =	sfence  }
0xb7: {  	s30 =	sld [smem:$0x0];
	_ =	sdelay $0x2  }
0xb8: {  	s31 =	sshll.u32 s1, $0xD;
	s1 =	sshrl.u32 s1, $0x2  }
0xb9: {  	s3 =	sand.u32 $0x4000, s31;
	s1 =	sadd.s32 s1, s30  }
0xba: {  	s0 =	sor.u32 s3, s0;
	s1 =	sshll.u32 s1, $0x11  }
0xbb: {  	s0 =	sor.u32 s1, s0  }
0xbc: {  	s0 =	sadd.s32 $0x8F2B, s0  }
0xbd: {  	[sflag:s0] =	ssyncadd.remote.s32 $0x1  }
0xbe: {  	_ =	sfence.sel $0xFFFF  }
0xbf: {  	[dreg:$0x0] =	wrdreg $0xFFFFFFFF;
	(pc) =	sbr.abs _section_cstart, $3  }
0xc0: {  	[dreg:$0x1] =	wrdreg $0xFFFFFFFF  }
0xc1: {  	_ =	task.clear_ibuf [dreg:s7], $0x2FFFF;
	_ =	strace $0x9FFFFFFF  }
0xc2: {  	(tm) =	ssettm $0x7FFFFFFF  }
0xc3: {  	_ =	shalt  }
tec
execute0_lowered:
.L_overlay_start_1:
0x0: {  	(tag) =	ssettag $0x1  }
0x1: {  	s1 =	srdreg.scid;
	s0 =	stileid.u32  }
0x2: {  	s3 =	rddreg [dreg:$0x0];
	s4 =	sand.u32 $0x1, s1;
	s30 =	sshll.u32 s0, $0x1  }
0x3: {  	s5 =	rddreg [dreg:$0x1];
	s2 =	simm.s32 $0x0;
	s6 =	sor.u32 s4, s30  }
0x4: {  	s10 =	simm.s32 $0x0;
	s4 =	ssub.s32 $0x2, s4;
	s7 =	smul.u32 $0x4E2, s6  }
0x5: {  	[smem:$0x7FF] =	sst s2;
	s6 =	smul.u32 $0x2780, s6;
	s31 =	sshrl.u32 s4, $0x1  }
0x6: {  	s1 =	rddreg [dreg:$0x2];
	_ =	strace $0x80000047;
	s9 =	ssub.s32 s4, s31  }
0x7: {  	s8 =	sadd.s32 s7, s3;
	s6 =	sadd.s32 s6, s3;
	s4 =	sadd.s32 s5, s7  }
0x8: {  	s7 =	simm.s32 $0x13C00;
	s3 =	sadd.s32 $0x1E00, s8;
	s5 =	sadd.s32 $0xBC00, s6  }
0x9: {  	v0 =	vimm.f32 $0.0e+00;
	s6 =	smax.u32 s9, $0x1;
	s8 =	simm.s32 $0x1;
	s9 =	simm.s32 $0x16380  }
.LBB2_1:
0xa: {  	[tilespmem:s7], [sflag:$0x1] =	stream.linear.gather [hbm4b:s3+s2], $0x2710, $0x38;
	[tilespmem:$0x18B00] =	vst v63  }
0xb: {  	_ =	swait.ge [sflag:s8], $0x2710  }
0xc: {  	[sflag:s8] =	ssyncset.done $0x0  }
0xd: {  	[sflag:s8] =	ssyncadd.s32 $0xFFFFD8F0  }
0xe: {  	[tilespmem:s9], [sflag:$0x1] =	stream.linear.gather [hbm4b:s4+s2], $0x2710, $0x38;
	[tilespmem:$0x18B00] =	vst v63  }
0xf: {  	_ =	swait.ge [sflag:s8], $0x2710  }
0x10: {  	[sflag:s8] =	ssyncset.done $0x0  }
0x11: {  	s11 =	simm.s32 $0x200;
	[sflag:s8] =	ssyncadd.s32 $0xFFFFD8F0  }
0x12: {  	[tilespmem:s11+$0xFFFFFE00] =	vst v0  }
0x13: {  	[tilespmem:s11+$0x180] =	vst v0  }
0x14: {  	[tilespmem:s11+$0x100] =	vst v0  }
0x15: {  	[tilespmem:s11+$0x80] =	vst v0  }
0x16: {  	[tilespmem:s11+$0x0] =	vst v0  }
0x17: {  	[tilespmem:s11+$0xFFFFFF80] =	vst v0  }
0x18: {  	s12 =	simm.s32 $0x0;
	[tilespmem:s11+$0xFFFFFF00] =	vst v0  }
.LBB2_2:
0x19: {  	s12 =	sadd.s32 $0x8, s12;
	[tilespmem:s11+$0xFFFFFE80] =	vst v0;
	s11 =	sadd.s32 $0x400, s11  }
0x1a: {  	[tilespmem:s11+$0xFFFFFE00] =	vst v0;
	p0 =	slt.u32 s12, $0x268  }
0x1b: {  	[tilespmem:s11+$0x180] =	vst v0  }
.Ltmp0:
0x1c: {  	[tilespmem:s11+$0x100] =	vst v0;
	(pc) =	sbr.rel @p0 .LBB2_2-.Ltmp0, $4  }
0x1d: {  	[tilespmem:s11+$0x80] =	vst v0  }
0x1e: {  	[tilespmem:s11+$0x0] =	vst v0  }
0x1f: {  	[tilespmem:s11+$0xFFFFFF80] =	vst v0  }
0x20: {  	[tilespmem:s11+$0xFFFFFF00] =	vst v0  }
0x21: {  	[tilespmem:s11+$0xFFFFFE80] =	vst v0  }
0x22: {  	s31 =	simm.s32 $0x13C20;
	[tilespmem:$0x13800] =	vst v0  }
0x23: {  	v1 =	vld [tilespmem:s31+$0x10]  }
0x24: {  	v5 =	vld [tilespmem:s31+$0xFFFFFFF0]  }
0x25: {  	v6 =	vld [tilespmem:s31+$0x0]  }
0x26: {  	v4 =	vld [tilespmem:s31+$0xFFFFFFE0];
	_ =	sdelay $0x1  }
0x27: {  	v2 =	vshll.u32 v1, $0x3  }
0x28: {  	s11 =	simm.s32 $0x163A0;
	v3 =	vshll.u32 v5, $0x3;
	v1 =	vand.u32 $0xF, v1;
	v7 =	vand.u32 $0xFFFFFF80, v2  }
0x29: {  	v8 =	vshll.u32 v6, $0x3;
	v9 =	vand.u32 $0xFFFFFF80, v3;
	v2 =	vld [tilespmem:s11+$0x10];
	v3 =	vor.u32 v1, v7  }
0x2a: {  	v5 =	vand.u32 $0xF, v5;
	v1 =	vld [tilespmem:s11+$0xFFFFFFE0];
	v7 =	vand.u32 $0xF, v4;
	v4 =	vshll.u32 v4, $0x3  }
0x2b: {  	v6 =	vand.u32 $0xF, v6;
	v10 =	vand.u32 $0xFFFFFF80, v8;
	v8 =	vand.u32 $0xFFFFFF80, v4;
	v4 =	vld [tilespmem:s11+$0xFFFFFFF0]  }
0x2c: {  	s12 =	simm.s32 $0x0;
	s13 =	simm.s32 $0x13C60;
	v6 =	vor.u32 v6, v10;
	v8 =	vor.u32 v7, v8;
	v7 =	vor.u32 v5, v9;
	v5 =	vld [tilespmem:s11+$0x0]  }
.LBB2_4:
0x2d: {  	v9 =	vld [tilespmem:s13+$0x10]  }
0x2e: {  	s12 =	sadd.s32 $0x40, s12;
	[tilespmem:v3+s2+$0x0] =	vst.idx.add.f32.msk $0xffff, v2  }
0x2f: {  	p0 =	slt.u32 s12, $0x26C0;
	v10 =	vld [tilespmem:s13+$0xFFFFFFF0]  }
0x30: {  	v11 =	vld [tilespmem:s13+$0x0]  }
0x31: {  	v12 =	vld [tilespmem:s13+$0xFFFFFFE0]  }
0x32: {  	[tilespmem:v8+s2+$0x0] =	vst.idx.add.f32.msk $0xffff, v1  }
0x33: {  	v1 =	vshll.u32 v9, $0x3;
	[tilespmem:v7+s2+$0x0] =	vst.idx.add.f32.msk $0xffff, v4  }
.Ltmp1:
0x34: {  	s11 =	sadd.s32 $0x40, s11;
	v3 =	vand.u32 $0xF, v9;
	v1 =	vand.u32 $0xFFFFFF80, v1;
	v2 =	vshll.u32 v10, $0x3;
	[tilespmem:v6+s2+$0x0] =	vst.idx.add.f32.msk $0xffff, v5;
	(pc) =	sbr.rel @p0 .LBB2_4-.Ltmp1, $4  }
0x35: {  	v3 =	vor.u32 v3, v1;
	v5 =	vand.u32 $0xFFFFFF80, v2;
	v4 =	vshll.u32 v11, $0x3;
	v2 =	vld [tilespmem:s11+$0x10]  }
0x36: {  	v1 =	vld [tilespmem:s11+$0xFFFFFFE0];
	v6 =	vand.u32 $0xF, v12;
	v7 =	vshll.u32 v12, $0x3;
	v9 =	vand.u32 $0xFFFFFF80, v4  }
0x37: {  	v10 =	vand.u32 $0xF, v10;
	v11 =	vand.u32 $0xF, v11;
	v7 =	vand.u32 $0xFFFFFF80, v7;
	v4 =	vld [tilespmem:s11+$0xFFFFFFF0]  }
0x38: {  	s13 =	sadd.s32 $0x40, s13;
	v8 =	vor.u32 v6, v7;
	v7 =	vor.u32 v10, v5;
	v5 =	vld [tilespmem:s11+$0x0];
	v6 =	vor.u32 v11, v9  }
0x39: {  	_ =	sdelay $0x3  }
0x3a: {  	[tilespmem:v3+s2+$0x0] =	vst.idx.add.f32.msk $0xffff, v2  }
0x3b: {  	[tilespmem:v8+s2+$0x0] =	vst.idx.add.f32.msk $0xffff, v1  }
0x3c: {  	[tilespmem:v7+s2+$0x0] =	vst.idx.add.f32.msk $0xffff, v4  }
0x3d: {  	[tilespmem:v6+s2+$0x0] =	vst.idx.add.f32.msk $0xffff, v5  }
0x3e: {  	v1 =	vld [tilespmem:$0x16300];
	_ =	sdelay $0x4  }
0x3f: {  	v2 =	vshll.u32 v1, $0x3  }
0x40: {  	v1 =	vand.u32 $0xF, v1;
	v2 =	vand.u32 $0xFFFFFF80, v2  }
0x41: {  	v3 =	vld [tilespmem:$0x18A80];
	v1 =	vor.u32 v1, v2;
	_ =	sdelay $0x2  }
0x42: {  	s10 =	sadd.s32 $0x1, s10  }
0x43: {  	p0 =	sne.s32 s10, s6  }
.Ltmp2:
0x44: {  	[tilespmem:v1+s2+$0x0] =	vst.idx.add.f32.msk $0xffff, v3;
	(pc) =	sbr.rel @p0 .LBB2_1-.Ltmp2, $4  }
0x45: {  	[hbm4b:s5+s2] =	stream.linear.scatter [tilespmem:s2], [sflag:$0x1], $0x13880, $0x38;
	[tilespmem:$0x18B00] =	vst v63  }
0x46: {  	_ =	swait.ge [sflag:s8], $0x13880  }
0x47: {  	[sflag:s8] =	ssyncset.done $0x0  }
0x48: {  	[sflag:s8] =	ssyncadd.s32 $0xFFFEC780  }
0x49: {  	_ =	sfence.sel $0x180000  }
0x4a: {  	[bflag:$0x0] =	sbarrier.arrive $0xFFFF  }
0x4b: {  	p0 =	sne.s32 s0, $0x0;
	_ =	strace $0x90000047  }
0x4c: {  	s0 =	sadd.s32 @!p0 $0x100000, s1;
	[bflag:$0x2] =	sbarrier.arrive $0xFFFF  }
0x4d: {  	[sflag:s0] =	ssyncadd.tile.s32 @!p0 $0x1;
	_ =	shalt  }
.Lfunc_end2:
_tile_overlayer_lowered:
.L_overlay_start_2:
0x4e: {  	(tag) =	ssettag $0x2  }
0x4f: {  	s0 =	rddreg [dreg:$0x0];
	s2 =	stileid.u32  }
0x50: {  	s1 =	rddreg [dreg:$0x1];
	p0 =	sne.s32 s2, $0x0  }
0x51: {  	s3 =	rddreg [dreg:$0x2];
	[bflag:$0x3] =	sbarrier.arrive $0xFFFF;
	s2 =	simm.s32 @!p0 $0x1C01  }
0x52: {  	[timem:s3], [sflag:s2] =	dma.local @!p0 [hbm:s0], s1  }
0x53: {  	s0 =	simm.s32 @!p0 $0x1  }
0x54: {  	_ =	swait.ge @!p0 [sflag:s0], s1  }
0x55: {  	s1 =	ssub.s32 @!p0 $0x0, s1;
	[sflag:s0] =	ssyncset.done @!p0 $0x0  }
0x56: {  	[sflag:s0] =	ssyncadd.s32 @!p0 s1  }
0x57: {  	[bflag:$0x3] =	sbarrier.arrive $0xFFFF  }
0x58: {  	_ =	shalt  }

</sc_bundles>
